<compile_context>
chip_gen: v7x
topology: tpu7x:2x2x1
jax: 0.10.2.dev20260603
libtpu: 0.0.44.dev20260713+nightly
codegen_flags: <defaults>
</compile_context>

<pallas_src>
import jax
import jax.numpy as jnp
import numpy as np
from jax import lax
from jax.experimental import pallas as pl
from jax.experimental.pallas import tpu as pltpu
from jax.experimental.pallas import tpu_sc as plsc

N = 10000
E = 320000
D = 128

NTILE = 32
NP = 10240
EP = 327680
EPW = EP // NTILE
BLK = 128
NBLK = EPW // BLK
RPT = NP // 16

_MESH = plsc.VectorSubcoreMesh(core_axis_name="c", subcore_axis_name="s")


def _sc_deg_body(dst_ref, ones_ref, zeros_ref, deg0_ref, deg1_ref,
                 iv0, iv1, ones_v, deg_sh, is0, is1):
    c = lax.axis_index("c")
    s = lax.axis_index("s")
    iv = (iv0, iv1)
    isem = (is0, is1)
    pltpu.sync_copy(zeros_ref.at[pl.ds(s * RPT, RPT)],
                    deg_sh.at[pl.ds(s * RPT, RPT)])
    pltpu.sync_copy(ones_ref, ones_v)
    plsc.subcore_barrier()
    base_blk = (c * 16 + s) * NBLK

    def idx_issue(m, blk):
        pltpu.async_copy(dst_ref.at[pl.ds((base_blk + blk) * BLK, BLK)],
                         iv[m], isem[m])

    def idx_wait(m):
        pltpu.make_async_copy(dst_ref.at[pl.ds(0, BLK)], iv[m],
                              isem[m]).wait()

    idx_issue(0, 0)
    idx_issue(1, 1)

    def step(j, carry):
        for t in range(2):
            i = 2 * j + t
            idx_wait(t)
            pltpu.sync_copy(ones_v, deg_sh.at[iv[t]], add=True)

            @pl.when(j < NBLK // 2 - 1)
            def _():
                idx_issue(t, i + 2)

        return carry

    lax.fori_loop(0, NBLK // 2, step, 0)
    plsc.subcore_barrier()

    @pl.when(c == 0)
    def _():
        pltpu.sync_copy(deg_sh.at[pl.ds(s * RPT, RPT)],
                        deg0_ref.at[pl.ds(s * RPT, RPT)])

    @pl.when(c == 1)
    def _():
        pltpu.sync_copy(deg_sh.at[pl.ds(s * RPT, RPT)],
                        deg1_ref.at[pl.ds(s * RPT, RPT)])


_sc_deg = pl.kernel(
    _sc_deg_body,
    out_type=(jax.ShapeDtypeStruct((NP,), jnp.float32),
              jax.ShapeDtypeStruct((NP,), jnp.float32)),
    mesh=_MESH,
    scratch_types=[
        pltpu.VMEM((BLK,), jnp.int32),
        pltpu.VMEM((BLK,), jnp.int32),
        pltpu.VMEM((BLK,), jnp.float32),
        pltpu.VMEM_SHARED((NP,), jnp.float32),
        pltpu.SemaphoreType.DMA,
        pltpu.SemaphoreType.DMA,
    ],
)


def _sc_hop_body(h_ref, zeros_ref, src_ref, dst_ref, pa_ref, pb_ref,
                 sv0, sv1, sv2, sv3, sv4, sv5, sv6, sv7,
                 dv0, dv1, dv2, dv3, dv4, dv5, dv6, dv7,
                 rows0, rows1, acc_sh,
                 is0, is1, is2, is3, is4, is5, is6, is7, gs0, gs1):
    c = lax.axis_index("c")
    s = lax.axis_index("s")
    src_v = (sv0, sv1, sv2, sv3, sv4, sv5, sv6, sv7)
    dst_v = (dv0, dv1, dv2, dv3, dv4, dv5, dv6, dv7)
    rows = (rows0, rows1)
    isem = (is0, is1, is2, is3, is4, is5, is6, is7)
    gsem = (gs0, gs1)
    pltpu.sync_copy(zeros_ref.at[pl.ds(s * RPT, RPT)],
                    acc_sh.at[pl.ds(s * RPT, RPT)])
    plsc.subcore_barrier()
    base_blk = (c * 16 + s) * NBLK

    def idx_issue(m, blk):
        off = (base_blk + blk) * BLK
        pltpu.async_copy(src_ref.at[pl.ds(off, BLK)], src_v[m], isem[m])
        pltpu.async_copy(dst_ref.at[pl.ds(off, BLK)], dst_v[m], isem[m])

    def idx_wait(m):
        pltpu.make_async_copy(src_ref.at[pl.ds(0, BLK)], src_v[m],
                              isem[m]).wait()
        pltpu.make_async_copy(dst_ref.at[pl.ds(0, BLK)], dst_v[m],
                              isem[m]).wait()

    def gather_issue(k, m):
        pltpu.async_copy(h_ref.at[src_v[m]], rows[k], gsem[k])

    def gather_wait(k, m):
        pltpu.make_async_copy(h_ref.at[src_v[m]], rows[k], gsem[k]).wait()

    for t in range(8):
        idx_issue(t, t)
    for t in range(2):
        idx_wait(t)
        gather_issue(t, t)

    def step(j, carry):
        for t in range(8):
            i = 8 * j + t
            k = t % 2
            m2 = (t + 2) % 8
            gather_wait(k, t)
            pltpu.sync_copy(rows[k], acc_sh.at[dst_v[t]], add=True)

            @pl.when(j < NBLK // 8 - 1)
            def _():
                idx_issue(t, i + 8)

            if t < 6:
                idx_wait(m2)
                gather_issue(k, m2)
            else:
                @pl.when(j < NBLK // 8 - 1)
                def _():
                    idx_wait(m2)
                    gather_issue(k, m2)

        return carry

    lax.fori_loop(0, NBLK // 8, step, 0)
    plsc.subcore_barrier()

    @pl.when(c == 0)
    def _():
        pltpu.sync_copy(acc_sh.at[pl.ds(s * RPT, RPT)],
                        pa_ref.at[pl.ds(s * RPT, RPT)])

    @pl.when(c == 1)
    def _():
        pltpu.sync_copy(acc_sh.at[pl.ds(s * RPT, RPT)],
                        pb_ref.at[pl.ds(s * RPT, RPT)])


_sc_hop = pl.kernel(
    _sc_hop_body,
    out_type=(jax.ShapeDtypeStruct((NP, D), jnp.float32),
              jax.ShapeDtypeStruct((NP, D), jnp.float32)),
    mesh=_MESH,
    scratch_types=(
        [pltpu.VMEM((BLK,), jnp.int32)] * 16
        + [pltpu.VMEM((BLK, D), jnp.float32)] * 2
        + [pltpu.VMEM_SHARED((NP, D), jnp.float32)]
        + [pltpu.SemaphoreType.DMA] * 10
    ),
)


R = 2048
G = NP // R


def _tc_scale_in_body(d0_ref, d1_ref, x_ref, y_ref):
    deg = d0_ref[...] + d1_ref[...] + 1.0
    y_ref[...] = x_ref[...] * lax.rsqrt(deg)


_tc_scale_in = pl.pallas_call(
    _tc_scale_in_body,
    grid=(G,),
    in_specs=[pl.BlockSpec((R, 1), lambda i: (i, 0)),
              pl.BlockSpec((R, 1), lambda i: (i, 0)),
              pl.BlockSpec((R, D), lambda i: (i, 0))],
    out_specs=pl.BlockSpec((R, D), lambda i: (i, 0)),
    out_shape=jax.ShapeDtypeStruct((NP, D), jnp.float32),
)


def _tc_mid_body(d0_ref, d1_ref, pa_ref, pb_ref, y_ref, h1_ref):
    deg = d0_ref[...] + d1_ref[...] + 1.0
    h1_ref[...] = (pa_ref[...] + pb_ref[...] + y_ref[...]) / deg


_tc_mid = pl.pallas_call(
    _tc_mid_body,
    grid=(G,),
    in_specs=[pl.BlockSpec((R, 1), lambda i: (i, 0)),
              pl.BlockSpec((R, 1), lambda i: (i, 0)),
              pl.BlockSpec((R, D), lambda i: (i, 0)),
              pl.BlockSpec((R, D), lambda i: (i, 0)),
              pl.BlockSpec((R, D), lambda i: (i, 0))],
    out_specs=pl.BlockSpec((R, D), lambda i: (i, 0)),
    out_shape=jax.ShapeDtypeStruct((NP, D), jnp.float32),
)


RF = 2000
GF = N // RF


def _tc_final_body(d0_ref, d1_ref, pa_ref, pb_ref, h1_ref, w_ref, b_ref, o_ref):
    deg = d0_ref[...] + d1_ref[...] + 1.0
    h2 = (pa_ref[...] + pb_ref[...] + h1_ref[...]) * lax.rsqrt(deg)
    o = jnp.dot(h2, w_ref[...], preferred_element_type=jnp.float32) + b_ref[...]
    m = jnp.max(o, axis=-1, keepdims=True)
    e = o - m
    o_ref[...] = e - jnp.log(jnp.sum(jnp.exp(e), axis=-1, keepdims=True))


_tc_final = pl.pallas_call(
    _tc_final_body,
    grid=(GF,),
    in_specs=[pl.BlockSpec((RF, 1), lambda i: (i, 0)),
              pl.BlockSpec((RF, 1), lambda i: (i, 0)),
              pl.BlockSpec((RF, D), lambda i: (i, 0)),
              pl.BlockSpec((RF, D), lambda i: (i, 0)),
              pl.BlockSpec((RF, D), lambda i: (i, 0)),
              pl.BlockSpec((D, D), lambda i: (0, 0)),
              pl.BlockSpec((1, D), lambda i: (0, 0))],
    out_specs=pl.BlockSpec((RF, D), lambda i: (i, 0)),
    out_shape=jax.ShapeDtypeStruct((N, D), jnp.float32),
)


def kernel(x, edge_index, W, b):
    x_pad = jnp.pad(x, ((0, NP - N), (0, 0)))
    fill = jnp.asarray(N + np.arange(EP - E, dtype=np.int32) % (NP - N))
    src = jnp.concatenate([edge_index[0].astype(jnp.int32), fill])
    dst = jnp.concatenate([edge_index[1].astype(jnp.int32), fill])
    zeros2d = jnp.zeros((NP, D), jnp.float32)
    zeros1d = jnp.zeros((NP,), jnp.float32)
    ones_blk = jnp.ones((BLK,), jnp.float32)

    deg0, deg1 = _sc_deg(dst, ones_blk, zeros1d)
    d0 = deg0.reshape(NP, 1)
    d1 = deg1.reshape(NP, 1)
    y = _tc_scale_in(d0, d1, x_pad)
    p1a, p1b = _sc_hop(y, zeros2d, src, dst)
    h1 = _tc_mid(d0, d1, p1a, p1b, y)
    p2a, p2b = _sc_hop(h1, zeros2d, src, dst)
    return _tc_final(d0, d1, p2a, p2b, h1, W, b.reshape(1, D))

# --- scband reference (transcript-rebuilt; emitter-appended) ---
"""Pipeline reference for scband-sgc-17952963297697 (READ-ONLY COPY).

The authoritative reference and input builder live on the scoring server;
editing this copy changes nothing except your own understanding.
"""

import jax, jax.numpy as jnp
import numpy as np

N_NODES = 10000
N_EDGES = 320000
D_IN = 128
D_OUT = 128
K_HOPS = 2


def setup_inputs(seed: int = 0) -> dict:
    key = jax.random.key(seed)
    k1, k2, k3 = jax.random.split(key, 3)
    x = jax.random.normal(k1, (N_NODES, D_IN), dtype=jnp.float32)
    edge_index = jax.random.randint(k2, (2, N_EDGES), 0, N_NODES, dtype=jnp.int32)
    # SGConv linear layer parameters (weight + bias)
    W = jax.random.normal(k3, (D_IN, D_OUT), dtype=jnp.float32) * (1.0 / np.sqrt(D_IN))
    b = jnp.zeros((D_OUT,), dtype=jnp.float32)
    return {"x": x, "edge_index": edge_index, "W": W, "b": b}


def reference(x, edge_index, W, b):
    n = x.shape[0]
    # gcn_norm with self-loops: A_hat = D^-1/2 (A + I) D^-1/2
    loop = jnp.arange(n, dtype=edge_index.dtype)
    src = jnp.concatenate([edge_index[0], loop])
    dst = jnp.concatenate([edge_index[1], loop])
    deg = jnp.zeros((n,), dtype=x.dtype).at[dst].add(1.0)
    deg_inv_sqrt = jnp.where(deg > 0, 1.0 / jnp.sqrt(deg), 0.0)
    norm = deg_inv_sqrt[src] * deg_inv_sqrt[dst]
    # K=2 propagation steps (gather + scatter-add)
    h = x
    for _ in range(K_HOPS):
        msgs = norm[:, None] * h[src]
        h = jnp.zeros_like(h).at[dst].add(msgs)
    out = h @ W + b
    return jax.nn.log_softmax(out, axis=-1)

if __name__ == "__main__":
    import jax
    _d = setup_inputs()
    print(jax.jit(kernel)(*tuple(_d.values())))

</pallas_src>

<mosaic_0001>
#map = affine_map<(d0, d1) -> (0, 0)>
#map1 = affine_map<(d0, d1) -> (0)>
module attributes {stable_mosaic.version = 14 : i64} {
  func.func @_sc_hop_body(%arg0: i32, %arg1: i32, %arg2: memref<10240x128xf32, #tpu.memory_space<hbm>>, %arg3: memref<10240x128xf32, #tpu.memory_space<hbm>>, %arg4: memref<327680xi32, #tpu.memory_space<hbm>>, %arg5: memref<327680xi32, #tpu.memory_space<hbm>>, %arg6: memref<10240x128xf32, #tpu.memory_space<hbm>>, %arg7: memref<10240x128xf32, #tpu.memory_space<hbm>>, %arg8: memref<128xi32, #tpu.memory_space<vmem>>, %arg9: memref<128xi32, #tpu.memory_space<vmem>>, %arg10: memref<128xi32, #tpu.memory_space<vmem>>, %arg11: memref<128xi32, #tpu.memory_space<vmem>>, %arg12: memref<128xi32, #tpu.memory_space<vmem>>, %arg13: memref<128xi32, #tpu.memory_space<vmem>>, %arg14: memref<128xi32, #tpu.memory_space<vmem>>, %arg15: memref<128xi32, #tpu.memory_space<vmem>>, %arg16: memref<128xi32, #tpu.memory_space<vmem>>, %arg17: memref<128xi32, #tpu.memory_space<vmem>>, %arg18: memref<128xi32, #tpu.memory_space<vmem>>, %arg19: memref<128xi32, #tpu.memory_space<vmem>>, %arg20: memref<128xi32, #tpu.memory_space<vmem>>, %arg21: memref<128xi32, #tpu.memory_space<vmem>>, %arg22: memref<128xi32, #tpu.memory_space<vmem>>, %arg23: memref<128xi32, #tpu.memory_space<vmem>>, %arg24: memref<128x128xf32, #tpu.memory_space<vmem>>, %arg25: memref<128x128xf32, #tpu.memory_space<vmem>>, %arg26: memref<10240x128xf32, #tpu.memory_space<vmem_shared>>, %arg27: memref<!tpu.dma_semaphore, #tpu.memory_space<semaphore_mem>>, %arg28: memref<!tpu.dma_semaphore, #tpu.memory_space<semaphore_mem>>, %arg29: memref<!tpu.dma_semaphore, #tpu.memory_space<semaphore_mem>>, %arg30: memref<!tpu.dma_semaphore, #tpu.memory_space<semaphore_mem>>, %arg31: memref<!tpu.dma_semaphore, #tpu.memory_space<semaphore_mem>>, %arg32: memref<!tpu.dma_semaphore, #tpu.memory_space<semaphore_mem>>, %arg33: memref<!tpu.dma_semaphore, #tpu.memory_space<semaphore_mem>>, %arg34: memref<!tpu.dma_semaphore, #tpu.memory_space<semaphore_mem>>, %arg35: memref<!tpu.dma_semaphore, #tpu.memory_space<semaphore_mem>>, %arg36: memref<!tpu.dma_semaphore, #tpu.memory_space<semaphore_mem>>) attributes {dimension_semantics = [#tpu.dimension_semantics<core_parallel>, #tpu.dimension_semantics<subcore_parallel>], iteration_bounds = array<i64: 2, 16>, scalar_prefetch = 0 : i64, scratch_operands = 29 : i64, tpu.core_type = #tpu.core_type<sc_vector_subcore>, window_params = [{transform_indices = #map}, {transform_indices = #map}, {transform_indices = #map1}, {transform_indices = #map1}, {transform_indices = #map}, {transform_indices = #map}]} {
    %mul3A = arith.constant 640 : i32
    %mul3A_0 = arith.muli %arg1, %mul3A : i32
    %mul3A_1 = arith.constant 640 : i32
    %mul3A_2 = arith.muli %arg1, %mul3A_1 : i32
    "tpu.region"() ({
      %run_scoped3A = tpu.sem_alloc : memref<!tpu.dma_semaphore, #tpu.memory_space<semaphore_mem>>
      %dma_start3A_104 = arith.constant 0 : i32
      %dma_start3A_105 = tpu.memref_slice %arg26[%mul3A_2, %dma_start3A_104] : memref<10240x128xf32, #tpu.memory_space<vmem_shared>> -> memref<640x128xf32, #tpu.memory_space<vmem_shared>>
      %dma_start3A_106 = arith.constant 0 : i32
      %dma_start3A_107 = tpu.memref_slice %arg3[%mul3A_0, %dma_start3A_106] : memref<10240x128xf32, #tpu.memory_space<hbm>> -> memref<640x128xf32, #tpu.memory_space<hbm>>
      tpu.enqueue_dma source(%dma_start3A_107 : memref<640x128xf32, #tpu.memory_space<hbm>>) target(%dma_start3A_105 : memref<640x128xf32, #tpu.memory_space<vmem_shared>>) target_semaphore(%run_scoped3A : memref<!tpu.dma_semaphore, #tpu.memory_space<semaphore_mem>>)
      %dma_wait3A_108 = arith.constant 0 : i32
      %dma_wait3A_109 = tpu.memref_slice %arg26[%mul3A_2, %dma_wait3A_108] : memref<10240x128xf32, #tpu.memory_space<vmem_shared>> -> memref<640x128xf32, #tpu.memory_space<vmem_shared>>
      %dma_wait3A_110 = arith.constant 0 : i32
      %dma_wait3A_111 = tpu.memref_slice %arg3[%mul3A_0, %dma_wait3A_110] : memref<10240x128xf32, #tpu.memory_space<hbm>> -> memref<640x128xf32, #tpu.memory_space<hbm>>
      tpu.wait_dma2 semaphore(%run_scoped3A : memref<!tpu.dma_semaphore, #tpu.memory_space<semaphore_mem>>) src(%dma_wait3A_111 : memref<640x128xf32, #tpu.memory_space<hbm>>) dst(%dma_wait3A_109 : memref<640x128xf32, #tpu.memory_space<vmem_shared>>)
      tpu.yield
    }) : () -> ()
    %barrier3A = arith.constant 0 : index
    tpu.barrier barrier_id(%barrier3A)
    %mul3A_3 = arith.constant 16 : i32
    %mul3A_4 = arith.muli %arg0, %mul3A_3 : i32
    %add3A = arith.addi %mul3A_4, %arg1 : i32
    %mul3A_5 = arith.constant 80 : i32
    %mul3A_6 = arith.muli %add3A, %mul3A_5 : i32
    %add3A_7 = arith.constant 0 : i32
    %add3A_8 = arith.addi %mul3A_6, %add3A_7 : i32
    %mul3A_9 = arith.constant 128 : i32
    %mul3A_10 = arith.muli %add3A_8, %mul3A_9 : i32
    %dma_start3A = tpu.memref_slice %arg4[%mul3A_10] : memref<327680xi32, #tpu.memory_space<hbm>> -> memref<128xi32, #tpu.memory_space<hbm>>
    %dma_start3A_11 = tpu.memref_slice %arg4[%mul3A_10] : memref<327680xi32, #tpu.memory_space<hbm>> -> memref<128xi32, #tpu.memory_space<hbm>>
    tpu.enqueue_dma source(%dma_start3A_11 : memref<128xi32, #tpu.memory_space<hbm>>) target(%arg8 : memref<128xi32, #tpu.memory_space<vmem>>) target_semaphore(%arg27 : memref<!tpu.dma_semaphore, #tpu.memory_space<semaphore_mem>>)
    %dma_start3A_12 = tpu.memref_slice %arg5[%mul3A_10] : memref<327680xi32, #tpu.memory_space<hbm>> -> memref<128xi32, #tpu.memory_space<hbm>>
    %dma_start3A_13 = tpu.memref_slice %arg5[%mul3A_10] : memref<327680xi32, #tpu.memory_space<hbm>> -> memref<128xi32, #tpu.memory_space<hbm>>
    tpu.enqueue_dma source(%dma_start3A_13 : memref<128xi32, #tpu.memory_space<hbm>>) target(%arg16 : memref<128xi32, #tpu.memory_space<vmem>>) target_semaphore(%arg27 : memref<!tpu.dma_semaphore, #tpu.memory_space<semaphore_mem>>)
    %add3A_14 = arith.constant 1 : i32
    %add3A_15 = arith.addi %mul3A_6, %add3A_14 : i32
    %mul3A_16 = arith.constant 128 : i32
    %mul3A_17 = arith.muli %add3A_15, %mul3A_16 : i32
    %dma_start3A_18 = tpu.memref_slice %arg4[%mul3A_17] : memref<327680xi32, #tpu.memory_space<hbm>> -> memref<128xi32, #tpu.memory_space<hbm>>
    %dma_start3A_19 = tpu.memref_slice %arg4[%mul3A_17] : memref<327680xi32, #tpu.memory_space<hbm>> -> memref<128xi32, #tpu.memory_space<hbm>>
    tpu.enqueue_dma source(%dma_start3A_19 : memref<128xi32, #tpu.memory_space<hbm>>) target(%arg9 : memref<128xi32, #tpu.memory_space<vmem>>) target_semaphore(%arg28 : memref<!tpu.dma_semaphore, #tpu.memory_space<semaphore_mem>>)
    %dma_start3A_20 = tpu.memref_slice %arg5[%mul3A_17] : memref<327680xi32, #tpu.memory_space<hbm>> -> memref<128xi32, #tpu.memory_space<hbm>>
    %dma_start3A_21 = tpu.memref_slice %arg5[%mul3A_17] : memref<327680xi32, #tpu.memory_space<hbm>> -> memref<128xi32, #tpu.memory_space<hbm>>
    tpu.enqueue_dma source(%dma_start3A_21 : memref<128xi32, #tpu.memory_space<hbm>>) target(%arg17 : memref<128xi32, #tpu.memory_space<vmem>>) target_semaphore(%arg28 : memref<!tpu.dma_semaphore, #tpu.memory_space<semaphore_mem>>)
    %add3A_22 = arith.constant 2 : i32
    %add3A_23 = arith.addi %mul3A_6, %add3A_22 : i32
    %mul3A_24 = arith.constant 128 : i32
    %mul3A_25 = arith.muli %add3A_23, %mul3A_24 : i32
    %dma_start3A_26 = tpu.memref_slice %arg4[%mul3A_25] : memref<327680xi32, #tpu.memory_space<hbm>> -> memref<128xi32, #tpu.memory_space<hbm>>
    %dma_start3A_27 = tpu.memref_slice %arg4[%mul3A_25] : memref<327680xi32, #tpu.memory_space<hbm>> -> memref<128xi32, #tpu.memory_space<hbm>>
    tpu.enqueue_dma source(%dma_start3A_27 : memref<128xi32, #tpu.memory_space<hbm>>) target(%arg10 : memref<128xi32, #tpu.memory_space<vmem>>) target_semaphore(%arg29 : memref<!tpu.dma_semaphore, #tpu.memory_space<semaphore_mem>>)
    %dma_start3A_28 = tpu.memref_slice %arg5[%mul3A_25] : memref<327680xi32, #tpu.memory_space<hbm>> -> memref<128xi32, #tpu.memory_space<hbm>>
    %dma_start3A_29 = tpu.memref_slice %arg5[%mul3A_25] : memref<327680xi32, #tpu.memory_space<hbm>> -> memref<128xi32, #tpu.memory_space<hbm>>
    tpu.enqueue_dma source(%dma_start3A_29 : memref<128xi32, #tpu.memory_space<hbm>>) target(%arg18 : memref<128xi32, #tpu.memory_space<vmem>>) target_semaphore(%arg29 : memref<!tpu.dma_semaphore, #tpu.memory_space<semaphore_mem>>)
    %add3A_30 = arith.constant 3 : i32
    %add3A_31 = arith.addi %mul3A_6, %add3A_30 : i32
    %mul3A_32 = arith.constant 128 : i32
    %mul3A_33 = arith.muli %add3A_31, %mul3A_32 : i32
    %dma_start3A_34 = tpu.memref_slice %arg4[%mul3A_33] : memref<327680xi32, #tpu.memory_space<hbm>> -> memref<128xi32, #tpu.memory_space<hbm>>
    %dma_start3A_35 = tpu.memref_slice %arg4[%mul3A_33] : memref<327680xi32, #tpu.memory_space<hbm>> -> memref<128xi32, #tpu.memory_space<hbm>>
    tpu.enqueue_dma source(%dma_start3A_35 : memref<128xi32, #tpu.memory_space<hbm>>) target(%arg11 : memref<128xi32, #tpu.memory_space<vmem>>) target_semaphore(%arg30 : memref<!tpu.dma_semaphore, #tpu.memory_space<semaphore_mem>>)
    %dma_start3A_36 = tpu.memref_slice %arg5[%mul3A_33] : memref<327680xi32, #tpu.memory_space<hbm>> -> memref<128xi32, #tpu.memory_space<hbm>>
    %dma_start3A_37 = tpu.memref_slice %arg5[%mul3A_33] : memref<327680xi32, #tpu.memory_space<hbm>> -> memref<128xi32, #tpu.memory_space<hbm>>
    tpu.enqueue_dma source(%dma_start3A_37 : memref<128xi32, #tpu.memory_space<hbm>>) target(%arg19 : memref<128xi32, #tpu.memory_space<vmem>>) target_semaphore(%arg30 : memref<!tpu.dma_semaphore, #tpu.memory_space<semaphore_mem>>)
    %add3A_38 = arith.constant 4 : i32
    %add3A_39 = arith.addi %mul3A_6, %add3A_38 : i32
    %mul3A_40 = arith.constant 128 : i32
    %mul3A_41 = arith.muli %add3A_39, %mul3A_40 : i32
    %dma_start3A_42 = tpu.memref_slice %arg4[%mul3A_41] : memref<327680xi32, #tpu.memory_space<hbm>> -> memref<128xi32, #tpu.memory_space<hbm>>
    %dma_start3A_43 = tpu.memref_slice %arg4[%mul3A_41] : memref<327680xi32, #tpu.memory_space<hbm>> -> memref<128xi32, #tpu.memory_space<hbm>>
    tpu.enqueue_dma source(%dma_start3A_43 : memref<128xi32, #tpu.memory_space<hbm>>) target(%arg12 : memref<128xi32, #tpu.memory_space<vmem>>) target_semaphore(%arg31 : memref<!tpu.dma_semaphore, #tpu.memory_space<semaphore_mem>>)
    %dma_start3A_44 = tpu.memref_slice %arg5[%mul3A_41] : memref<327680xi32, #tpu.memory_space<hbm>> -> memref<128xi32, #tpu.memory_space<hbm>>
    %dma_start3A_45 = tpu.memref_slice %arg5[%mul3A_41] : memref<327680xi32, #tpu.memory_space<hbm>> -> memref<128xi32, #tpu.memory_space<hbm>>
    tpu.enqueue_dma source(%dma_start3A_45 : memref<128xi32, #tpu.memory_space<hbm>>) target(%arg20 : memref<128xi32, #tpu.memory_space<vmem>>) target_semaphore(%arg31 : memref<!tpu.dma_semaphore, #tpu.memory_space<semaphore_mem>>)
    %add3A_46 = arith.constant 5 : i32
    %add3A_47 = arith.addi %mul3A_6, %add3A_46 : i32
    %mul3A_48 = arith.constant 128 : i32
    %mul3A_49 = arith.muli %add3A_47, %mul3A_48 : i32
    %dma_start3A_50 = tpu.memref_slice %arg4[%mul3A_49] : memref<327680xi32, #tpu.memory_space<hbm>> -> memref<128xi32, #tpu.memory_space<hbm>>
    %dma_start3A_51 = tpu.memref_slice %arg4[%mul3A_49] : memref<327680xi32, #tpu.memory_space<hbm>> -> memref<128xi32, #tpu.memory_space<hbm>>
    tpu.enqueue_dma source(%dma_start3A_51 : memref<128xi32, #tpu.memory_space<hbm>>) target(%arg13 : memref<128xi32, #tpu.memory_space<vmem>>) target_semaphore(%arg32 : memref<!tpu.dma_semaphore, #tpu.memory_space<semaphore_mem>>)
    %dma_start3A_52 = tpu.memref_slice %arg5[%mul3A_49] : memref<327680xi32, #tpu.memory_space<hbm>> -> memref<128xi32, #tpu.memory_space<hbm>>
    %dma_start3A_53 = tpu.memref_slice %arg5[%mul3A_49] : memref<327680xi32, #tpu.memory_space<hbm>> -> memref<128xi32, #tpu.memory_space<hbm>>
    tpu.enqueue_dma source(%dma_start3A_53 : memref<128xi32, #tpu.memory_space<hbm>>) target(%arg21 : memref<128xi32, #tpu.memory_space<vmem>>) target_semaphore(%arg32 : memref<!tpu.dma_semaphore, #tpu.memory_space<semaphore_mem>>)
    %add3A_54 = arith.constant 6 : i32
    %add3A_55 = arith.addi %mul3A_6, %add3A_54 : i32
    %mul3A_56 = arith.constant 128 : i32
    %mul3A_57 = arith.muli %add3A_55, %mul3A_56 : i32
    %dma_start3A_58 = tpu.memref_slice %arg4[%mul3A_57] : memref<327680xi32, #tpu.memory_space<hbm>> -> memref<128xi32, #tpu.memory_space<hbm>>
    %dma_start3A_59 = tpu.memref_slice %arg4[%mul3A_57] : memref<327680xi32, #tpu.memory_space<hbm>> -> memref<128xi32, #tpu.memory_space<hbm>>
    tpu.enqueue_dma source(%dma_start3A_59 : memref<128xi32, #tpu.memory_space<hbm>>) target(%arg14 : memref<128xi32, #tpu.memory_space<vmem>>) target_semaphore(%arg33 : memref<!tpu.dma_semaphore, #tpu.memory_space<semaphore_mem>>)
    %dma_start3A_60 = tpu.memref_slice %arg5[%mul3A_57] : memref<327680xi32, #tpu.memory_space<hbm>> -> memref<128xi32, #tpu.memory_space<hbm>>
    %dma_start3A_61 = tpu.memref_slice %arg5[%mul3A_57] : memref<327680xi32, #tpu.memory_space<hbm>> -> memref<128xi32, #tpu.memory_space<hbm>>
    tpu.enqueue_dma source(%dma_start3A_61 : memref<128xi32, #tpu.memory_space<hbm>>) target(%arg22 : memref<128xi32, #tpu.memory_space<vmem>>) target_semaphore(%arg33 : memref<!tpu.dma_semaphore, #tpu.memory_space<semaphore_mem>>)
    %add3A_62 = arith.constant 7 : i32
    %add3A_63 = arith.addi %mul3A_6, %add3A_62 : i32
    %mul3A_64 = arith.constant 128 : i32
    %mul3A_65 = arith.muli %add3A_63, %mul3A_64 : i32
    %dma_start3A_66 = tpu.memref_slice %arg4[%mul3A_65] : memref<327680xi32, #tpu.memory_space<hbm>> -> memref<128xi32, #tpu.memory_space<hbm>>
    %dma_start3A_67 = tpu.memref_slice %arg4[%mul3A_65] : memref<327680xi32, #tpu.memory_space<hbm>> -> memref<128xi32, #tpu.memory_space<hbm>>
    tpu.enqueue_dma source(%dma_start3A_67 : memref<128xi32, #tpu.memory_space<hbm>>) target(%arg15 : memref<128xi32, #tpu.memory_space<vmem>>) target_semaphore(%arg34 : memref<!tpu.dma_semaphore, #tpu.memory_space<semaphore_mem>>)
    %dma_start3A_68 = tpu.memref_slice %arg5[%mul3A_65] : memref<327680xi32, #tpu.memory_space<hbm>> -> memref<128xi32, #tpu.memory_space<hbm>>
    %dma_start3A_69 = tpu.memref_slice %arg5[%mul3A_65] : memref<327680xi32, #tpu.memory_space<hbm>> -> memref<128xi32, #tpu.memory_space<hbm>>
    tpu.enqueue_dma source(%dma_start3A_69 : memref<128xi32, #tpu.memory_space<hbm>>) target(%arg23 : memref<128xi32, #tpu.memory_space<vmem>>) target_semaphore(%arg34 : memref<!tpu.dma_semaphore, #tpu.memory_space<semaphore_mem>>)
    %dma_wait3A = arith.constant 0 : i32
    %dma_wait3A_70 = tpu.memref_slice %arg4[%dma_wait3A] : memref<327680xi32, #tpu.memory_space<hbm>> -> memref<128xi32, #tpu.memory_space<hbm>>
    %dma_wait3A_71 = arith.constant 0 : i32
    %dma_wait3A_72 = tpu.memref_slice %arg4[%dma_wait3A_71] : memref<327680xi32, #tpu.memory_space<hbm>> -> memref<128xi32, #tpu.memory_space<hbm>>
    tpu.wait_dma2 semaphore(%arg27 : memref<!tpu.dma_semaphore, #tpu.memory_space<semaphore_mem>>) src(%dma_wait3A_72 : memref<128xi32, #tpu.memory_space<hbm>>) dst(%arg8 : memref<128xi32, #tpu.memory_space<vmem>>)
    %dma_wait3A_73 = arith.constant 0 : i32
    %dma_wait3A_74 = tpu.memref_slice %arg5[%dma_wait3A_73] : memref<327680xi32, #tpu.memory_space<hbm>> -> memref<128xi32, #tpu.memory_space<hbm>>
    %dma_wait3A_75 = arith.constant 0 : i32
    %dma_wait3A_76 = tpu.memref_slice %arg5[%dma_wait3A_75] : memref<327680xi32, #tpu.memory_space<hbm>> -> memref<128xi32, #tpu.memory_space<hbm>>
    tpu.wait_dma2 semaphore(%arg27 : memref<!tpu.dma_semaphore, #tpu.memory_space<semaphore_mem>>) src(%dma_wait3A_76 : memref<128xi32, #tpu.memory_space<hbm>>) dst(%arg16 : memref<128xi32, #tpu.memory_space<vmem>>)
    %dma_start3A_77 = arith.constant 0 : i32
    %dma_start3A_78 = arith.constant 0 : i32
    %dma_start3A_79 = tpu.memref_slice %arg2[%dma_start3A_77, %dma_start3A_78] : memref<10240x128xf32, #tpu.memory_space<hbm>> -> memref<10240x128xf32, #tpu.memory_space<hbm>>
    tpu.enqueue_indirect_dma source(%dma_start3A_79 : memref<10240x128xf32, #tpu.memory_space<hbm>>) target(%arg24 : memref<128x128xf32, #tpu.memory_space<vmem>>) offsets(%arg8 : memref<128xi32, #tpu.memory_space<vmem>>) semaphore(%arg35 : memref<!tpu.dma_semaphore, #tpu.memory_space<semaphore_mem>>)
    %dma_wait3A_80 = arith.constant 0 : i32
    %dma_wait3A_81 = tpu.memref_slice %arg4[%dma_wait3A_80] : memref<327680xi32, #tpu.memory_space<hbm>> -> memref<128xi32, #tpu.memory_space<hbm>>
    %dma_wait3A_82 = arith.constant 0 : i32
    %dma_wait3A_83 = tpu.memref_slice %arg4[%dma_wait3A_82] : memref<327680xi32, #tpu.memory_space<hbm>> -> memref<128xi32, #tpu.memory_space<hbm>>
    tpu.wait_dma2 semaphore(%arg28 : memref<!tpu.dma_semaphore, #tpu.memory_space<semaphore_mem>>) src(%dma_wait3A_83 : memref<128xi32, #tpu.memory_space<hbm>>) dst(%arg9 : memref<128xi32, #tpu.memory_space<vmem>>)
    %dma_wait3A_84 = arith.constant 0 : i32
    %dma_wait3A_85 = tpu.memref_slice %arg5[%dma_wait3A_84] : memref<327680xi32, #tpu.memory_space<hbm>> -> memref<128xi32, #tpu.memory_space<hbm>>
    %dma_wait3A_86 = arith.constant 0 : i32
    %dma_wait3A_87 = tpu.memref_slice %arg5[%dma_wait3A_86] : memref<327680xi32, #tpu.memory_space<hbm>> -> memref<128xi32, #tpu.memory_space<hbm>>
    tpu.wait_dma2 semaphore(%arg28 : memref<!tpu.dma_semaphore, #tpu.memory_space<semaphore_mem>>) src(%dma_wait3A_87 : memref<128xi32, #tpu.memory_space<hbm>>) dst(%arg17 : memref<128xi32, #tpu.memory_space<vmem>>)
    %dma_start3A_88 = arith.constant 0 : i32
    %dma_start3A_89 = arith.constant 0 : i32
    %dma_start3A_90 = tpu.memref_slice %arg2[%dma_start3A_88, %dma_start3A_89] : memref<10240x128xf32, #tpu.memory_space<hbm>> -> memref<10240x128xf32, #tpu.memory_space<hbm>>
    tpu.enqueue_indirect_dma source(%dma_start3A_90 : memref<10240x128xf32, #tpu.memory_space<hbm>>) target(%arg25 : memref<128x128xf32, #tpu.memory_space<vmem>>) offsets(%arg9 : memref<128xi32, #tpu.memory_space<vmem>>) semaphore(%arg36 : memref<!tpu.dma_semaphore, #tpu.memory_space<semaphore_mem>>)
    %scan3A = arith.constant 0 : i32
    %scan3A_91 = arith.constant 0 : i32
    %scan3A_92 = arith.constant 10 : i32
    %scan3A_93 = arith.addi %scan3A_91, %scan3A_92 : i32
    %scan3A_94 = arith.constant 1 : i32
    scf.for %scan3A_104 = %scan3A_91 to %scan3A_93 step %scan3A_94  : i32 {
      %mul3A_105 = arith.constant 8 : i32
      %mul3A_106 = arith.muli %mul3A_105, %scan3A_104 : i32
      %add3A_107 = arith.constant 0 : i32
      %add3A_108 = arith.addi %mul3A_106, %add3A_107 : i32
      %dma_wait3A_109 = arith.constant 0 : i32
      %dma_wait3A_110 = arith.constant 0 : i32
      %dma_wait3A_111 = tpu.memref_slice %arg2[%dma_wait3A_109, %dma_wait3A_110] : memref<10240x128xf32, #tpu.memory_space<hbm>> -> memref<10240x128xf32, #tpu.memory_space<hbm>>
      tpu.wait_indirect_dma semaphore(%arg35 : memref<!tpu.dma_semaphore, #tpu.memory_space<semaphore_mem>>) src(%dma_wait3A_111 : memref<10240x128xf32, #tpu.memory_space<hbm>>) dst(%arg24 : memref<128x128xf32, #tpu.memory_space<vmem>>)
      "tpu.region"() ({
        %run_scoped3A = tpu.sem_alloc : memref<!tpu.dma_semaphore, #tpu.memory_space<semaphore_mem>>
        %dma_start3A_276 = arith.constant 0 : i32
        %dma_start3A_277 = arith.constant 0 : i32
        %dma_start3A_278 = tpu.memref_slice %arg26[%dma_start3A_276, %dma_start3A_277] : memref<10240x128xf32, #tpu.memory_space<vmem_shared>> -> memref<10240x128xf32, #tpu.memory_space<vmem_shared>>
        tpu.enqueue_indirect_dma source(%arg24 : memref<128x128xf32, #tpu.memory_space<vmem>>) target(%dma_start3A_278 : memref<10240x128xf32, #tpu.memory_space<vmem_shared>>) offsets(%arg16 : memref<128xi32, #tpu.memory_space<vmem>>) semaphore(%run_scoped3A : memref<!tpu.dma_semaphore, #tpu.memory_space<semaphore_mem>>) {add = true}
        %dma_wait3A_279 = arith.constant 0 : i32
        %dma_wait3A_280 = arith.constant 0 : i32
        %dma_wait3A_281 = tpu.memref_slice %arg26[%dma_wait3A_279, %dma_wait3A_280] : memref<10240x128xf32, #tpu.memory_space<vmem_shared>> -> memref<10240x128xf32, #tpu.memory_space<vmem_shared>>
        tpu.wait_indirect_dma semaphore(%run_scoped3A : memref<!tpu.dma_semaphore, #tpu.memory_space<semaphore_mem>>) src(%arg24 : memref<128x128xf32, #tpu.memory_space<vmem>>) dst(%dma_wait3A_281 : memref<10240x128xf32, #tpu.memory_space<vmem_shared>>)
        tpu.yield
      }) : () -> ()
      %lt3A = arith.constant 9 : i32
      %lt3A_112 = arith.cmpi slt, %scan3A_104, %lt3A : i32
      %convert_element_type3A_113 = arith.extui %lt3A_112 : i1 to i32
      %cond3A_114 = arith.constant 0 : i32
      %cond3A_115 = arith.cmpi ne, %convert_element_type3A_113, %cond3A_114 : i32
      scf.if %cond3A_115 {
        %add3A_276 = arith.constant 8 : i32
        %add3A_277 = arith.addi %add3A_108, %add3A_276 : i32
        %add3A_278 = arith.addi %mul3A_6, %add3A_277 : i32
        %mul3A_279 = arith.constant 128 : i32
        %mul3A_280 = arith.muli %add3A_278, %mul3A_279 : i32
        %dma_start3A_281 = tpu.memref_slice %arg4[%mul3A_280] : memref<327680xi32, #tpu.memory_space<hbm>> -> memref<128xi32, #tpu.memory_space<hbm>>
        %dma_start3A_282 = tpu.memref_slice %arg4[%mul3A_280] : memref<327680xi32, #tpu.memory_space<hbm>> -> memref<128xi32, #tpu.memory_space<hbm>>
        tpu.enqueue_dma source(%dma_start3A_282 : memref<128xi32, #tpu.memory_space<hbm>>) target(%arg8 : memref<128xi32, #tpu.memory_space<vmem>>) target_semaphore(%arg27 : memref<!tpu.dma_semaphore, #tpu.memory_space<semaphore_mem>>)
        %dma_start3A_283 = tpu.memref_slice %arg5[%mul3A_280] : memref<327680xi32, #tpu.memory_space<hbm>> -> memref<128xi32, #tpu.memory_space<hbm>>
        %dma_start3A_284 = tpu.memref_slice %arg5[%mul3A_280] : memref<327680xi32, #tpu.memory_space<hbm>> -> memref<128xi32, #tpu.memory_space<hbm>>
        tpu.enqueue_dma source(%dma_start3A_284 : memref<128xi32, #tpu.memory_space<hbm>>) target(%arg16 : memref<128xi32, #tpu.memory_space<vmem>>) target_semaphore(%arg27 : memref<!tpu.dma_semaphore, #tpu.memory_space<semaphore_mem>>)
      } else {
      }
      %dma_wait3A_116 = arith.constant 0 : i32
      %dma_wait3A_117 = tpu.memref_slice %arg4[%dma_wait3A_116] : memref<327680xi32, #tpu.memory_space<hbm>> -> memref<128xi32, #tpu.memory_space<hbm>>
      %dma_wait3A_118 = arith.constant 0 : i32
      %dma_wait3A_119 = tpu.memref_slice %arg4[%dma_wait3A_118] : memref<327680xi32, #tpu.memory_space<hbm>> -> memref<128xi32, #tpu.memory_space<hbm>>
      tpu.wait_dma2 semaphore(%arg29 : memref<!tpu.dma_semaphore, #tpu.memory_space<semaphore_mem>>) src(%dma_wait3A_119 : memref<128xi32, #tpu.memory_space<hbm>>) dst(%arg10 : memref<128xi32, #tpu.memory_space<vmem>>)
      %dma_wait3A_120 = arith.constant 0 : i32
      %dma_wait3A_121 = tpu.memref_slice %arg5[%dma_wait3A_120] : memref<327680xi32, #tpu.memory_space<hbm>> -> memref<128xi32, #tpu.memory_space<hbm>>
      %dma_wait3A_122 = arith.constant 0 : i32
      %dma_wait3A_123 = tpu.memref_slice %arg5[%dma_wait3A_122] : memref<327680xi32, #tpu.memory_space<hbm>> -> memref<128xi32, #tpu.memory_space<hbm>>
      tpu.wait_dma2 semaphore(%arg29 : memref<!tpu.dma_semaphore, #tpu.memory_space<semaphore_mem>>) src(%dma_wait3A_123 : memref<128xi32, #tpu.memory_space<hbm>>) dst(%arg18 : memref<128xi32, #tpu.memory_space<vmem>>)
      %dma_start3A_124 = arith.constant 0 : i32
      %dma_start3A_125 = arith.constant 0 : i32
      %dma_start3A_126 = tpu.memref_slice %arg2[%dma_start3A_124, %dma_start3A_125] : memref<10240x128xf32, #tpu.memory_space<hbm>> -> memref<10240x128xf32, #tpu.memory_space<hbm>>
      tpu.enqueue_indirect_dma source(%dma_start3A_126 : memref<10240x128xf32, #tpu.memory_space<hbm>>) target(%arg24 : memref<128x128xf32, #tpu.memory_space<vmem>>) offsets(%arg10 : memref<128xi32, #tpu.memory_space<vmem>>) semaphore(%arg35 : memref<!tpu.dma_semaphore, #tpu.memory_space<semaphore_mem>>)
      %mul3A_127 = arith.constant 8 : i32
      %mul3A_128 = arith.muli %mul3A_127, %scan3A_104 : i32
      %add3A_129 = arith.constant 1 : i32
      %add3A_130 = arith.addi %mul3A_128, %add3A_129 : i32
      %dma_wait3A_131 = arith.constant 0 : i32
      %dma_wait3A_132 = arith.constant 0 : i32
      %dma_wait3A_133 = tpu.memref_slice %arg2[%dma_wait3A_131, %dma_wait3A_132] : memref<10240x128xf32, #tpu.memory_space<hbm>> -> memref<10240x128xf32, #tpu.memory_space<hbm>>
      tpu.wait_indirect_dma semaphore(%arg36 : memref<!tpu.dma_semaphore, #tpu.memory_space<semaphore_mem>>) src(%dma_wait3A_133 : memref<10240x128xf32, #tpu.memory_space<hbm>>) dst(%arg25 : memref<128x128xf32, #tpu.memory_space<vmem>>)
      "tpu.region"() ({
        %run_scoped3A = tpu.sem_alloc : memref<!tpu.dma_semaphore, #tpu.memory_space<semaphore_mem>>
        %dma_start3A_276 = arith.constant 0 : i32
        %dma_start3A_277 = arith.constant 0 : i32
        %dma_start3A_278 = tpu.memref_slice %arg26[%dma_start3A_276, %dma_start3A_277] : memref<10240x128xf32, #tpu.memory_space<vmem_shared>> -> memref<10240x128xf32, #tpu.memory_space<vmem_shared>>
        tpu.enqueue_indirect_dma source(%arg25 : memref<128x128xf32, #tpu.memory_space<vmem>>) target(%dma_start3A_278 : memref<10240x128xf32, #tpu.memory_space<vmem_shared>>) offsets(%arg17 : memref<128xi32, #tpu.memory_space<vmem>>) semaphore(%run_scoped3A : memref<!tpu.dma_semaphore, #tpu.memory_space<semaphore_mem>>) {add = true}
        %dma_wait3A_279 = arith.constant 0 : i32
        %dma_wait3A_280 = arith.constant 0 : i32
        %dma_wait3A_281 = tpu.memref_slice %arg26[%dma_wait3A_279, %dma_wait3A_280] : memref<10240x128xf32, #tpu.memory_space<vmem_shared>> -> memref<10240x128xf32, #tpu.memory_space<vmem_shared>>
        tpu.wait_indirect_dma semaphore(%run_scoped3A : memref<!tpu.dma_semaphore, #tpu.memory_space<semaphore_mem>>) src(%arg25 : memref<128x128xf32, #tpu.memory_space<vmem>>) dst(%dma_wait3A_281 : memref<10240x128xf32, #tpu.memory_space<vmem_shared>>)
        tpu.yield
      }) : () -> ()
      %lt3A_134 = arith.constant 9 : i32
      %lt3A_135 = arith.cmpi slt, %scan3A_104, %lt3A_134 : i32
      %convert_element_type3A_136 = arith.extui %lt3A_135 : i1 to i32
      %cond3A_137 = arith.constant 0 : i32
      %cond3A_138 = arith.cmpi ne, %convert_element_type3A_136, %cond3A_137 : i32
      scf.if %cond3A_138 {
        %add3A_276 = arith.constant 8 : i32
        %add3A_277 = arith.addi %add3A_130, %add3A_276 : i32
        %add3A_278 = arith.addi %mul3A_6, %add3A_277 : i32
        %mul3A_279 = arith.constant 128 : i32
        %mul3A_280 = arith.muli %add3A_278, %mul3A_279 : i32
        %dma_start3A_281 = tpu.memref_slice %arg4[%mul3A_280] : memref<327680xi32, #tpu.memory_space<hbm>> -> memref<128xi32, #tpu.memory_space<hbm>>
        %dma_start3A_282 = tpu.memref_slice %arg4[%mul3A_280] : memref<327680xi32, #tpu.memory_space<hbm>> -> memref<128xi32, #tpu.memory_space<hbm>>
        tpu.enqueue_dma source(%dma_start3A_282 : memref<128xi32, #tpu.memory_space<hbm>>) target(%arg9 : memref<128xi32, #tpu.memory_space<vmem>>) target_semaphore(%arg28 : memref<!tpu.dma_semaphore, #tpu.memory_space<semaphore_mem>>)
        %dma_start3A_283 = tpu.memref_slice %arg5[%mul3A_280] : memref<327680xi32, #tpu.memory_space<hbm>> -> memref<128xi32, #tpu.memory_space<hbm>>
        %dma_start3A_284 = tpu.memref_slice %arg5[%mul3A_280] : memref<327680xi32, #tpu.memory_space<hbm>> -> memref<128xi32, #tpu.memory_space<hbm>>
        tpu.enqueue_dma source(%dma_start3A_284 : memref<128xi32, #tpu.memory_space<hbm>>) target(%arg17 : memref<128xi32, #tpu.memory_space<vmem>>) target_semaphore(%arg28 : memref<!tpu.dma_semaphore, #tpu.memory_space<semaphore_mem>>)
      } else {
      }
      %dma_wait3A_139 = arith.constant 0 : i32
      %dma_wait3A_140 = tpu.memref_slice %arg4[%dma_wait3A_139] : memref<327680xi32, #tpu.memory_space<hbm>> -> memref<128xi32, #tpu.memory_space<hbm>>
      %dma_wait3A_141 = arith.constant 0 : i32
      %dma_wait3A_142 = tpu.memref_slice %arg4[%dma_wait3A_141] : memref<327680xi32, #tpu.memory_space<hbm>> -> memref<128xi32, #tpu.memory_space<hbm>>
      tpu.wait_dma2 semaphore(%arg30 : memref<!tpu.dma_semaphore, #tpu.memory_space<semaphore_mem>>) src(%dma_wait3A_142 : memref<128xi32, #tpu.memory_space<hbm>>) dst(%arg11 : memref<128xi32, #tpu.memory_space<vmem>>)
      %dma_wait3A_143 = arith.constant 0 : i32
      %dma_wait3A_144 = tpu.memref_slice %arg5[%dma_wait3A_143] : memref<327680xi32, #tpu.memory_space<hbm>> -> memref<128xi32, #tpu.memory_space<hbm>>
      %dma_wait3A_145 = arith.constant 0 : i32
      %dma_wait3A_146 = tpu.memref_slice %arg5[%dma_wait3A_145] : memref<327680xi32, #tpu.memory_space<hbm>> -> memref<128xi32, #tpu.memory_space<hbm>>
      tpu.wait_dma2 semaphore(%arg30 : memref<!tpu.dma_semaphore, #tpu.memory_space<semaphore_mem>>) src(%dma_wait3A_146 : memref<128xi32, #tpu.memory_space<hbm>>) dst(%arg19 : memref<128xi32, #tpu.memory_space<vmem>>)
      %dma_start3A_147 = arith.constant 0 : i32
      %dma_start3A_148 = arith.constant 0 : i32
      %dma_start3A_149 = tpu.memref_slice %arg2[%dma_start3A_147, %dma_start3A_148] : memref<10240x128xf32, #tpu.memory_space<hbm>> -> memref<10240x128xf32, #tpu.memory_space<hbm>>
      tpu.enqueue_indirect_dma source(%dma_start3A_149 : memref<10240x128xf32, #tpu.memory_space<hbm>>) target(%arg25 : memref<128x128xf32, #tpu.memory_space<vmem>>) offsets(%arg11 : memref<128xi32, #tpu.memory_space<vmem>>) semaphore(%arg36 : memref<!tpu.dma_semaphore, #tpu.memory_space<semaphore_mem>>)
      %mul3A_150 = arith.constant 8 : i32
      %mul3A_151 = arith.muli %mul3A_150, %scan3A_104 : i32
      %add3A_152 = arith.constant 2 : i32
      %add3A_153 = arith.addi %mul3A_151, %add3A_152 : i32
      %dma_wait3A_154 = arith.constant 0 : i32
      %dma_wait3A_155 = arith.constant 0 : i32
      %dma_wait3A_156 = tpu.memref_slice %arg2[%dma_wait3A_154, %dma_wait3A_155] : memref<10240x128xf32, #tpu.memory_space<hbm>> -> memref<10240x128xf32, #tpu.memory_space<hbm>>
      tpu.wait_indirect_dma semaphore(%arg35 : memref<!tpu.dma_semaphore, #tpu.memory_space<semaphore_mem>>) src(%dma_wait3A_156 : memref<10240x128xf32, #tpu.memory_space<hbm>>) dst(%arg24 : memref<128x128xf32, #tpu.memory_space<vmem>>)
      "tpu.region"() ({
        %run_scoped3A = tpu.sem_alloc : memref<!tpu.dma_semaphore, #tpu.memory_space<semaphore_mem>>
        %dma_start3A_276 = arith.constant 0 : i32
        %dma_start3A_277 = arith.constant 0 : i32
        %dma_start3A_278 = tpu.memref_slice %arg26[%dma_start3A_276, %dma_start3A_277] : memref<10240x128xf32, #tpu.memory_space<vmem_shared>> -> memref<10240x128xf32, #tpu.memory_space<vmem_shared>>
        tpu.enqueue_indirect_dma source(%arg24 : memref<128x128xf32, #tpu.memory_space<vmem>>) target(%dma_start3A_278 : memref<10240x128xf32, #tpu.memory_space<vmem_shared>>) offsets(%arg18 : memref<128xi32, #tpu.memory_space<vmem>>) semaphore(%run_scoped3A : memref<!tpu.dma_semaphore, #tpu.memory_space<semaphore_mem>>) {add = true}
        %dma_wait3A_279 = arith.constant 0 : i32
        %dma_wait3A_280 = arith.constant 0 : i32
        %dma_wait3A_281 = tpu.memref_slice %arg26[%dma_wait3A_279, %dma_wait3A_280] : memref<10240x128xf32, #tpu.memory_space<vmem_shared>> -> memref<10240x128xf32, #tpu.memory_space<vmem_shared>>
        tpu.wait_indirect_dma semaphore(%run_scoped3A : memref<!tpu.dma_semaphore, #tpu.memory_space<semaphore_mem>>) src(%arg24 : memref<128x128xf32, #tpu.memory_space<vmem>>) dst(%dma_wait3A_281 : memref<10240x128xf32, #tpu.memory_space<vmem_shared>>)
        tpu.yield
      }) : () -> ()
      %lt3A_157 = arith.constant 9 : i32
      %lt3A_158 = arith.cmpi slt, %scan3A_104, %lt3A_157 : i32
      %convert_element_type3A_159 = arith.extui %lt3A_158 : i1 to i32
      %cond3A_160 = arith.constant 0 : i32
      %cond3A_161 = arith.cmpi ne, %convert_element_type3A_159, %cond3A_160 : i32
      scf.if %cond3A_161 {
        %add3A_276 = arith.constant 8 : i32
        %add3A_277 = arith.addi %add3A_153, %add3A_276 : i32
        %add3A_278 = arith.addi %mul3A_6, %add3A_277 : i32
        %mul3A_279 = arith.constant 128 : i32
        %mul3A_280 = arith.muli %add3A_278, %mul3A_279 : i32
        %dma_start3A_281 = tpu.memref_slice %arg4[%mul3A_280] : memref<327680xi32, #tpu.memory_space<hbm>> -> memref<128xi32, #tpu.memory_space<hbm>>
        %dma_start3A_282 = tpu.memref_slice %arg4[%mul3A_280] : memref<327680xi32, #tpu.memory_space<hbm>> -> memref<128xi32, #tpu.memory_space<hbm>>
        tpu.enqueue_dma source(%dma_start3A_282 : memref<128xi32, #tpu.memory_space<hbm>>) target(%arg10 : memref<128xi32, #tpu.memory_space<vmem>>) target_semaphore(%arg29 : memref<!tpu.dma_semaphore, #tpu.memory_space<semaphore_mem>>)
        %dma_start3A_283 = tpu.memref_slice %arg5[%mul3A_280] : memref<327680xi32, #tpu.memory_space<hbm>> -> memref<128xi32, #tpu.memory_space<hbm>>
        %dma_start3A_284 = tpu.memref_slice %arg5[%mul3A_280] : memref<327680xi32, #tpu.memory_space<hbm>> -> memref<128xi32, #tpu.memory_space<hbm>>
        tpu.enqueue_dma source(%dma_start3A_284 : memref<128xi32, #tpu.memory_space<hbm>>) target(%arg18 : memref<128xi32, #tpu.memory_space<vmem>>) target_semaphore(%arg29 : memref<!tpu.dma_semaphore, #tpu.memory_space<semaphore_mem>>)
      } else {
      }
      %dma_wait3A_162 = arith.constant 0 : i32
      %dma_wait3A_163 = tpu.memref_slice %arg4[%dma_wait3A_162] : memref<327680xi32, #tpu.memory_space<hbm>> -> memref<128xi32, #tpu.memory_space<hbm>>
      %dma_wait3A_164 = arith.constant 0 : i32
      %dma_wait3A_165 = tpu.memref_slice %arg4[%dma_wait3A_164] : memref<327680xi32, #tpu.memory_space<hbm>> -> memref<128xi32, #tpu.memory_space<hbm>>
      tpu.wait_dma2 semaphore(%arg31 : memref<!tpu.dma_semaphore, #tpu.memory_space<semaphore_mem>>) src(%dma_wait3A_165 : memref<128xi32, #tpu.memory_space<hbm>>) dst(%arg12 : memref<128xi32, #tpu.memory_space<vmem>>)
      %dma_wait3A_166 = arith.constant 0 : i32
      %dma_wait3A_167 = tpu.memref_slice %arg5[%dma_wait3A_166] : memref<327680xi32, #tpu.memory_space<hbm>> -> memref<128xi32, #tpu.memory_space<hbm>>
      %dma_wait3A_168 = arith.constant 0 : i32
      %dma_wait3A_169 = tpu.memref_slice %arg5[%dma_wait3A_168] : memref<327680xi32, #tpu.memory_space<hbm>> -> memref<128xi32, #tpu.memory_space<hbm>>
      tpu.wait_dma2 semaphore(%arg31 : memref<!tpu.dma_semaphore, #tpu.memory_space<semaphore_mem>>) src(%dma_wait3A_169 : memref<128xi32, #tpu.memory_space<hbm>>) dst(%arg20 : memref<128xi32, #tpu.memory_space<vmem>>)
      %dma_start3A_170 = arith.constant 0 : i32
      %dma_start3A_171 = arith.constant 0 : i32
      %dma_start3A_172 = tpu.memref_slice %arg2[%dma_start3A_170, %dma_start3A_171] : memref<10240x128xf32, #tpu.memory_space<hbm>> -> memref<10240x128xf32, #tpu.memory_space<hbm>>
      tpu.enqueue_indirect_dma source(%dma_start3A_172 : memref<10240x128xf32, #tpu.memory_space<hbm>>) target(%arg24 : memref<128x128xf32, #tpu.memory_space<vmem>>) offsets(%arg12 : memref<128xi32, #tpu.memory_space<vmem>>) semaphore(%arg35 : memref<!tpu.dma_semaphore, #tpu.memory_space<semaphore_mem>>)
      %mul3A_173 = arith.constant 8 : i32
      %mul3A_174 = arith.muli %mul3A_173, %scan3A_104 : i32
      %add3A_175 = arith.constant 3 : i32
      %add3A_176 = arith.addi %mul3A_174, %add3A_175 : i32
      %dma_wait3A_177 = arith.constant 0 : i32
      %dma_wait3A_178 = arith.constant 0 : i32
      %dma_wait3A_179 = tpu.memref_slice %arg2[%dma_wait3A_177, %dma_wait3A_178] : memref<10240x128xf32, #tpu.memory_space<hbm>> -> memref<10240x128xf32, #tpu.memory_space<hbm>>
      tpu.wait_indirect_dma semaphore(%arg36 : memref<!tpu.dma_semaphore, #tpu.memory_space<semaphore_mem>>) src(%dma_wait3A_179 : memref<10240x128xf32, #tpu.memory_space<hbm>>) dst(%arg25 : memref<128x128xf32, #tpu.memory_space<vmem>>)
      "tpu.region"() ({
        %run_scoped3A = tpu.sem_alloc : memref<!tpu.dma_semaphore, #tpu.memory_space<semaphore_mem>>
        %dma_start3A_276 = arith.constant 0 : i32
        %dma_start3A_277 = arith.constant 0 : i32
        %dma_start3A_278 = tpu.memref_slice %arg26[%dma_start3A_276, %dma_start3A_277] : memref<10240x128xf32, #tpu.memory_space<vmem_shared>> -> memref<10240x128xf32, #tpu.memory_space<vmem_shared>>
        tpu.enqueue_indirect_dma source(%arg25 : memref<128x128xf32, #tpu.memory_space<vmem>>) target(%dma_start3A_278 : memref<10240x128xf32, #tpu.memory_space<vmem_shared>>) offsets(%arg19 : memref<128xi32, #tpu.memory_space<vmem>>) semaphore(%run_scoped3A : memref<!tpu.dma_semaphore, #tpu.memory_space<semaphore_mem>>) {add = true}
        %dma_wait3A_279 = arith.constant 0 : i32
        %dma_wait3A_280 = arith.constant 0 : i32
        %dma_wait3A_281 = tpu.memref_slice %arg26[%dma_wait3A_279, %dma_wait3A_280] : memref<10240x128xf32, #tpu.memory_space<vmem_shared>> -> memref<10240x128xf32, #tpu.memory_space<vmem_shared>>
        tpu.wait_indirect_dma semaphore(%run_scoped3A : memref<!tpu.dma_semaphore, #tpu.memory_space<semaphore_mem>>) src(%arg25 : memref<128x128xf32, #tpu.memory_space<vmem>>) dst(%dma_wait3A_281 : memref<10240x128xf32, #tpu.memory_space<vmem_shared>>)
        tpu.yield
      }) : () -> ()
      %lt3A_180 = arith.constant 9 : i32
      %lt3A_181 = arith.cmpi slt, %scan3A_104, %lt3A_180 : i32
      %convert_element_type3A_182 = arith.extui %lt3A_181 : i1 to i32
      %cond3A_183 = arith.constant 0 : i32
      %cond3A_184 = arith.cmpi ne, %convert_element_type3A_182, %cond3A_183 : i32
      scf.if %cond3A_184 {
        %add3A_276 = arith.constant 8 : i32
        %add3A_277 = arith.addi %add3A_176, %add3A_276 : i32
        %add3A_278 = arith.addi %mul3A_6, %add3A_277 : i32
        %mul3A_279 = arith.constant 128 : i32
        %mul3A_280 = arith.muli %add3A_278, %mul3A_279 : i32
        %dma_start3A_281 = tpu.memref_slice %arg4[%mul3A_280] : memref<327680xi32, #tpu.memory_space<hbm>> -> memref<128xi32, #tpu.memory_space<hbm>>
        %dma_start3A_282 = tpu.memref_slice %arg4[%mul3A_280] : memref<327680xi32, #tpu.memory_space<hbm>> -> memref<128xi32, #tpu.memory_space<hbm>>
        tpu.enqueue_dma source(%dma_start3A_282 : memref<128xi32, #tpu.memory_space<hbm>>) target(%arg11 : memref<128xi32, #tpu.memory_space<vmem>>) target_semaphore(%arg30 : memref<!tpu.dma_semaphore, #tpu.memory_space<semaphore_mem>>)
        %dma_start3A_283 = tpu.memref_slice %arg5[%mul3A_280] : memref<327680xi32, #tpu.memory_space<hbm>> -> memref<128xi32, #tpu.memory_space<hbm>>
        %dma_start3A_284 = tpu.memref_slice %arg5[%mul3A_280] : memref<327680xi32, #tpu.memory_space<hbm>> -> memref<128xi32, #tpu.memory_space<hbm>>
        tpu.enqueue_dma source(%dma_start3A_284 : memref<128xi32, #tpu.memory_space<hbm>>) target(%arg19 : memref<128xi32, #tpu.memory_space<vmem>>) target_semaphore(%arg30 : memref<!tpu.dma_semaphore, #tpu.memory_space<semaphore_mem>>)
      } else {
      }
      %dma_wait3A_185 = arith.constant 0 : i32
      %dma_wait3A_186 = tpu.memref_slice %arg4[%dma_wait3A_185] : memref<327680xi32, #tpu.memory_space<hbm>> -> memref<128xi32, #tpu.memory_space<hbm>>
      %dma_wait3A_187 = arith.constant 0 : i32
      %dma_wait3A_188 = tpu.memref_slice %arg4[%dma_wait3A_187] : memref<327680xi32, #tpu.memory_space<hbm>> -> memref<128xi32, #tpu.memory_space<hbm>>
      tpu.wait_dma2 semaphore(%arg32 : memref<!tpu.dma_semaphore, #tpu.memory_space<semaphore_mem>>) src(%dma_wait3A_188 : memref<128xi32, #tpu.memory_space<hbm>>) dst(%arg13 : memref<128xi32, #tpu.memory_space<vmem>>)
      %dma_wait3A_189 = arith.constant 0 : i32
      %dma_wait3A_190 = tpu.memref_slice %arg5[%dma_wait3A_189] : memref<327680xi32, #tpu.memory_space<hbm>> -> memref<128xi32, #tpu.memory_space<hbm>>
      %dma_wait3A_191 = arith.constant 0 : i32
      %dma_wait3A_192 = tpu.memref_slice %arg5[%dma_wait3A_191] : memref<327680xi32, #tpu.memory_space<hbm>> -> memref<128xi32, #tpu.memory_space<hbm>>
      tpu.wait_dma2 semaphore(%arg32 : memref<!tpu.dma_semaphore, #tpu.memory_space<semaphore_mem>>) src(%dma_wait3A_192 : memref<128xi32, #tpu.memory_space<hbm>>) dst(%arg21 : memref<128xi32, #tpu.memory_space<vmem>>)
      %dma_start3A_193 = arith.constant 0 : i32
      %dma_start3A_194 = arith.constant 0 : i32
      %dma_start3A_195 = tpu.memref_slice %arg2[%dma_start3A_193, %dma_start3A_194] : memref<10240x128xf32, #tpu.memory_space<hbm>> -> memref<10240x128xf32, #tpu.memory_space<hbm>>
      tpu.enqueue_indirect_dma source(%dma_start3A_195 : memref<10240x128xf32, #tpu.memory_space<hbm>>) target(%arg25 : memref<128x128xf32, #tpu.memory_space<vmem>>) offsets(%arg13 : memref<128xi32, #tpu.memory_space<vmem>>) semaphore(%arg36 : memref<!tpu.dma_semaphore, #tpu.memory_space<semaphore_mem>>)
      %mul3A_196 = arith.constant 8 : i32
      %mul3A_197 = arith.muli %mul3A_196, %scan3A_104 : i32
      %add3A_198 = arith.constant 4 : i32
      %add3A_199 = arith.addi %mul3A_197, %add3A_198 : i32
      %dma_wait3A_200 = arith.constant 0 : i32
      %dma_wait3A_201 = arith.constant 0 : i32
      %dma_wait3A_202 = tpu.memref_slice %arg2[%dma_wait3A_200, %dma_wait3A_201] : memref<10240x128xf32, #tpu.memory_space<hbm>> -> memref<10240x128xf32, #tpu.memory_space<hbm>>
      tpu.wait_indirect_dma semaphore(%arg35 : memref<!tpu.dma_semaphore, #tpu.memory_space<semaphore_mem>>) src(%dma_wait3A_202 : memref<10240x128xf32, #tpu.memory_space<hbm>>) dst(%arg24 : memref<128x128xf32, #tpu.memory_space<vmem>>)
      "tpu.region"() ({
        %run_scoped3A = tpu.sem_alloc : memref<!tpu.dma_semaphore, #tpu.memory_space<semaphore_mem>>
        %dma_start3A_276 = arith.constant 0 : i32
        %dma_start3A_277 = arith.constant 0 : i32
        %dma_start3A_278 = tpu.memref_slice %arg26[%dma_start3A_276, %dma_start3A_277] : memref<10240x128xf32, #tpu.memory_space<vmem_shared>> -> memref<10240x128xf32, #tpu.memory_space<vmem_shared>>
        tpu.enqueue_indirect_dma source(%arg24 : memref<128x128xf32, #tpu.memory_space<vmem>>) target(%dma_start3A_278 : memref<10240x128xf32, #tpu.memory_space<vmem_shared>>) offsets(%arg20 : memref<128xi32, #tpu.memory_space<vmem>>) semaphore(%run_scoped3A : memref<!tpu.dma_semaphore, #tpu.memory_space<semaphore_mem>>) {add = true}
        %dma_wait3A_279 = arith.constant 0 : i32
        %dma_wait3A_280 = arith.constant 0 : i32
        %dma_wait3A_281 = tpu.memref_slice %arg26[%dma_wait3A_279, %dma_wait3A_280] : memref<10240x128xf32, #tpu.memory_space<vmem_shared>> -> memref<10240x128xf32, #tpu.memory_space<vmem_shared>>
        tpu.wait_indirect_dma semaphore(%run_scoped3A : memref<!tpu.dma_semaphore, #tpu.memory_space<semaphore_mem>>) src(%arg24 : memref<128x128xf32, #tpu.memory_space<vmem>>) dst(%dma_wait3A_281 : memref<10240x128xf32, #tpu.memory_space<vmem_shared>>)
        tpu.yield
      }) : () -> ()
      %lt3A_203 = arith.constant 9 : i32
      %lt3A_204 = arith.cmpi slt, %scan3A_104, %lt3A_203 : i32
      %convert_element_type3A_205 = arith.extui %lt3A_204 : i1 to i32
      %cond3A_206 = arith.constant 0 : i32
      %cond3A_207 = arith.cmpi ne, %convert_element_type3A_205, %cond3A_206 : i32
      scf.if %cond3A_207 {
        %add3A_276 = arith.constant 8 : i32
        %add3A_277 = arith.addi %add3A_199, %add3A_276 : i32
        %add3A_278 = arith.addi %mul3A_6, %add3A_277 : i32
        %mul3A_279 = arith.constant 128 : i32
        %mul3A_280 = arith.muli %add3A_278, %mul3A_279 : i32
        %dma_start3A_281 = tpu.memref_slice %arg4[%mul3A_280] : memref<327680xi32, #tpu.memory_space<hbm>> -> memref<128xi32, #tpu.memory_space<hbm>>
        %dma_start3A_282 = tpu.memref_slice %arg4[%mul3A_280] : memref<327680xi32, #tpu.memory_space<hbm>> -> memref<128xi32, #tpu.memory_space<hbm>>
        tpu.enqueue_dma source(%dma_start3A_282 : memref<128xi32, #tpu.memory_space<hbm>>) target(%arg12 : memref<128xi32, #tpu.memory_space<vmem>>) target_semaphore(%arg31 : memref<!tpu.dma_semaphore, #tpu.memory_space<semaphore_mem>>)
        %dma_start3A_283 = tpu.memref_slice %arg5[%mul3A_280] : memref<327680xi32, #tpu.memory_space<hbm>> -> memref<128xi32, #tpu.memory_space<hbm>>
        %dma_start3A_284 = tpu.memref_slice %arg5[%mul3A_280] : memref<327680xi32, #tpu.memory_space<hbm>> -> memref<128xi32, #tpu.memory_space<hbm>>
        tpu.enqueue_dma source(%dma_start3A_284 : memref<128xi32, #tpu.memory_space<hbm>>) target(%arg20 : memref<128xi32, #tpu.memory_space<vmem>>) target_semaphore(%arg31 : memref<!tpu.dma_semaphore, #tpu.memory_space<semaphore_mem>>)
      } else {
      }
      %dma_wait3A_208 = arith.constant 0 : i32
      %dma_wait3A_209 = tpu.memref_slice %arg4[%dma_wait3A_208] : memref<327680xi32, #tpu.memory_space<hbm>> -> memref<128xi32, #tpu.memory_space<hbm>>
      %dma_wait3A_210 = arith.constant 0 : i32
      %dma_wait3A_211 = tpu.memref_slice %arg4[%dma_wait3A_210] : memref<327680xi32, #tpu.memory_space<hbm>> -> memref<128xi32, #tpu.memory_space<hbm>>
      tpu.wait_dma2 semaphore(%arg33 : memref<!tpu.dma_semaphore, #tpu.memory_space<semaphore_mem>>) src(%dma_wait3A_211 : memref<128xi32, #tpu.memory_space<hbm>>) dst(%arg14 : memref<128xi32, #tpu.memory_space<vmem>>)
      %dma_wait3A_212 = arith.constant 0 : i32
      %dma_wait3A_213 = tpu.memref_slice %arg5[%dma_wait3A_212] : memref<327680xi32, #tpu.memory_space<hbm>> -> memref<128xi32, #tpu.memory_space<hbm>>
      %dma_wait3A_214 = arith.constant 0 : i32
      %dma_wait3A_215 = tpu.memref_slice %arg5[%dma_wait3A_214] : memref<327680xi32, #tpu.memory_space<hbm>> -> memref<128xi32, #tpu.memory_space<hbm>>
      tpu.wait_dma2 semaphore(%arg33 : memref<!tpu.dma_semaphore, #tpu.memory_space<semaphore_mem>>) src(%dma_wait3A_215 : memref<128xi32, #tpu.memory_space<hbm>>) dst(%arg22 : memref<128xi32, #tpu.memory_space<vmem>>)
      %dma_start3A_216 = arith.constant 0 : i32
      %dma_start3A_217 = arith.constant 0 : i32
      %dma_start3A_218 = tpu.memref_slice %arg2[%dma_start3A_216, %dma_start3A_217] : memref<10240x128xf32, #tpu.memory_space<hbm>> -> memref<10240x128xf32, #tpu.memory_space<hbm>>
      tpu.enqueue_indirect_dma source(%dma_start3A_218 : memref<10240x128xf32, #tpu.memory_space<hbm>>) target(%arg24 : memref<128x128xf32, #tpu.memory_space<vmem>>) offsets(%arg14 : memref<128xi32, #tpu.memory_space<vmem>>) semaphore(%arg35 : memref<!tpu.dma_semaphore, #tpu.memory_space<semaphore_mem>>)
      %mul3A_219 = arith.constant 8 : i32
      %mul3A_220 = arith.muli %mul3A_219, %scan3A_104 : i32
      %add3A_221 = arith.constant 5 : i32
      %add3A_222 = arith.addi %mul3A_220, %add3A_221 : i32
      %dma_wait3A_223 = arith.constant 0 : i32
      %dma_wait3A_224 = arith.constant 0 : i32
      %dma_wait3A_225 = tpu.memref_slice %arg2[%dma_wait3A_223, %dma_wait3A_224] : memref<10240x128xf32, #tpu.memory_space<hbm>> -> memref<10240x128xf32, #tpu.memory_space<hbm>>
      tpu.wait_indirect_dma semaphore(%arg36 : memref<!tpu.dma_semaphore, #tpu.memory_space<semaphore_mem>>) src(%dma_wait3A_225 : memref<10240x128xf32, #tpu.memory_space<hbm>>) dst(%arg25 : memref<128x128xf32, #tpu.memory_space<vmem>>)
      "tpu.region"() ({
        %run_scoped3A = tpu.sem_alloc : memref<!tpu.dma_semaphore, #tpu.memory_space<semaphore_mem>>
        %dma_start3A_276 = arith.constant 0 : i32
        %dma_start3A_277 = arith.constant 0 : i32
        %dma_start3A_278 = tpu.memref_slice %arg26[%dma_start3A_276, %dma_start3A_277] : memref<10240x128xf32, #tpu.memory_space<vmem_shared>> -> memref<10240x128xf32, #tpu.memory_space<vmem_shared>>
        tpu.enqueue_indirect_dma source(%arg25 : memref<128x128xf32, #tpu.memory_space<vmem>>) target(%dma_start3A_278 : memref<10240x128xf32, #tpu.memory_space<vmem_shared>>) offsets(%arg21 : memref<128xi32, #tpu.memory_space<vmem>>) semaphore(%run_scoped3A : memref<!tpu.dma_semaphore, #tpu.memory_space<semaphore_mem>>) {add = true}
        %dma_wait3A_279 = arith.constant 0 : i32
        %dma_wait3A_280 = arith.constant 0 : i32
        %dma_wait3A_281 = tpu.memref_slice %arg26[%dma_wait3A_279, %dma_wait3A_280] : memref<10240x128xf32, #tpu.memory_space<vmem_shared>> -> memref<10240x128xf32, #tpu.memory_space<vmem_shared>>
        tpu.wait_indirect_dma semaphore(%run_scoped3A : memref<!tpu.dma_semaphore, #tpu.memory_space<semaphore_mem>>) src(%arg25 : memref<128x128xf32, #tpu.memory_space<vmem>>) dst(%dma_wait3A_281 : memref<10240x128xf32, #tpu.memory_space<vmem_shared>>)
        tpu.yield
      }) : () -> ()
      %lt3A_226 = arith.constant 9 : i32
      %lt3A_227 = arith.cmpi slt, %scan3A_104, %lt3A_226 : i32
      %convert_element_type3A_228 = arith.extui %lt3A_227 : i1 to i32
      %cond3A_229 = arith.constant 0 : i32
      %cond3A_230 = arith.cmpi ne, %convert_element_type3A_228, %cond3A_229 : i32
      scf.if %cond3A_230 {
        %add3A_276 = arith.constant 8 : i32
        %add3A_277 = arith.addi %add3A_222, %add3A_276 : i32
        %add3A_278 = arith.addi %mul3A_6, %add3A_277 : i32
        %mul3A_279 = arith.constant 128 : i32
        %mul3A_280 = arith.muli %add3A_278, %mul3A_279 : i32
        %dma_start3A_281 = tpu.memref_slice %arg4[%mul3A_280] : memref<327680xi32, #tpu.memory_space<hbm>> -> memref<128xi32, #tpu.memory_space<hbm>>
        %dma_start3A_282 = tpu.memref_slice %arg4[%mul3A_280] : memref<327680xi32, #tpu.memory_space<hbm>> -> memref<128xi32, #tpu.memory_space<hbm>>
        tpu.enqueue_dma source(%dma_start3A_282 : memref<128xi32, #tpu.memory_space<hbm>>) target(%arg13 : memref<128xi32, #tpu.memory_space<vmem>>) target_semaphore(%arg32 : memref<!tpu.dma_semaphore, #tpu.memory_space<semaphore_mem>>)
        %dma_start3A_283 = tpu.memref_slice %arg5[%mul3A_280] : memref<327680xi32, #tpu.memory_space<hbm>> -> memref<128xi32, #tpu.memory_space<hbm>>
        %dma_start3A_284 = tpu.memref_slice %arg5[%mul3A_280] : memref<327680xi32, #tpu.memory_space<hbm>> -> memref<128xi32, #tpu.memory_space<hbm>>
        tpu.enqueue_dma source(%dma_start3A_284 : memref<128xi32, #tpu.memory_space<hbm>>) target(%arg21 : memref<128xi32, #tpu.memory_space<vmem>>) target_semaphore(%arg32 : memref<!tpu.dma_semaphore, #tpu.memory_space<semaphore_mem>>)
      } else {
      }
      %dma_wait3A_231 = arith.constant 0 : i32
      %dma_wait3A_232 = tpu.memref_slice %arg4[%dma_wait3A_231] : memref<327680xi32, #tpu.memory_space<hbm>> -> memref<128xi32, #tpu.memory_space<hbm>>
      %dma_wait3A_233 = arith.constant 0 : i32
      %dma_wait3A_234 = tpu.memref_slice %arg4[%dma_wait3A_233] : memref<327680xi32, #tpu.memory_space<hbm>> -> memref<128xi32, #tpu.memory_space<hbm>>
      tpu.wait_dma2 semaphore(%arg34 : memref<!tpu.dma_semaphore, #tpu.memory_space<semaphore_mem>>) src(%dma_wait3A_234 : memref<128xi32, #tpu.memory_space<hbm>>) dst(%arg15 : memref<128xi32, #tpu.memory_space<vmem>>)
      %dma_wait3A_235 = arith.constant 0 : i32
      %dma_wait3A_236 = tpu.memref_slice %arg5[%dma_wait3A_235] : memref<327680xi32, #tpu.memory_space<hbm>> -> memref<128xi32, #tpu.memory_space<hbm>>
      %dma_wait3A_237 = arith.constant 0 : i32
      %dma_wait3A_238 = tpu.memref_slice %arg5[%dma_wait3A_237] : memref<327680xi32, #tpu.memory_space<hbm>> -> memref<128xi32, #tpu.memory_space<hbm>>
      tpu.wait_dma2 semaphore(%arg34 : memref<!tpu.dma_semaphore, #tpu.memory_space<semaphore_mem>>) src(%dma_wait3A_238 : memref<128xi32, #tpu.memory_space<hbm>>) dst(%arg23 : memref<128xi32, #tpu.memory_space<vmem>>)
      %dma_start3A_239 = arith.constant 0 : i32
      %dma_start3A_240 = arith.constant 0 : i32
      %dma_start3A_241 = tpu.memref_slice %arg2[%dma_start3A_239, %dma_start3A_240] : memref<10240x128xf32, #tpu.memory_space<hbm>> -> memref<10240x128xf32, #tpu.memory_space<hbm>>
      tpu.enqueue_indirect_dma source(%dma_start3A_241 : memref<10240x128xf32, #tpu.memory_space<hbm>>) target(%arg25 : memref<128x128xf32, #tpu.memory_space<vmem>>) offsets(%arg15 : memref<128xi32, #tpu.memory_space<vmem>>) semaphore(%arg36 : memref<!tpu.dma_semaphore, #tpu.memory_space<semaphore_mem>>)
      %mul3A_242 = arith.constant 8 : i32
      %mul3A_243 = arith.muli %mul3A_242, %scan3A_104 : i32
      %add3A_244 = arith.constant 6 : i32
      %add3A_245 = arith.addi %mul3A_243, %add3A_244 : i32
      %dma_wait3A_246 = arith.constant 0 : i32
      %dma_wait3A_247 = arith.constant 0 : i32
      %dma_wait3A_248 = tpu.memref_slice %arg2[%dma_wait3A_246, %dma_wait3A_247] : memref<10240x128xf32, #tpu.memory_space<hbm>> -> memref<10240x128xf32, #tpu.memory_space<hbm>>
      tpu.wait_indirect_dma semaphore(%arg35 : memref<!tpu.dma_semaphore, #tpu.memory_space<semaphore_mem>>) src(%dma_wait3A_248 : memref<10240x128xf32, #tpu.memory_space<hbm>>) dst(%arg24 : memref<128x128xf32, #tpu.memory_space<vmem>>)
      "tpu.region"() ({
        %run_scoped3A = tpu.sem_alloc : memref<!tpu.dma_semaphore, #tpu.memory_space<semaphore_mem>>
        %dma_start3A_276 = arith.constant 0 : i32
        %dma_start3A_277 = arith.constant 0 : i32
        %dma_start3A_278 = tpu.memref_slice %arg26[%dma_start3A_276, %dma_start3A_277] : memref<10240x128xf32, #tpu.memory_space<vmem_shared>> -> memref<10240x128xf32, #tpu.memory_space<vmem_shared>>
        tpu.enqueue_indirect_dma source(%arg24 : memref<128x128xf32, #tpu.memory_space<vmem>>) target(%dma_start3A_278 : memref<10240x128xf32, #tpu.memory_space<vmem_shared>>) offsets(%arg22 : memref<128xi32, #tpu.memory_space<vmem>>) semaphore(%run_scoped3A : memref<!tpu.dma_semaphore, #tpu.memory_space<semaphore_mem>>) {add = true}
        %dma_wait3A_279 = arith.constant 0 : i32
        %dma_wait3A_280 = arith.constant 0 : i32
        %dma_wait3A_281 = tpu.memref_slice %arg26[%dma_wait3A_279, %dma_wait3A_280] : memref<10240x128xf32, #tpu.memory_space<vmem_shared>> -> memref<10240x128xf32, #tpu.memory_space<vmem_shared>>
        tpu.wait_indirect_dma semaphore(%run_scoped3A : memref<!tpu.dma_semaphore, #tpu.memory_space<semaphore_mem>>) src(%arg24 : memref<128x128xf32, #tpu.memory_space<vmem>>) dst(%dma_wait3A_281 : memref<10240x128xf32, #tpu.memory_space<vmem_shared>>)
        tpu.yield
      }) : () -> ()
      %lt3A_249 = arith.constant 9 : i32
      %lt3A_250 = arith.cmpi slt, %scan3A_104, %lt3A_249 : i32
      %convert_element_type3A_251 = arith.extui %lt3A_250 : i1 to i32
      %cond3A_252 = arith.constant 0 : i32
      %cond3A_253 = arith.cmpi ne, %convert_element_type3A_251, %cond3A_252 : i32
      scf.if %cond3A_253 {
        %add3A_276 = arith.constant 8 : i32
        %add3A_277 = arith.addi %add3A_245, %add3A_276 : i32
        %add3A_278 = arith.addi %mul3A_6, %add3A_277 : i32
        %mul3A_279 = arith.constant 128 : i32
        %mul3A_280 = arith.muli %add3A_278, %mul3A_279 : i32
        %dma_start3A_281 = tpu.memref_slice %arg4[%mul3A_280] : memref<327680xi32, #tpu.memory_space<hbm>> -> memref<128xi32, #tpu.memory_space<hbm>>
        %dma_start3A_282 = tpu.memref_slice %arg4[%mul3A_280] : memref<327680xi32, #tpu.memory_space<hbm>> -> memref<128xi32, #tpu.memory_space<hbm>>
        tpu.enqueue_dma source(%dma_start3A_282 : memref<128xi32, #tpu.memory_space<hbm>>) target(%arg14 : memref<128xi32, #tpu.memory_space<vmem>>) target_semaphore(%arg33 : memref<!tpu.dma_semaphore, #tpu.memory_space<semaphore_mem>>)
        %dma_start3A_283 = tpu.memref_slice %arg5[%mul3A_280] : memref<327680xi32, #tpu.memory_space<hbm>> -> memref<128xi32, #tpu.memory_space<hbm>>
        %dma_start3A_284 = tpu.memref_slice %arg5[%mul3A_280] : memref<327680xi32, #tpu.memory_space<hbm>> -> memref<128xi32, #tpu.memory_space<hbm>>
        tpu.enqueue_dma source(%dma_start3A_284 : memref<128xi32, #tpu.memory_space<hbm>>) target(%arg22 : memref<128xi32, #tpu.memory_space<vmem>>) target_semaphore(%arg33 : memref<!tpu.dma_semaphore, #tpu.memory_space<semaphore_mem>>)
      } else {
      }
      %lt3A_254 = arith.constant 9 : i32
      %lt3A_255 = arith.cmpi slt, %scan3A_104, %lt3A_254 : i32
      %convert_element_type3A_256 = arith.extui %lt3A_255 : i1 to i32
      %cond3A_257 = arith.constant 0 : i32
      %cond3A_258 = arith.cmpi ne, %convert_element_type3A_256, %cond3A_257 : i32
      scf.if %cond3A_258 {
        %dma_wait3A_276 = arith.constant 0 : i32
        %dma_wait3A_277 = tpu.memref_slice %arg4[%dma_wait3A_276] : memref<327680xi32, #tpu.memory_space<hbm>> -> memref<128xi32, #tpu.memory_space<hbm>>
        %dma_wait3A_278 = arith.constant 0 : i32
        %dma_wait3A_279 = tpu.memref_slice %arg4[%dma_wait3A_278] : memref<327680xi32, #tpu.memory_space<hbm>> -> memref<128xi32, #tpu.memory_space<hbm>>
        tpu.wait_dma2 semaphore(%arg27 : memref<!tpu.dma_semaphore, #tpu.memory_space<semaphore_mem>>) src(%dma_wait3A_279 : memref<128xi32, #tpu.memory_space<hbm>>) dst(%arg8 : memref<128xi32, #tpu.memory_space<vmem>>)
        %dma_wait3A_280 = arith.constant 0 : i32
        %dma_wait3A_281 = tpu.memref_slice %arg5[%dma_wait3A_280] : memref<327680xi32, #tpu.memory_space<hbm>> -> memref<128xi32, #tpu.memory_space<hbm>>
        %dma_wait3A_282 = arith.constant 0 : i32
        %dma_wait3A_283 = tpu.memref_slice %arg5[%dma_wait3A_282] : memref<327680xi32, #tpu.memory_space<hbm>> -> memref<128xi32, #tpu.memory_space<hbm>>
        tpu.wait_dma2 semaphore(%arg27 : memref<!tpu.dma_semaphore, #tpu.memory_space<semaphore_mem>>) src(%dma_wait3A_283 : memref<128xi32, #tpu.memory_space<hbm>>) dst(%arg16 : memref<128xi32, #tpu.memory_space<vmem>>)
        %dma_start3A_284 = arith.constant 0 : i32
        %dma_start3A_285 = arith.constant 0 : i32
        %dma_start3A_286 = tpu.memref_slice %arg2[%dma_start3A_284, %dma_start3A_285] : memref<10240x128xf32, #tpu.memory_space<hbm>> -> memref<10240x128xf32, #tpu.memory_space<hbm>>
        tpu.enqueue_indirect_dma source(%dma_start3A_286 : memref<10240x128xf32, #tpu.memory_space<hbm>>) target(%arg24 : memref<128x128xf32, #tpu.memory_space<vmem>>) offsets(%arg8 : memref<128xi32, #tpu.memory_space<vmem>>) semaphore(%arg35 : memref<!tpu.dma_semaphore, #tpu.memory_space<semaphore_mem>>)
      } else {
      }
      %mul3A_259 = arith.constant 8 : i32
      %mul3A_260 = arith.muli %mul3A_259, %scan3A_104 : i32
      %add3A_261 = arith.constant 7 : i32
      %add3A_262 = arith.addi %mul3A_260, %add3A_261 : i32
      %dma_wait3A_263 = arith.constant 0 : i32
      %dma_wait3A_264 = arith.constant 0 : i32
      %dma_wait3A_265 = tpu.memref_slice %arg2[%dma_wait3A_263, %dma_wait3A_264] : memref<10240x128xf32, #tpu.memory_space<hbm>> -> memref<10240x128xf32, #tpu.memory_space<hbm>>
      tpu.wait_indirect_dma semaphore(%arg36 : memref<!tpu.dma_semaphore, #tpu.memory_space<semaphore_mem>>) src(%dma_wait3A_265 : memref<10240x128xf32, #tpu.memory_space<hbm>>) dst(%arg25 : memref<128x128xf32, #tpu.memory_space<vmem>>)
      "tpu.region"() ({
        %run_scoped3A = tpu.sem_alloc : memref<!tpu.dma_semaphore, #tpu.memory_space<semaphore_mem>>
        %dma_start3A_276 = arith.constant 0 : i32
        %dma_start3A_277 = arith.constant 0 : i32
        %dma_start3A_278 = tpu.memref_slice %arg26[%dma_start3A_276, %dma_start3A_277] : memref<10240x128xf32, #tpu.memory_space<vmem_shared>> -> memref<10240x128xf32, #tpu.memory_space<vmem_shared>>
        tpu.enqueue_indirect_dma source(%arg25 : memref<128x128xf32, #tpu.memory_space<vmem>>) target(%dma_start3A_278 : memref<10240x128xf32, #tpu.memory_space<vmem_shared>>) offsets(%arg23 : memref<128xi32, #tpu.memory_space<vmem>>) semaphore(%run_scoped3A : memref<!tpu.dma_semaphore, #tpu.memory_space<semaphore_mem>>) {add = true}
        %dma_wait3A_279 = arith.constant 0 : i32
        %dma_wait3A_280 = arith.constant 0 : i32
        %dma_wait3A_281 = tpu.memref_slice %arg26[%dma_wait3A_279, %dma_wait3A_280] : memref<10240x128xf32, #tpu.memory_space<vmem_shared>> -> memref<10240x128xf32, #tpu.memory_space<vmem_shared>>
        tpu.wait_indirect_dma semaphore(%run_scoped3A : memref<!tpu.dma_semaphore, #tpu.memory_space<semaphore_mem>>) src(%arg25 : memref<128x128xf32, #tpu.memory_space<vmem>>) dst(%dma_wait3A_281 : memref<10240x128xf32, #tpu.memory_space<vmem_shared>>)
        tpu.yield
      }) : () -> ()
      %lt3A_266 = arith.constant 9 : i32
      %lt3A_267 = arith.cmpi slt, %scan3A_104, %lt3A_266 : i32
      %convert_element_type3A_268 = arith.extui %lt3A_267 : i1 to i32
      %cond3A_269 = arith.constant 0 : i32
      %cond3A_270 = arith.cmpi ne, %convert_element_type3A_268, %cond3A_269 : i32
      scf.if %cond3A_270 {
        %add3A_276 = arith.constant 8 : i32
        %add3A_277 = arith.addi %add3A_262, %add3A_276 : i32
        %add3A_278 = arith.addi %mul3A_6, %add3A_277 : i32
        %mul3A_279 = arith.constant 128 : i32
        %mul3A_280 = arith.muli %add3A_278, %mul3A_279 : i32
        %dma_start3A_281 = tpu.memref_slice %arg4[%mul3A_280] : memref<327680xi32, #tpu.memory_space<hbm>> -> memref<128xi32, #tpu.memory_space<hbm>>
        %dma_start3A_282 = tpu.memref_slice %arg4[%mul3A_280] : memref<327680xi32, #tpu.memory_space<hbm>> -> memref<128xi32, #tpu.memory_space<hbm>>
        tpu.enqueue_dma source(%dma_start3A_282 : memref<128xi32, #tpu.memory_space<hbm>>) target(%arg15 : memref<128xi32, #tpu.memory_space<vmem>>) target_semaphore(%arg34 : memref<!tpu.dma_semaphore, #tpu.memory_space<semaphore_mem>>)
        %dma_start3A_283 = tpu.memref_slice %arg5[%mul3A_280] : memref<327680xi32, #tpu.memory_space<hbm>> -> memref<128xi32, #tpu.memory_space<hbm>>
        %dma_start3A_284 = tpu.memref_slice %arg5[%mul3A_280] : memref<327680xi32, #tpu.memory_space<hbm>> -> memref<128xi32, #tpu.memory_space<hbm>>
        tpu.enqueue_dma source(%dma_start3A_284 : memref<128xi32, #tpu.memory_space<hbm>>) target(%arg23 : memref<128xi32, #tpu.memory_space<vmem>>) target_semaphore(%arg34 : memref<!tpu.dma_semaphore, #tpu.memory_space<semaphore_mem>>)
      } else {
      }
      %lt3A_271 = arith.constant 9 : i32
      %lt3A_272 = arith.cmpi slt, %scan3A_104, %lt3A_271 : i32
      %convert_element_type3A_273 = arith.extui %lt3A_272 : i1 to i32
      %cond3A_274 = arith.constant 0 : i32
      %cond3A_275 = arith.cmpi ne, %convert_element_type3A_273, %cond3A_274 : i32
      scf.if %cond3A_275 {
        %dma_wait3A_276 = arith.constant 0 : i32
        %dma_wait3A_277 = tpu.memref_slice %arg4[%dma_wait3A_276] : memref<327680xi32, #tpu.memory_space<hbm>> -> memref<128xi32, #tpu.memory_space<hbm>>
        %dma_wait3A_278 = arith.constant 0 : i32
        %dma_wait3A_279 = tpu.memref_slice %arg4[%dma_wait3A_278] : memref<327680xi32, #tpu.memory_space<hbm>> -> memref<128xi32, #tpu.memory_space<hbm>>
        tpu.wait_dma2 semaphore(%arg28 : memref<!tpu.dma_semaphore, #tpu.memory_space<semaphore_mem>>) src(%dma_wait3A_279 : memref<128xi32, #tpu.memory_space<hbm>>) dst(%arg9 : memref<128xi32, #tpu.memory_space<vmem>>)
        %dma_wait3A_280 = arith.constant 0 : i32
        %dma_wait3A_281 = tpu.memref_slice %arg5[%dma_wait3A_280] : memref<327680xi32, #tpu.memory_space<hbm>> -> memref<128xi32, #tpu.memory_space<hbm>>
        %dma_wait3A_282 = arith.constant 0 : i32
        %dma_wait3A_283 = tpu.memref_slice %arg5[%dma_wait3A_282] : memref<327680xi32, #tpu.memory_space<hbm>> -> memref<128xi32, #tpu.memory_space<hbm>>
        tpu.wait_dma2 semaphore(%arg28 : memref<!tpu.dma_semaphore, #tpu.memory_space<semaphore_mem>>) src(%dma_wait3A_283 : memref<128xi32, #tpu.memory_space<hbm>>) dst(%arg17 : memref<128xi32, #tpu.memory_space<vmem>>)
        %dma_start3A_284 = arith.constant 0 : i32
        %dma_start3A_285 = arith.constant 0 : i32
        %dma_start3A_286 = tpu.memref_slice %arg2[%dma_start3A_284, %dma_start3A_285] : memref<10240x128xf32, #tpu.memory_space<hbm>> -> memref<10240x128xf32, #tpu.memory_space<hbm>>
        tpu.enqueue_indirect_dma source(%dma_start3A_286 : memref<10240x128xf32, #tpu.memory_space<hbm>>) target(%arg25 : memref<128x128xf32, #tpu.memory_space<vmem>>) offsets(%arg9 : memref<128xi32, #tpu.memory_space<vmem>>) semaphore(%arg36 : memref<!tpu.dma_semaphore, #tpu.memory_space<semaphore_mem>>)
      } else {
      }
    }
    %scan3A_95 = arith.constant 10 : i32
    %barrier3A_96 = arith.constant 0 : index
    tpu.barrier barrier_id(%barrier3A_96)
    %eq3A = arith.constant 0 : i32
    %eq3A_97 = arith.cmpi eq, %arg0, %eq3A : i32
    %convert_element_type3A = arith.extui %eq3A_97 : i1 to i32
    %cond3A = arith.constant 0 : i32
    %cond3A_98 = arith.cmpi ne, %convert_element_type3A, %cond3A : i32
    scf.if %cond3A_98 {
      %mul3A_104 = arith.constant 640 : i32
      %mul3A_105 = arith.muli %arg1, %mul3A_104 : i32
      %mul3A_106 = arith.constant 640 : i32
      %mul3A_107 = arith.muli %arg1, %mul3A_106 : i32
      "tpu.region"() ({
        %run_scoped3A = tpu.sem_alloc : memref<!tpu.dma_semaphore, #tpu.memory_space<semaphore_mem>>
        %dma_start3A_108 = arith.constant 0 : i32
        %dma_start3A_109 = tpu.memref_slice %arg6[%mul3A_107, %dma_start3A_108] : memref<10240x128xf32, #tpu.memory_space<hbm>> -> memref<640x128xf32, #tpu.memory_space<hbm>>
        %dma_start3A_110 = arith.constant 0 : i32
        %dma_start3A_111 = tpu.memref_slice %arg26[%mul3A_105, %dma_start3A_110] : memref<10240x128xf32, #tpu.memory_space<vmem_shared>> -> memref<640x128xf32, #tpu.memory_space<vmem_shared>>
        tpu.enqueue_dma source(%dma_start3A_111 : memref<640x128xf32, #tpu.memory_space<vmem_shared>>) target(%dma_start3A_109 : memref<640x128xf32, #tpu.memory_space<hbm>>) target_semaphore(%run_scoped3A : memref<!tpu.dma_semaphore, #tpu.memory_space<semaphore_mem>>)
        %dma_wait3A_112 = arith.constant 0 : i32
        %dma_wait3A_113 = tpu.memref_slice %arg6[%mul3A_107, %dma_wait3A_112] : memref<10240x128xf32, #tpu.memory_space<hbm>> -> memref<640x128xf32, #tpu.memory_space<hbm>>
        %dma_wait3A_114 = arith.constant 0 : i32
        %dma_wait3A_115 = tpu.memref_slice %arg26[%mul3A_105, %dma_wait3A_114] : memref<10240x128xf32, #tpu.memory_space<vmem_shared>> -> memref<640x128xf32, #tpu.memory_space<vmem_shared>>
        tpu.wait_dma2 semaphore(%run_scoped3A : memref<!tpu.dma_semaphore, #tpu.memory_space<semaphore_mem>>) src(%dma_wait3A_115 : memref<640x128xf32, #tpu.memory_space<vmem_shared>>) dst(%dma_wait3A_113 : memref<640x128xf32, #tpu.memory_space<hbm>>)
        tpu.yield
      }) : () -> ()
    } else {
    }
    %eq3A_99 = arith.constant 1 : i32
    %eq3A_100 = arith.cmpi eq, %arg0, %eq3A_99 : i32
    %convert_element_type3A_101 = arith.extui %eq3A_100 : i1 to i32
    %cond3A_102 = arith.constant 0 : i32
    %cond3A_103 = arith.cmpi ne, %convert_element_type3A_101, %cond3A_102 : i32
    scf.if %cond3A_103 {
      %mul3A_104 = arith.constant 640 : i32
      %mul3A_105 = arith.muli %arg1, %mul3A_104 : i32
      %mul3A_106 = arith.constant 640 : i32
      %mul3A_107 = arith.muli %arg1, %mul3A_106 : i32
      "tpu.region"() ({
        %run_scoped3A = tpu.sem_alloc : memref<!tpu.dma_semaphore, #tpu.memory_space<semaphore_mem>>
        %dma_start3A_108 = arith.constant 0 : i32
        %dma_start3A_109 = tpu.memref_slice %arg7[%mul3A_107, %dma_start3A_108] : memref<10240x128xf32, #tpu.memory_space<hbm>> -> memref<640x128xf32, #tpu.memory_space<hbm>>
        %dma_start3A_110 = arith.constant 0 : i32
        %dma_start3A_111 = tpu.memref_slice %arg26[%mul3A_105, %dma_start3A_110] : memref<10240x128xf32, #tpu.memory_space<vmem_shared>> -> memref<640x128xf32, #tpu.memory_space<vmem_shared>>
        tpu.enqueue_dma source(%dma_start3A_111 : memref<640x128xf32, #tpu.memory_space<vmem_shared>>) target(%dma_start3A_109 : memref<640x128xf32, #tpu.memory_space<hbm>>) target_semaphore(%run_scoped3A : memref<!tpu.dma_semaphore, #tpu.memory_space<semaphore_mem>>)
        %dma_wait3A_112 = arith.constant 0 : i32
        %dma_wait3A_113 = tpu.memref_slice %arg7[%mul3A_107, %dma_wait3A_112] : memref<10240x128xf32, #tpu.memory_space<hbm>> -> memref<640x128xf32, #tpu.memory_space<hbm>>
        %dma_wait3A_114 = arith.constant 0 : i32
        %dma_wait3A_115 = tpu.memref_slice %arg26[%mul3A_105, %dma_wait3A_114] : memref<10240x128xf32, #tpu.memory_space<vmem_shared>> -> memref<640x128xf32, #tpu.memory_space<vmem_shared>>
        tpu.wait_dma2 semaphore(%run_scoped3A : memref<!tpu.dma_semaphore, #tpu.memory_space<semaphore_mem>>) src(%dma_wait3A_115 : memref<640x128xf32, #tpu.memory_space<vmem_shared>>) dst(%dma_wait3A_113 : memref<640x128xf32, #tpu.memory_space<hbm>>)
        tpu.yield
      }) : () -> ()
    } else {
    }
    return
  }
}

#map = affine_map<(d0, d1) -> (0)>
module attributes {stable_mosaic.version = 14 : i64} {
  func.func @_sc_deg_body(%arg0: i32, %arg1: i32, %arg2: memref<327680xi32, #tpu.memory_space<hbm>>, %arg3: memref<128xf32, #tpu.memory_space<hbm>>, %arg4: memref<10240xf32, #tpu.memory_space<hbm>>, %arg5: memref<10240xf32, #tpu.memory_space<hbm>>, %arg6: memref<10240xf32, #tpu.memory_space<hbm>>, %arg7: memref<128xi32, #tpu.memory_space<vmem>>, %arg8: memref<128xi32, #tpu.memory_space<vmem>>, %arg9: memref<128xf32, #tpu.memory_space<vmem>>, %arg10: memref<10240xf32, #tpu.memory_space<vmem_shared>>, %arg11: memref<!tpu.dma_semaphore, #tpu.memory_space<semaphore_mem>>, %arg12: memref<!tpu.dma_semaphore, #tpu.memory_space<semaphore_mem>>) attributes {dimension_semantics = [#tpu.dimension_semantics<core_parallel>, #tpu.dimension_semantics<subcore_parallel>], iteration_bounds = array<i64: 2, 16>, scalar_prefetch = 0 : i64, scratch_operands = 6 : i64, tpu.core_type = #tpu.core_type<sc_vector_subcore>, window_params = [{transform_indices = #map}, {transform_indices = #map}, {transform_indices = #map}, {transform_indices = #map}, {transform_indices = #map}]} {
    %mul3A = arith.constant 640 : i32
    %mul3A_0 = arith.muli %arg1, %mul3A : i32
    %mul3A_1 = arith.constant 640 : i32
    %mul3A_2 = arith.muli %arg1, %mul3A_1 : i32
    "tpu.region"() ({
      %run_scoped3A = tpu.sem_alloc : memref<!tpu.dma_semaphore, #tpu.memory_space<semaphore_mem>>
      %dma_start3A_31 = tpu.memref_slice %arg10[%mul3A_2] : memref<10240xf32, #tpu.memory_space<vmem_shared>> -> memref<640xf32, #tpu.memory_space<vmem_shared>>
      %dma_start3A_32 = tpu.memref_slice %arg4[%mul3A_0] : memref<10240xf32, #tpu.memory_space<hbm>> -> memref<640xf32, #tpu.memory_space<hbm>>
      tpu.enqueue_dma source(%dma_start3A_32 : memref<640xf32, #tpu.memory_space<hbm>>) target(%dma_start3A_31 : memref<640xf32, #tpu.memory_space<vmem_shared>>) target_semaphore(%run_scoped3A : memref<!tpu.dma_semaphore, #tpu.memory_space<semaphore_mem>>)
      %dma_wait3A = tpu.memref_slice %arg10[%mul3A_2] : memref<10240xf32, #tpu.memory_space<vmem_shared>> -> memref<640xf32, #tpu.memory_space<vmem_shared>>
      %dma_wait3A_33 = tpu.memref_slice %arg4[%mul3A_0] : memref<10240xf32, #tpu.memory_space<hbm>> -> memref<640xf32, #tpu.memory_space<hbm>>
      tpu.wait_dma2 semaphore(%run_scoped3A : memref<!tpu.dma_semaphore, #tpu.memory_space<semaphore_mem>>) src(%dma_wait3A_33 : memref<640xf32, #tpu.memory_space<hbm>>) dst(%dma_wait3A : memref<640xf32, #tpu.memory_space<vmem_shared>>)
      tpu.yield
    }) : () -> ()
    "tpu.region"() ({
      %run_scoped3A = tpu.sem_alloc : memref<!tpu.dma_semaphore, #tpu.memory_space<semaphore_mem>>
      tpu.enqueue_dma source(%arg3 : memref<128xf32, #tpu.memory_space<hbm>>) target(%arg9 : memref<128xf32, #tpu.memory_space<vmem>>) target_semaphore(%run_scoped3A : memref<!tpu.dma_semaphore, #tpu.memory_space<semaphore_mem>>)
      tpu.wait_dma2 semaphore(%run_scoped3A : memref<!tpu.dma_semaphore, #tpu.memory_space<semaphore_mem>>) src(%arg3 : memref<128xf32, #tpu.memory_space<hbm>>) dst(%arg9 : memref<128xf32, #tpu.memory_space<vmem>>)
      tpu.yield
    }) : () -> ()
    %barrier3A = arith.constant 0 : index
    tpu.barrier barrier_id(%barrier3A)
    %mul3A_3 = arith.constant 16 : i32
    %mul3A_4 = arith.muli %arg0, %mul3A_3 : i32
    %add3A = arith.addi %mul3A_4, %arg1 : i32
    %mul3A_5 = arith.constant 80 : i32
    %mul3A_6 = arith.muli %add3A, %mul3A_5 : i32
    %add3A_7 = arith.constant 0 : i32
    %add3A_8 = arith.addi %mul3A_6, %add3A_7 : i32
    %mul3A_9 = arith.constant 128 : i32
    %mul3A_10 = arith.muli %add3A_8, %mul3A_9 : i32
    %dma_start3A = tpu.memref_slice %arg2[%mul3A_10] : memref<327680xi32, #tpu.memory_space<hbm>> -> memref<128xi32, #tpu.memory_space<hbm>>
    %dma_start3A_11 = tpu.memref_slice %arg2[%mul3A_10] : memref<327680xi32, #tpu.memory_space<hbm>> -> memref<128xi32, #tpu.memory_space<hbm>>
    tpu.enqueue_dma source(%dma_start3A_11 : memref<128xi32, #tpu.memory_space<hbm>>) target(%arg7 : memref<128xi32, #tpu.memory_space<vmem>>) target_semaphore(%arg11 : memref<!tpu.dma_semaphore, #tpu.memory_space<semaphore_mem>>)
    %add3A_12 = arith.constant 1 : i32
    %add3A_13 = arith.addi %mul3A_6, %add3A_12 : i32
    %mul3A_14 = arith.constant 128 : i32
    %mul3A_15 = arith.muli %add3A_13, %mul3A_14 : i32
    %dma_start3A_16 = tpu.memref_slice %arg2[%mul3A_15] : memref<327680xi32, #tpu.memory_space<hbm>> -> memref<128xi32, #tpu.memory_space<hbm>>
    %dma_start3A_17 = tpu.memref_slice %arg2[%mul3A_15] : memref<327680xi32, #tpu.memory_space<hbm>> -> memref<128xi32, #tpu.memory_space<hbm>>
    tpu.enqueue_dma source(%dma_start3A_17 : memref<128xi32, #tpu.memory_space<hbm>>) target(%arg8 : memref<128xi32, #tpu.memory_space<vmem>>) target_semaphore(%arg12 : memref<!tpu.dma_semaphore, #tpu.memory_space<semaphore_mem>>)
    %scan3A = arith.constant 0 : i32
    %scan3A_18 = arith.constant 0 : i32
    %scan3A_19 = arith.constant 40 : i32
    %scan3A_20 = arith.addi %scan3A_18, %scan3A_19 : i32
    %scan3A_21 = arith.constant 1 : i32
    scf.for %scan3A_31 = %scan3A_18 to %scan3A_20 step %scan3A_21  : i32 {
      %mul3A_32 = arith.constant 2 : i32
      %mul3A_33 = arith.muli %mul3A_32, %scan3A_31 : i32
      %add3A_34 = arith.constant 0 : i32
      %add3A_35 = arith.addi %mul3A_33, %add3A_34 : i32
      %dma_wait3A = arith.constant 0 : i32
      %dma_wait3A_36 = tpu.memref_slice %arg2[%dma_wait3A] : memref<327680xi32, #tpu.memory_space<hbm>> -> memref<128xi32, #tpu.memory_space<hbm>>
      %dma_wait3A_37 = arith.constant 0 : i32
      %dma_wait3A_38 = tpu.memref_slice %arg2[%dma_wait3A_37] : memref<327680xi32, #tpu.memory_space<hbm>> -> memref<128xi32, #tpu.memory_space<hbm>>
      tpu.wait_dma2 semaphore(%arg11 : memref<!tpu.dma_semaphore, #tpu.memory_space<semaphore_mem>>) src(%dma_wait3A_38 : memref<128xi32, #tpu.memory_space<hbm>>) dst(%arg7 : memref<128xi32, #tpu.memory_space<vmem>>)
      "tpu.region"() ({
        %run_scoped3A = tpu.sem_alloc : memref<!tpu.dma_semaphore, #tpu.memory_space<semaphore_mem>>
        %dma_start3A_56 = arith.constant 0 : i32
        %dma_start3A_57 = tpu.memref_slice %arg10[%dma_start3A_56] : memref<10240xf32, #tpu.memory_space<vmem_shared>> -> memref<10240xf32, #tpu.memory_space<vmem_shared>>
        tpu.enqueue_indirect_dma source(%arg9 : memref<128xf32, #tpu.memory_space<vmem>>) target(%dma_start3A_57 : memref<10240xf32, #tpu.memory_space<vmem_shared>>) offsets(%arg7 : memref<128xi32, #tpu.memory_space<vmem>>) semaphore(%run_scoped3A : memref<!tpu.dma_semaphore, #tpu.memory_space<semaphore_mem>>) {add = true}
        %dma_wait3A_58 = arith.constant 0 : i32
        %dma_wait3A_59 = tpu.memref_slice %arg10[%dma_wait3A_58] : memref<10240xf32, #tpu.memory_space<vmem_shared>> -> memref<10240xf32, #tpu.memory_space<vmem_shared>>
        tpu.wait_indirect_dma semaphore(%run_scoped3A : memref<!tpu.dma_semaphore, #tpu.memory_space<semaphore_mem>>) src(%arg9 : memref<128xf32, #tpu.memory_space<vmem>>) dst(%dma_wait3A_59 : memref<10240xf32, #tpu.memory_space<vmem_shared>>)
        tpu.yield
      }) : () -> ()
      %lt3A = arith.constant 39 : i32
      %lt3A_39 = arith.cmpi slt, %scan3A_31, %lt3A : i32
      %convert_element_type3A_40 = arith.extui %lt3A_39 : i1 to i32
      %cond3A_41 = arith.constant 0 : i32
      %cond3A_42 = arith.cmpi ne, %convert_element_type3A_40, %cond3A_41 : i32
      scf.if %cond3A_42 {
        %add3A_56 = arith.constant 2 : i32
        %add3A_57 = arith.addi %add3A_35, %add3A_56 : i32
        %add3A_58 = arith.addi %mul3A_6, %add3A_57 : i32
        %mul3A_59 = arith.constant 128 : i32
        %mul3A_60 = arith.muli %add3A_58, %mul3A_59 : i32
        %dma_start3A_61 = tpu.memref_slice %arg2[%mul3A_60] : memref<327680xi32, #tpu.memory_space<hbm>> -> memref<128xi32, #tpu.memory_space<hbm>>
        %dma_start3A_62 = tpu.memref_slice %arg2[%mul3A_60] : memref<327680xi32, #tpu.memory_space<hbm>> -> memref<128xi32, #tpu.memory_space<hbm>>
        tpu.enqueue_dma source(%dma_start3A_62 : memref<128xi32, #tpu.memory_space<hbm>>) target(%arg7 : memref<128xi32, #tpu.memory_space<vmem>>) target_semaphore(%arg11 : memref<!tpu.dma_semaphore, #tpu.memory_space<semaphore_mem>>)
      } else {
      }
      %mul3A_43 = arith.constant 2 : i32
      %mul3A_44 = arith.muli %mul3A_43, %scan3A_31 : i32
      %add3A_45 = arith.constant 1 : i32
      %add3A_46 = arith.addi %mul3A_44, %add3A_45 : i32
      %dma_wait3A_47 = arith.constant 0 : i32
      %dma_wait3A_48 = tpu.memref_slice %arg2[%dma_wait3A_47] : memref<327680xi32, #tpu.memory_space<hbm>> -> memref<128xi32, #tpu.memory_space<hbm>>
      %dma_wait3A_49 = arith.constant 0 : i32
      %dma_wait3A_50 = tpu.memref_slice %arg2[%dma_wait3A_49] : memref<327680xi32, #tpu.memory_space<hbm>> -> memref<128xi32, #tpu.memory_space<hbm>>
      tpu.wait_dma2 semaphore(%arg12 : memref<!tpu.dma_semaphore, #tpu.memory_space<semaphore_mem>>) src(%dma_wait3A_50 : memref<128xi32, #tpu.memory_space<hbm>>) dst(%arg8 : memref<128xi32, #tpu.memory_space<vmem>>)
      "tpu.region"() ({
        %run_scoped3A = tpu.sem_alloc : memref<!tpu.dma_semaphore, #tpu.memory_space<semaphore_mem>>
        %dma_start3A_56 = arith.constant 0 : i32
        %dma_start3A_57 = tpu.memref_slice %arg10[%dma_start3A_56] : memref<10240xf32, #tpu.memory_space<vmem_shared>> -> memref<10240xf32, #tpu.memory_space<vmem_shared>>
        tpu.enqueue_indirect_dma source(%arg9 : memref<128xf32, #tpu.memory_space<vmem>>) target(%dma_start3A_57 : memref<10240xf32, #tpu.memory_space<vmem_shared>>) offsets(%arg8 : memref<128xi32, #tpu.memory_space<vmem>>) semaphore(%run_scoped3A : memref<!tpu.dma_semaphore, #tpu.memory_space<semaphore_mem>>) {add = true}
        %dma_wait3A_58 = arith.constant 0 : i32
        %dma_wait3A_59 = tpu.memref_slice %arg10[%dma_wait3A_58] : memref<10240xf32, #tpu.memory_space<vmem_shared>> -> memref<10240xf32, #tpu.memory_space<vmem_shared>>
        tpu.wait_indirect_dma semaphore(%run_scoped3A : memref<!tpu.dma_semaphore, #tpu.memory_space<semaphore_mem>>) src(%arg9 : memref<128xf32, #tpu.memory_space<vmem>>) dst(%dma_wait3A_59 : memref<10240xf32, #tpu.memory_space<vmem_shared>>)
        tpu.yield
      }) : () -> ()
      %lt3A_51 = arith.constant 39 : i32
      %lt3A_52 = arith.cmpi slt, %scan3A_31, %lt3A_51 : i32
      %convert_element_type3A_53 = arith.extui %lt3A_52 : i1 to i32
      %cond3A_54 = arith.constant 0 : i32
      %cond3A_55 = arith.cmpi ne, %convert_element_type3A_53, %cond3A_54 : i32
      scf.if %cond3A_55 {
        %add3A_56 = arith.constant 2 : i32
        %add3A_57 = arith.addi %add3A_46, %add3A_56 : i32
        %add3A_58 = arith.addi %mul3A_6, %add3A_57 : i32
        %mul3A_59 = arith.constant 128 : i32
        %mul3A_60 = arith.muli %add3A_58, %mul3A_59 : i32
        %dma_start3A_61 = tpu.memref_slice %arg2[%mul3A_60] : memref<327680xi32, #tpu.memory_space<hbm>> -> memref<128xi32, #tpu.memory_space<hbm>>
        %dma_start3A_62 = tpu.memref_slice %arg2[%mul3A_60] : memref<327680xi32, #tpu.memory_space<hbm>> -> memref<128xi32, #tpu.memory_space<hbm>>
        tpu.enqueue_dma source(%dma_start3A_62 : memref<128xi32, #tpu.memory_space<hbm>>) target(%arg8 : memref<128xi32, #tpu.memory_space<vmem>>) target_semaphore(%arg12 : memref<!tpu.dma_semaphore, #tpu.memory_space<semaphore_mem>>)
      } else {
      }
    }
    %scan3A_22 = arith.constant 40 : i32
    %barrier3A_23 = arith.constant 0 : index
    tpu.barrier barrier_id(%barrier3A_23)
    %eq3A = arith.constant 0 : i32
    %eq3A_24 = arith.cmpi eq, %arg0, %eq3A : i32
    %convert_element_type3A = arith.extui %eq3A_24 : i1 to i32
    %cond3A = arith.constant 0 : i32
    %cond3A_25 = arith.cmpi ne, %convert_element_type3A, %cond3A : i32
    scf.if %cond3A_25 {
      %mul3A_31 = arith.constant 640 : i32
      %mul3A_32 = arith.muli %arg1, %mul3A_31 : i32
      %mul3A_33 = arith.constant 640 : i32
      %mul3A_34 = arith.muli %arg1, %mul3A_33 : i32
      "tpu.region"() ({
        %run_scoped3A = tpu.sem_alloc : memref<!tpu.dma_semaphore, #tpu.memory_space<semaphore_mem>>
        %dma_start3A_35 = tpu.memref_slice %arg5[%mul3A_34] : memref<10240xf32, #tpu.memory_space<hbm>> -> memref<640xf32, #tpu.memory_space<hbm>>
        %dma_start3A_36 = tpu.memref_slice %arg10[%mul3A_32] : memref<10240xf32, #tpu.memory_space<vmem_shared>> -> memref<640xf32, #tpu.memory_space<vmem_shared>>
        tpu.enqueue_dma source(%dma_start3A_36 : memref<640xf32, #tpu.memory_space<vmem_shared>>) target(%dma_start3A_35 : memref<640xf32, #tpu.memory_space<hbm>>) target_semaphore(%run_scoped3A : memref<!tpu.dma_semaphore, #tpu.memory_space<semaphore_mem>>)
        %dma_wait3A = tpu.memref_slice %arg5[%mul3A_34] : memref<10240xf32, #tpu.memory_space<hbm>> -> memref<640xf32, #tpu.memory_space<hbm>>
        %dma_wait3A_37 = tpu.memref_slice %arg10[%mul3A_32] : memref<10240xf32, #tpu.memory_space<vmem_shared>> -> memref<640xf32, #tpu.memory_space<vmem_shared>>
        tpu.wait_dma2 semaphore(%run_scoped3A : memref<!tpu.dma_semaphore, #tpu.memory_space<semaphore_mem>>) src(%dma_wait3A_37 : memref<640xf32, #tpu.memory_space<vmem_shared>>) dst(%dma_wait3A : memref<640xf32, #tpu.memory_space<hbm>>)
        tpu.yield
      }) : () -> ()
    } else {
    }
    %eq3A_26 = arith.constant 1 : i32
    %eq3A_27 = arith.cmpi eq, %arg0, %eq3A_26 : i32
    %convert_element_type3A_28 = arith.extui %eq3A_27 : i1 to i32
    %cond3A_29 = arith.constant 0 : i32
    %cond3A_30 = arith.cmpi ne, %convert_element_type3A_28, %cond3A_29 : i32
    scf.if %cond3A_30 {
      %mul3A_31 = arith.constant 640 : i32
      %mul3A_32 = arith.muli %arg1, %mul3A_31 : i32
      %mul3A_33 = arith.constant 640 : i32
      %mul3A_34 = arith.muli %arg1, %mul3A_33 : i32
      "tpu.region"() ({
        %run_scoped3A = tpu.sem_alloc : memref<!tpu.dma_semaphore, #tpu.memory_space<semaphore_mem>>
        %dma_start3A_35 = tpu.memref_slice %arg6[%mul3A_34] : memref<10240xf32, #tpu.memory_space<hbm>> -> memref<640xf32, #tpu.memory_space<hbm>>
        %dma_start3A_36 = tpu.memref_slice %arg10[%mul3A_32] : memref<10240xf32, #tpu.memory_space<vmem_shared>> -> memref<640xf32, #tpu.memory_space<vmem_shared>>
        tpu.enqueue_dma source(%dma_start3A_36 : memref<640xf32, #tpu.memory_space<vmem_shared>>) target(%dma_start3A_35 : memref<640xf32, #tpu.memory_space<hbm>>) target_semaphore(%run_scoped3A : memref<!tpu.dma_semaphore, #tpu.memory_space<semaphore_mem>>)
        %dma_wait3A = tpu.memref_slice %arg6[%mul3A_34] : memref<10240xf32, #tpu.memory_space<hbm>> -> memref<640xf32, #tpu.memory_space<hbm>>
        %dma_wait3A_37 = tpu.memref_slice %arg10[%mul3A_32] : memref<10240xf32, #tpu.memory_space<vmem_shared>> -> memref<640xf32, #tpu.memory_space<vmem_shared>>
        tpu.wait_dma2 semaphore(%run_scoped3A : memref<!tpu.dma_semaphore, #tpu.memory_space<semaphore_mem>>) src(%dma_wait3A_37 : memref<640xf32, #tpu.memory_space<vmem_shared>>) dst(%dma_wait3A : memref<640xf32, #tpu.memory_space<hbm>>)
        tpu.yield
      }) : () -> ()
    } else {
    }
    return
  }
}

#map = affine_map<(d0, d1) -> (0, 0)>
#map1 = affine_map<(d0, d1) -> (0)>
module attributes {stable_mosaic.version = 14 : i64} {
  func.func @_sc_hop_body(%arg0: i32, %arg1: i32, %arg2: memref<10240x128xf32, #tpu.memory_space<hbm>>, %arg3: memref<10240x128xf32, #tpu.memory_space<hbm>>, %arg4: memref<327680xi32, #tpu.memory_space<hbm>>, %arg5: memref<327680xi32, #tpu.memory_space<hbm>>, %arg6: memref<10240x128xf32, #tpu.memory_space<hbm>>, %arg7: memref<10240x128xf32, #tpu.memory_space<hbm>>, %arg8: memref<128xi32, #tpu.memory_space<vmem>>, %arg9: memref<128xi32, #tpu.memory_space<vmem>>, %arg10: memref<128xi32, #tpu.memory_space<vmem>>, %arg11: memref<128xi32, #tpu.memory_space<vmem>>, %arg12: memref<128xi32, #tpu.memory_space<vmem>>, %arg13: memref<128xi32, #tpu.memory_space<vmem>>, %arg14: memref<128xi32, #tpu.memory_space<vmem>>, %arg15: memref<128xi32, #tpu.memory_space<vmem>>, %arg16: memref<128xi32, #tpu.memory_space<vmem>>, %arg17: memref<128xi32, #tpu.memory_space<vmem>>, %arg18: memref<128xi32, #tpu.memory_space<vmem>>, %arg19: memref<128xi32, #tpu.memory_space<vmem>>, %arg20: memref<128xi32, #tpu.memory_space<vmem>>, %arg21: memref<128xi32, #tpu.memory_space<vmem>>, %arg22: memref<128xi32, #tpu.memory_space<vmem>>, %arg23: memref<128xi32, #tpu.memory_space<vmem>>, %arg24: memref<128x128xf32, #tpu.memory_space<vmem>>, %arg25: memref<128x128xf32, #tpu.memory_space<vmem>>, %arg26: memref<10240x128xf32, #tpu.memory_space<vmem_shared>>, %arg27: memref<!tpu.dma_semaphore, #tpu.memory_space<semaphore_mem>>, %arg28: memref<!tpu.dma_semaphore, #tpu.memory_space<semaphore_mem>>, %arg29: memref<!tpu.dma_semaphore, #tpu.memory_space<semaphore_mem>>, %arg30: memref<!tpu.dma_semaphore, #tpu.memory_space<semaphore_mem>>, %arg31: memref<!tpu.dma_semaphore, #tpu.memory_space<semaphore_mem>>, %arg32: memref<!tpu.dma_semaphore, #tpu.memory_space<semaphore_mem>>, %arg33: memref<!tpu.dma_semaphore, #tpu.memory_space<semaphore_mem>>, %arg34: memref<!tpu.dma_semaphore, #tpu.memory_space<semaphore_mem>>, %arg35: memref<!tpu.dma_semaphore, #tpu.memory_space<semaphore_mem>>, %arg36: memref<!tpu.dma_semaphore, #tpu.memory_space<semaphore_mem>>) attributes {dimension_semantics = [#tpu.dimension_semantics<core_parallel>, #tpu.dimension_semantics<subcore_parallel>], iteration_bounds = array<i64: 2, 16>, scalar_prefetch = 0 : i64, scratch_operands = 29 : i64, tpu.core_type = #tpu.core_type<sc_vector_subcore>, window_params = [{transform_indices = #map}, {transform_indices = #map}, {transform_indices = #map1}, {transform_indices = #map1}, {transform_indices = #map}, {transform_indices = #map}]} {
    %mul3A = arith.constant 640 : i32
    %mul3A_0 = arith.muli %arg1, %mul3A : i32
    %mul3A_1 = arith.constant 640 : i32
    %mul3A_2 = arith.muli %arg1, %mul3A_1 : i32
    "tpu.region"() ({
      %run_scoped3A = tpu.sem_alloc : memref<!tpu.dma_semaphore, #tpu.memory_space<semaphore_mem>>
      %dma_start3A_104 = arith.constant 0 : i32
      %dma_start3A_105 = tpu.memref_slice %arg26[%mul3A_2, %dma_start3A_104] : memref<10240x128xf32, #tpu.memory_space<vmem_shared>> -> memref<640x128xf32, #tpu.memory_space<vmem_shared>>
      %dma_start3A_106 = arith.constant 0 : i32
      %dma_start3A_107 = tpu.memref_slice %arg3[%mul3A_0, %dma_start3A_106] : memref<10240x128xf32, #tpu.memory_space<hbm>> -> memref<640x128xf32, #tpu.memory_space<hbm>>
      tpu.enqueue_dma source(%dma_start3A_107 : memref<640x128xf32, #tpu.memory_space<hbm>>) target(%dma_start3A_105 : memref<640x128xf32, #tpu.memory_space<vmem_shared>>) target_semaphore(%run_scoped3A : memref<!tpu.dma_semaphore, #tpu.memory_space<semaphore_mem>>)
      %dma_wait3A_108 = arith.constant 0 : i32
      %dma_wait3A_109 = tpu.memref_slice %arg26[%mul3A_2, %dma_wait3A_108] : memref<10240x128xf32, #tpu.memory_space<vmem_shared>> -> memref<640x128xf32, #tpu.memory_space<vmem_shared>>
      %dma_wait3A_110 = arith.constant 0 : i32
      %dma_wait3A_111 = tpu.memref_slice %arg3[%mul3A_0, %dma_wait3A_110] : memref<10240x128xf32, #tpu.memory_space<hbm>> -> memref<640x128xf32, #tpu.memory_space<hbm>>
      tpu.wait_dma2 semaphore(%run_scoped3A : memref<!tpu.dma_semaphore, #tpu.memory_space<semaphore_mem>>) src(%dma_wait3A_111 : memref<640x128xf32, #tpu.memory_space<hbm>>) dst(%dma_wait3A_109 : memref<640x128xf32, #tpu.memory_space<vmem_shared>>)
      tpu.yield
    }) : () -> ()
    %barrier3A = arith.constant 0 : index
    tpu.barrier barrier_id(%barrier3A)
    %mul3A_3 = arith.constant 16 : i32
    %mul3A_4 = arith.muli %arg0, %mul3A_3 : i32
    %add3A = arith.addi %mul3A_4, %arg1 : i32
    %mul3A_5 = arith.constant 80 : i32
    %mul3A_6 = arith.muli %add3A, %mul3A_5 : i32
    %add3A_7 = arith.constant 0 : i32
    %add3A_8 = arith.addi %mul3A_6, %add3A_7 : i32
    %mul3A_9 = arith.constant 128 : i32
    %mul3A_10 = arith.muli %add3A_8, %mul3A_9 : i32
    %dma_start3A = tpu.memref_slice %arg4[%mul3A_10] : memref<327680xi32, #tpu.memory_space<hbm>> -> memref<128xi32, #tpu.memory_space<hbm>>
    %dma_start3A_11 = tpu.memref_slice %arg4[%mul3A_10] : memref<327680xi32, #tpu.memory_space<hbm>> -> memref<128xi32, #tpu.memory_space<hbm>>
    tpu.enqueue_dma source(%dma_start3A_11 : memref<128xi32, #tpu.memory_space<hbm>>) target(%arg8 : memref<128xi32, #tpu.memory_space<vmem>>) target_semaphore(%arg27 : memref<!tpu.dma_semaphore, #tpu.memory_space<semaphore_mem>>)
    %dma_start3A_12 = tpu.memref_slice %arg5[%mul3A_10] : memref<327680xi32, #tpu.memory_space<hbm>> -> memref<128xi32, #tpu.memory_space<hbm>>
    %dma_start3A_13 = tpu.memref_slice %arg5[%mul3A_10] : memref<327680xi32, #tpu.memory_space<hbm>> -> memref<128xi32, #tpu.memory_space<hbm>>
    tpu.enqueue_dma source(%dma_start3A_13 : memref<128xi32, #tpu.memory_space<hbm>>) target(%arg16 : memref<128xi32, #tpu.memory_space<vmem>>) target_semaphore(%arg27 : memref<!tpu.dma_semaphore, #tpu.memory_space<semaphore_mem>>)
    %add3A_14 = arith.constant 1 : i32
    %add3A_15 = arith.addi %mul3A_6, %add3A_14 : i32
    %mul3A_16 = arith.constant 128 : i32
    %mul3A_17 = arith.muli %add3A_15, %mul3A_16 : i32
    %dma_start3A_18 = tpu.memref_slice %arg4[%mul3A_17] : memref<327680xi32, #tpu.memory_space<hbm>> -> memref<128xi32, #tpu.memory_space<hbm>>
    %dma_start3A_19 = tpu.memref_slice %arg4[%mul3A_17] : memref<327680xi32, #tpu.memory_space<hbm>> -> memref<128xi32, #tpu.memory_space<hbm>>
    tpu.enqueue_dma source(%dma_start3A_19 : memref<128xi32, #tpu.memory_space<hbm>>) target(%arg9 : memref<128xi32, #tpu.memory_space<vmem>>) target_semaphore(%arg28 : memref<!tpu.dma_semaphore, #tpu.memory_space<semaphore_mem>>)
    %dma_start3A_20 = tpu.memref_slice %arg5[%mul3A_17] : memref<327680xi32, #tpu.memory_space<hbm>> -> memref<128xi32, #tpu.memory_space<hbm>>
    %dma_start3A_21 = tpu.memref_slice %arg5[%mul3A_17] : memref<327680xi32, #tpu.memory_space<hbm>> -> memref<128xi32, #tpu.memory_space<hbm>>
    tpu.enqueue_dma source(%dma_start3A_21 : memref<128xi32, #tpu.memory_space<hbm>>) target(%arg17 : memref<128xi32, #tpu.memory_space<vmem>>) target_semaphore(%arg28 : memref<!tpu.dma_semaphore, #tpu.memory_space<semaphore_mem>>)
    %add3A_22 = arith.constant 2 : i32
    %add3A_23 = arith.addi %mul3A_6, %add3A_22 : i32
    %mul3A_24 = arith.constant 128 : i32
    %mul3A_25 = arith.muli %add3A_23, %mul3A_24 : i32
    %dma_start3A_26 = tpu.memref_slice %arg4[%mul3A_25] : memref<327680xi32, #tpu.memory_space<hbm>> -> memref<128xi32, #tpu.memory_space<hbm>>
    %dma_start3A_27 = tpu.memref_slice %arg4[%mul3A_25] : memref<327680xi32, #tpu.memory_space<hbm>> -> memref<128xi32, #tpu.memory_space<hbm>>
    tpu.enqueue_dma source(%dma_start3A_27 : memref<128xi32, #tpu.memory_space<hbm>>) target(%arg10 : memref<128xi32, #tpu.memory_space<vmem>>) target_semaphore(%arg29 : memref<!tpu.dma_semaphore, #tpu.memory_space<semaphore_mem>>)
    %dma_start3A_28 = tpu.memref_slice %arg5[%mul3A_25] : memref<327680xi32, #tpu.memory_space<hbm>> -> memref<128xi32, #tpu.memory_space<hbm>>
    %dma_start3A_29 = tpu.memref_slice %arg5[%mul3A_25] : memref<327680xi32, #tpu.memory_space<hbm>> -> memref<128xi32, #tpu.memory_space<hbm>>
    tpu.enqueue_dma source(%dma_start3A_29 : memref<128xi32, #tpu.memory_space<hbm>>) target(%arg18 : memref<128xi32, #tpu.memory_space<vmem>>) target_semaphore(%arg29 : memref<!tpu.dma_semaphore, #tpu.memory_space<semaphore_mem>>)
    %add3A_30 = arith.constant 3 : i32
    %add3A_31 = arith.addi %mul3A_6, %add3A_30 : i32
    %mul3A_32 = arith.constant 128 : i32
    %mul3A_33 = arith.muli %add3A_31, %mul3A_32 : i32
    %dma_start3A_34 = tpu.memref_slice %arg4[%mul3A_33] : memref<327680xi32, #tpu.memory_space<hbm>> -> memref<128xi32, #tpu.memory_space<hbm>>
    %dma_start3A_35 = tpu.memref_slice %arg4[%mul3A_33] : memref<327680xi32, #tpu.memory_space<hbm>> -> memref<128xi32, #tpu.memory_space<hbm>>
    tpu.enqueue_dma source(%dma_start3A_35 : memref<128xi32, #tpu.memory_space<hbm>>) target(%arg11 : memref<128xi32, #tpu.memory_space<vmem>>) target_semaphore(%arg30 : memref<!tpu.dma_semaphore, #tpu.memory_space<semaphore_mem>>)
    %dma_start3A_36 = tpu.memref_slice %arg5[%mul3A_33] : memref<327680xi32, #tpu.memory_space<hbm>> -> memref<128xi32, #tpu.memory_space<hbm>>
    %dma_start3A_37 = tpu.memref_slice %arg5[%mul3A_33] : memref<327680xi32, #tpu.memory_space<hbm>> -> memref<128xi32, #tpu.memory_space<hbm>>
    tpu.enqueue_dma source(%dma_start3A_37 : memref<128xi32, #tpu.memory_space<hbm>>) target(%arg19 : memref<128xi32, #tpu.memory_space<vmem>>) target_semaphore(%arg30 : memref<!tpu.dma_semaphore, #tpu.memory_space<semaphore_mem>>)
    %add3A_38 = arith.constant 4 : i32
    %add3A_39 = arith.addi %mul3A_6, %add3A_38 : i32
    %mul3A_40 = arith.constant 128 : i32
    %mul3A_41 = arith.muli %add3A_39, %mul3A_40 : i32
    %dma_start3A_42 = tpu.memref_slice %arg4[%mul3A_41] : memref<327680xi32, #tpu.memory_space<hbm>> -> memref<128xi32, #tpu.memory_space<hbm>>
    %dma_start3A_43 = tpu.memref_slice %arg4[%mul3A_41] : memref<327680xi32, #tpu.memory_space<hbm>> -> memref<128xi32, #tpu.memory_space<hbm>>
    tpu.enqueue_dma source(%dma_start3A_43 : memref<128xi32, #tpu.memory_space<hbm>>) target(%arg12 : memref<128xi32, #tpu.memory_space<vmem>>) target_semaphore(%arg31 : memref<!tpu.dma_semaphore, #tpu.memory_space<semaphore_mem>>)
    %dma_start3A_44 = tpu.memref_slice %arg5[%mul3A_41] : memref<327680xi32, #tpu.memory_space<hbm>> -> memref<128xi32, #tpu.memory_space<hbm>>
    %dma_start3A_45 = tpu.memref_slice %arg5[%mul3A_41] : memref<327680xi32, #tpu.memory_space<hbm>> -> memref<128xi32, #tpu.memory_space<hbm>>
    tpu.enqueue_dma source(%dma_start3A_45 : memref<128xi32, #tpu.memory_space<hbm>>) target(%arg20 : memref<128xi32, #tpu.memory_space<vmem>>) target_semaphore(%arg31 : memref<!tpu.dma_semaphore, #tpu.memory_space<semaphore_mem>>)
    %add3A_46 = arith.constant 5 : i32
    %add3A_47 = arith.addi %mul3A_6, %add3A_46 : i32
    %mul3A_48 = arith.constant 128 : i32
    %mul3A_49 = arith.muli %add3A_47, %mul3A_48 : i32
    %dma_start3A_50 = tpu.memref_slice %arg4[%mul3A_49] : memref<327680xi32, #tpu.memory_space<hbm>> -> memref<128xi32, #tpu.memory_space<hbm>>
    %dma_start3A_51 = tpu.memref_slice %arg4[%mul3A_49] : memref<327680xi32, #tpu.memory_space<hbm>> -> memref<128xi32, #tpu.memory_space<hbm>>
    tpu.enqueue_dma source(%dma_start3A_51 : memref<128xi32, #tpu.memory_space<hbm>>) target(%arg13 : memref<128xi32, #tpu.memory_space<vmem>>) target_semaphore(%arg32 : memref<!tpu.dma_semaphore, #tpu.memory_space<semaphore_mem>>)
    %dma_start3A_52 = tpu.memref_slice %arg5[%mul3A_49] : memref<327680xi32, #tpu.memory_space<hbm>> -> memref<128xi32, #tpu.memory_space<hbm>>
    %dma_start3A_53 = tpu.memref_slice %arg5[%mul3A_49] : memref<327680xi32, #tpu.memory_space<hbm>> -> memref<128xi32, #tpu.memory_space<hbm>>
    tpu.enqueue_dma source(%dma_start3A_53 : memref<128xi32, #tpu.memory_space<hbm>>) target(%arg21 : memref<128xi32, #tpu.memory_space<vmem>>) target_semaphore(%arg32 : memref<!tpu.dma_semaphore, #tpu.memory_space<semaphore_mem>>)
    %add3A_54 = arith.constant 6 : i32
    %add3A_55 = arith.addi %mul3A_6, %add3A_54 : i32
    %mul3A_56 = arith.constant 128 : i32
    %mul3A_57 = arith.muli %add3A_55, %mul3A_56 : i32
    %dma_start3A_58 = tpu.memref_slice %arg4[%mul3A_57] : memref<327680xi32, #tpu.memory_space<hbm>> -> memref<128xi32, #tpu.memory_space<hbm>>
    %dma_start3A_59 = tpu.memref_slice %arg4[%mul3A_57] : memref<327680xi32, #tpu.memory_space<hbm>> -> memref<128xi32, #tpu.memory_space<hbm>>
    tpu.enqueue_dma source(%dma_start3A_59 : memref<128xi32, #tpu.memory_space<hbm>>) target(%arg14 : memref<128xi32, #tpu.memory_space<vmem>>) target_semaphore(%arg33 : memref<!tpu.dma_semaphore, #tpu.memory_space<semaphore_mem>>)
    %dma_start3A_60 = tpu.memref_slice %arg5[%mul3A_57] : memref<327680xi32, #tpu.memory_space<hbm>> -> memref<128xi32, #tpu.memory_space<hbm>>
    %dma_start3A_61 = tpu.memref_slice %arg5[%mul3A_57] : memref<327680xi32, #tpu.memory_space<hbm>> -> memref<128xi32, #tpu.memory_space<hbm>>
    tpu.enqueue_dma source(%dma_start3A_61 : memref<128xi32, #tpu.memory_space<hbm>>) target(%arg22 : memref<128xi32, #tpu.memory_space<vmem>>) target_semaphore(%arg33 : memref<!tpu.dma_semaphore, #tpu.memory_space<semaphore_mem>>)
    %add3A_62 = arith.constant 7 : i32
    %add3A_63 = arith.addi %mul3A_6, %add3A_62 : i32
    %mul3A_64 = arith.constant 128 : i32
    %mul3A_65 = arith.muli %add3A_63, %mul3A_64 : i32
    %dma_start3A_66 = tpu.memref_slice %arg4[%mul3A_65] : memref<327680xi32, #tpu.memory_space<hbm>> -> memref<128xi32, #tpu.memory_space<hbm>>
    %dma_start3A_67 = tpu.memref_slice %arg4[%mul3A_65] : memref<327680xi32, #tpu.memory_space<hbm>> -> memref<128xi32, #tpu.memory_space<hbm>>
    tpu.enqueue_dma source(%dma_start3A_67 : memref<128xi32, #tpu.memory_space<hbm>>) target(%arg15 : memref<128xi32, #tpu.memory_space<vmem>>) target_semaphore(%arg34 : memref<!tpu.dma_semaphore, #tpu.memory_space<semaphore_mem>>)
    %dma_start3A_68 = tpu.memref_slice %arg5[%mul3A_65] : memref<327680xi32, #tpu.memory_space<hbm>> -> memref<128xi32, #tpu.memory_space<hbm>>
    %dma_start3A_69 = tpu.memref_slice %arg5[%mul3A_65] : memref<327680xi32, #tpu.memory_space<hbm>> -> memref<128xi32, #tpu.memory_space<hbm>>
    tpu.enqueue_dma source(%dma_start3A_69 : memref<128xi32, #tpu.memory_space<hbm>>) target(%arg23 : memref<128xi32, #tpu.memory_space<vmem>>) target_semaphore(%arg34 : memref<!tpu.dma_semaphore, #tpu.memory_space<semaphore_mem>>)
    %dma_wait3A = arith.constant 0 : i32
    %dma_wait3A_70 = tpu.memref_slice %arg4[%dma_wait3A] : memref<327680xi32, #tpu.memory_space<hbm>> -> memref<128xi32, #tpu.memory_space<hbm>>
    %dma_wait3A_71 = arith.constant 0 : i32
    %dma_wait3A_72 = tpu.memref_slice %arg4[%dma_wait3A_71] : memref<327680xi32, #tpu.memory_space<hbm>> -> memref<128xi32, #tpu.memory_space<hbm>>
    tpu.wait_dma2 semaphore(%arg27 : memref<!tpu.dma_semaphore, #tpu.memory_space<semaphore_mem>>) src(%dma_wait3A_72 : memref<128xi32, #tpu.memory_space<hbm>>) dst(%arg8 : memref<128xi32, #tpu.memory_space<vmem>>)
    %dma_wait3A_73 = arith.constant 0 : i32
    %dma_wait3A_74 = tpu.memref_slice %arg5[%dma_wait3A_73] : memref<327680xi32, #tpu.memory_space<hbm>> -> memref<128xi32, #tpu.memory_space<hbm>>
    %dma_wait3A_75 = arith.constant 0 : i32
    %dma_wait3A_76 = tpu.memref_slice %arg5[%dma_wait3A_75] : memref<327680xi32, #tpu.memory_space<hbm>> -> memref<128xi32, #tpu.memory_space<hbm>>
    tpu.wait_dma2 semaphore(%arg27 : memref<!tpu.dma_semaphore, #tpu.memory_space<semaphore_mem>>) src(%dma_wait3A_76 : memref<128xi32, #tpu.memory_space<hbm>>) dst(%arg16 : memref<128xi32, #tpu.memory_space<vmem>>)
    %dma_start3A_77 = arith.constant 0 : i32
    %dma_start3A_78 = arith.constant 0 : i32
    %dma_start3A_79 = tpu.memref_slice %arg2[%dma_start3A_77, %dma_start3A_78] : memref<10240x128xf32, #tpu.memory_space<hbm>> -> memref<10240x128xf32, #tpu.memory_space<hbm>>
    tpu.enqueue_indirect_dma source(%dma_start3A_79 : memref<10240x128xf32, #tpu.memory_space<hbm>>) target(%arg24 : memref<128x128xf32, #tpu.memory_space<vmem>>) offsets(%arg8 : memref<128xi32, #tpu.memory_space<vmem>>) semaphore(%arg35 : memref<!tpu.dma_semaphore, #tpu.memory_space<semaphore_mem>>)
    %dma_wait3A_80 = arith.constant 0 : i32
    %dma_wait3A_81 = tpu.memref_slice %arg4[%dma_wait3A_80] : memref<327680xi32, #tpu.memory_space<hbm>> -> memref<128xi32, #tpu.memory_space<hbm>>
    %dma_wait3A_82 = arith.constant 0 : i32
    %dma_wait3A_83 = tpu.memref_slice %arg4[%dma_wait3A_82] : memref<327680xi32, #tpu.memory_space<hbm>> -> memref<128xi32, #tpu.memory_space<hbm>>
    tpu.wait_dma2 semaphore(%arg28 : memref<!tpu.dma_semaphore, #tpu.memory_space<semaphore_mem>>) src(%dma_wait3A_83 : memref<128xi32, #tpu.memory_space<hbm>>) dst(%arg9 : memref<128xi32, #tpu.memory_space<vmem>>)
    %dma_wait3A_84 = arith.constant 0 : i32
    %dma_wait3A_85 = tpu.memref_slice %arg5[%dma_wait3A_84] : memref<327680xi32, #tpu.memory_space<hbm>> -> memref<128xi32, #tpu.memory_space<hbm>>
    %dma_wait3A_86 = arith.constant 0 : i32
    %dma_wait3A_87 = tpu.memref_slice %arg5[%dma_wait3A_86] : memref<327680xi32, #tpu.memory_space<hbm>> -> memref<128xi32, #tpu.memory_space<hbm>>
    tpu.wait_dma2 semaphore(%arg28 : memref<!tpu.dma_semaphore, #tpu.memory_space<semaphore_mem>>) src(%dma_wait3A_87 : memref<128xi32, #tpu.memory_space<hbm>>) dst(%arg17 : memref<128xi32, #tpu.memory_space<vmem>>)
    %dma_start3A_88 = arith.constant 0 : i32
    %dma_start3A_89 = arith.constant 0 : i32
    %dma_start3A_90 = tpu.memref_slice %arg2[%dma_start3A_88, %dma_start3A_89] : memref<10240x128xf32, #tpu.memory_space<hbm>> -> memref<10240x128xf32, #tpu.memory_space<hbm>>
    tpu.enqueue_indirect_dma source(%dma_start3A_90 : memref<10240x128xf32, #tpu.memory_space<hbm>>) target(%arg25 : memref<128x128xf32, #tpu.memory_space<vmem>>) offsets(%arg9 : memref<128xi32, #tpu.memory_space<vmem>>) semaphore(%arg36 : memref<!tpu.dma_semaphore, #tpu.memory_space<semaphore_mem>>)
    %scan3A = arith.constant 0 : i32
    %scan3A_91 = arith.constant 0 : i32
    %scan3A_92 = arith.constant 10 : i32
    %scan3A_93 = arith.addi %scan3A_91, %scan3A_92 : i32
    %scan3A_94 = arith.constant 1 : i32
    scf.for %scan3A_104 = %scan3A_91 to %scan3A_93 step %scan3A_94  : i32 {
      %mul3A_105 = arith.constant 8 : i32
      %mul3A_106 = arith.muli %mul3A_105, %scan3A_104 : i32
      %add3A_107 = arith.constant 0 : i32
      %add3A_108 = arith.addi %mul3A_106, %add3A_107 : i32
      %dma_wait3A_109 = arith.constant 0 : i32
      %dma_wait3A_110 = arith.constant 0 : i32
      %dma_wait3A_111 = tpu.memref_slice %arg2[%dma_wait3A_109, %dma_wait3A_110] : memref<10240x128xf32, #tpu.memory_space<hbm>> -> memref<10240x128xf32, #tpu.memory_space<hbm>>
      tpu.wait_indirect_dma semaphore(%arg35 : memref<!tpu.dma_semaphore, #tpu.memory_space<semaphore_mem>>) src(%dma_wait3A_111 : memref<10240x128xf32, #tpu.memory_space<hbm>>) dst(%arg24 : memref<128x128xf32, #tpu.memory_space<vmem>>)
      "tpu.region"() ({
        %run_scoped3A = tpu.sem_alloc : memref<!tpu.dma_semaphore, #tpu.memory_space<semaphore_mem>>
        %dma_start3A_276 = arith.constant 0 : i32
        %dma_start3A_277 = arith.constant 0 : i32
        %dma_start3A_278 = tpu.memref_slice %arg26[%dma_start3A_276, %dma_start3A_277] : memref<10240x128xf32, #tpu.memory_space<vmem_shared>> -> memref<10240x128xf32, #tpu.memory_space<vmem_shared>>
        tpu.enqueue_indirect_dma source(%arg24 : memref<128x128xf32, #tpu.memory_space<vmem>>) target(%dma_start3A_278 : memref<10240x128xf32, #tpu.memory_space<vmem_shared>>) offsets(%arg16 : memref<128xi32, #tpu.memory_space<vmem>>) semaphore(%run_scoped3A : memref<!tpu.dma_semaphore, #tpu.memory_space<semaphore_mem>>) {add = true}
        %dma_wait3A_279 = arith.constant 0 : i32
        %dma_wait3A_280 = arith.constant 0 : i32
        %dma_wait3A_281 = tpu.memref_slice %arg26[%dma_wait3A_279, %dma_wait3A_280] : memref<10240x128xf32, #tpu.memory_space<vmem_shared>> -> memref<10240x128xf32, #tpu.memory_space<vmem_shared>>
        tpu.wait_indirect_dma semaphore(%run_scoped3A : memref<!tpu.dma_semaphore, #tpu.memory_space<semaphore_mem>>) src(%arg24 : memref<128x128xf32, #tpu.memory_space<vmem>>) dst(%dma_wait3A_281 : memref<10240x128xf32, #tpu.memory_space<vmem_shared>>)
        tpu.yield
      }) : () -> ()
      %lt3A = arith.constant 9 : i32
      %lt3A_112 = arith.cmpi slt, %scan3A_104, %lt3A : i32
      %convert_element_type3A_113 = arith.extui %lt3A_112 : i1 to i32
      %cond3A_114 = arith.constant 0 : i32
      %cond3A_115 = arith.cmpi ne, %convert_element_type3A_113, %cond3A_114 : i32
      scf.if %cond3A_115 {
        %add3A_276 = arith.constant 8 : i32
        %add3A_277 = arith.addi %add3A_108, %add3A_276 : i32
        %add3A_278 = arith.addi %mul3A_6, %add3A_277 : i32
        %mul3A_279 = arith.constant 128 : i32
        %mul3A_280 = arith.muli %add3A_278, %mul3A_279 : i32
        %dma_start3A_281 = tpu.memref_slice %arg4[%mul3A_280] : memref<327680xi32, #tpu.memory_space<hbm>> -> memref<128xi32, #tpu.memory_space<hbm>>
        %dma_start3A_282 = tpu.memref_slice %arg4[%mul3A_280] : memref<327680xi32, #tpu.memory_space<hbm>> -> memref<128xi32, #tpu.memory_space<hbm>>
        tpu.enqueue_dma source(%dma_start3A_282 : memref<128xi32, #tpu.memory_space<hbm>>) target(%arg8 : memref<128xi32, #tpu.memory_space<vmem>>) target_semaphore(%arg27 : memref<!tpu.dma_semaphore, #tpu.memory_space<semaphore_mem>>)
        %dma_start3A_283 = tpu.memref_slice %arg5[%mul3A_280] : memref<327680xi32, #tpu.memory_space<hbm>> -> memref<128xi32, #tpu.memory_space<hbm>>
        %dma_start3A_284 = tpu.memref_slice %arg5[%mul3A_280] : memref<327680xi32, #tpu.memory_space<hbm>> -> memref<128xi32, #tpu.memory_space<hbm>>
        tpu.enqueue_dma source(%dma_start3A_284 : memref<128xi32, #tpu.memory_space<hbm>>) target(%arg16 : memref<128xi32, #tpu.memory_space<vmem>>) target_semaphore(%arg27 : memref<!tpu.dma_semaphore, #tpu.memory_space<semaphore_mem>>)
      } else {
      }
      %dma_wait3A_116 = arith.constant 0 : i32
      %dma_wait3A_117 = tpu.memref_slice %arg4[%dma_wait3A_116] : memref<327680xi32, #tpu.memory_space<hbm>> -> memref<128xi32, #tpu.memory_space<hbm>>
      %dma_wait3A_118 = arith.constant 0 : i32
      %dma_wait3A_119 = tpu.memref_slice %arg4[%dma_wait3A_118] : memref<327680xi32, #tpu.memory_space<hbm>> -> memref<128xi32, #tpu.memory_space<hbm>>
      tpu.wait_dma2 semaphore(%arg29 : memref<!tpu.dma_semaphore, #tpu.memory_space<semaphore_mem>>) src(%dma_wait3A_119 : memref<128xi32, #tpu.memory_space<hbm>>) dst(%arg10 : memref<128xi32, #tpu.memory_space<vmem>>)
      %dma_wait3A_120 = arith.constant 0 : i32
      %dma_wait3A_121 = tpu.memref_slice %arg5[%dma_wait3A_120] : memref<327680xi32, #tpu.memory_space<hbm>> -> memref<128xi32, #tpu.memory_space<hbm>>
      %dma_wait3A_122 = arith.constant 0 : i32
      %dma_wait3A_123 = tpu.memref_slice %arg5[%dma_wait3A_122] : memref<327680xi32, #tpu.memory_space<hbm>> -> memref<128xi32, #tpu.memory_space<hbm>>
      tpu.wait_dma2 semaphore(%arg29 : memref<!tpu.dma_semaphore, #tpu.memory_space<semaphore_mem>>) src(%dma_wait3A_123 : memref<128xi32, #tpu.memory_space<hbm>>) dst(%arg18 : memref<128xi32, #tpu.memory_space<vmem>>)
      %dma_start3A_124 = arith.constant 0 : i32
      %dma_start3A_125 = arith.constant 0 : i32
      %dma_start3A_126 = tpu.memref_slice %arg2[%dma_start3A_124, %dma_start3A_125] : memref<10240x128xf32, #tpu.memory_space<hbm>> -> memref<10240x128xf32, #tpu.memory_space<hbm>>
      tpu.enqueue_indirect_dma source(%dma_start3A_126 : memref<10240x128xf32, #tpu.memory_space<hbm>>) target(%arg24 : memref<128x128xf32, #tpu.memory_space<vmem>>) offsets(%arg10 : memref<128xi32, #tpu.memory_space<vmem>>) semaphore(%arg35 : memref<!tpu.dma_semaphore, #tpu.memory_space<semaphore_mem>>)
      %mul3A_127 = arith.constant 8 : i32
      %mul3A_128 = arith.muli %mul3A_127, %scan3A_104 : i32
      %add3A_129 = arith.constant 1 : i32
      %add3A_130 = arith.addi %mul3A_128, %add3A_129 : i32
      %dma_wait3A_131 = arith.constant 0 : i32
      %dma_wait3A_132 = arith.constant 0 : i32
      %dma_wait3A_133 = tpu.memref_slice %arg2[%dma_wait3A_131, %dma_wait3A_132] : memref<10240x128xf32, #tpu.memory_space<hbm>> -> memref<10240x128xf32, #tpu.memory_space<hbm>>
      tpu.wait_indirect_dma semaphore(%arg36 : memref<!tpu.dma_semaphore, #tpu.memory_space<semaphore_mem>>) src(%dma_wait3A_133 : memref<10240x128xf32, #tpu.memory_space<hbm>>) dst(%arg25 : memref<128x128xf32, #tpu.memory_space<vmem>>)
      "tpu.region"() ({
        %run_scoped3A = tpu.sem_alloc : memref<!tpu.dma_semaphore, #tpu.memory_space<semaphore_mem>>
        %dma_start3A_276 = arith.constant 0 : i32
        %dma_start3A_277 = arith.constant 0 : i32
        %dma_start3A_278 = tpu.memref_slice %arg26[%dma_start3A_276, %dma_start3A_277] : memref<10240x128xf32, #tpu.memory_space<vmem_shared>> -> memref<10240x128xf32, #tpu.memory_space<vmem_shared>>
        tpu.enqueue_indirect_dma source(%arg25 : memref<128x128xf32, #tpu.memory_space<vmem>>) target(%dma_start3A_278 : memref<10240x128xf32, #tpu.memory_space<vmem_shared>>) offsets(%arg17 : memref<128xi32, #tpu.memory_space<vmem>>) semaphore(%run_scoped3A : memref<!tpu.dma_semaphore, #tpu.memory_space<semaphore_mem>>) {add = true}
        %dma_wait3A_279 = arith.constant 0 : i32
        %dma_wait3A_280 = arith.constant 0 : i32
        %dma_wait3A_281 = tpu.memref_slice %arg26[%dma_wait3A_279, %dma_wait3A_280] : memref<10240x128xf32, #tpu.memory_space<vmem_shared>> -> memref<10240x128xf32, #tpu.memory_space<vmem_shared>>
        tpu.wait_indirect_dma semaphore(%run_scoped3A : memref<!tpu.dma_semaphore, #tpu.memory_space<semaphore_mem>>) src(%arg25 : memref<128x128xf32, #tpu.memory_space<vmem>>) dst(%dma_wait3A_281 : memref<10240x128xf32, #tpu.memory_space<vmem_shared>>)
        tpu.yield
      }) : () -> ()
      %lt3A_134 = arith.constant 9 : i32
      %lt3A_135 = arith.cmpi slt, %scan3A_104, %lt3A_134 : i32
      %convert_element_type3A_136 = arith.extui %lt3A_135 : i1 to i32
      %cond3A_137 = arith.constant 0 : i32
      %cond3A_138 = arith.cmpi ne, %convert_element_type3A_136, %cond3A_137 : i32
      scf.if %cond3A_138 {
        %add3A_276 = arith.constant 8 : i32
        %add3A_277 = arith.addi %add3A_130, %add3A_276 : i32
        %add3A_278 = arith.addi %mul3A_6, %add3A_277 : i32
        %mul3A_279 = arith.constant 128 : i32
        %mul3A_280 = arith.muli %add3A_278, %mul3A_279 : i32
        %dma_start3A_281 = tpu.memref_slice %arg4[%mul3A_280] : memref<327680xi32, #tpu.memory_space<hbm>> -> memref<128xi32, #tpu.memory_space<hbm>>
        %dma_start3A_282 = tpu.memref_slice %arg4[%mul3A_280] : memref<327680xi32, #tpu.memory_space<hbm>> -> memref<128xi32, #tpu.memory_space<hbm>>
        tpu.enqueue_dma source(%dma_start3A_282 : memref<128xi32, #tpu.memory_space<hbm>>) target(%arg9 : memref<128xi32, #tpu.memory_space<vmem>>) target_semaphore(%arg28 : memref<!tpu.dma_semaphore, #tpu.memory_space<semaphore_mem>>)
        %dma_start3A_283 = tpu.memref_slice %arg5[%mul3A_280] : memref<327680xi32, #tpu.memory_space<hbm>> -> memref<128xi32, #tpu.memory_space<hbm>>
        %dma_start3A_284 = tpu.memref_slice %arg5[%mul3A_280] : memref<327680xi32, #tpu.memory_space<hbm>> -> memref<128xi32, #tpu.memory_space<hbm>>
        tpu.enqueue_dma source(%dma_start3A_284 : memref<128xi32, #tpu.memory_space<hbm>>) target(%arg17 : memref<128xi32, #tpu.memory_space<vmem>>) target_semaphore(%arg28 : memref<!tpu.dma_semaphore, #tpu.memory_space<semaphore_mem>>)
      } else {
      }
      %dma_wait3A_139 = arith.constant 0 : i32
      %dma_wait3A_140 = tpu.memref_slice %arg4[%dma_wait3A_139] : memref<327680xi32, #tpu.memory_space<hbm>> -> memref<128xi32, #tpu.memory_space<hbm>>
      %dma_wait3A_141 = arith.constant 0 : i32
      %dma_wait3A_142 = tpu.memref_slice %arg4[%dma_wait3A_141] : memref<327680xi32, #tpu.memory_space<hbm>> -> memref<128xi32, #tpu.memory_space<hbm>>
      tpu.wait_dma2 semaphore(%arg30 : memref<!tpu.dma_semaphore, #tpu.memory_space<semaphore_mem>>) src(%dma_wait3A_142 : memref<128xi32, #tpu.memory_space<hbm>>) dst(%arg11 : memref<128xi32, #tpu.memory_space<vmem>>)
      %dma_wait3A_143 = arith.constant 0 : i32
      %dma_wait3A_144 = tpu.memref_slice %arg5[%dma_wait3A_143] : memref<327680xi32, #tpu.memory_space<hbm>> -> memref<128xi32, #tpu.memory_space<hbm>>
      %dma_wait3A_145 = arith.constant 0 : i32
      %dma_wait3A_146 = tpu.memref_slice %arg5[%dma_wait3A_145] : memref<327680xi32, #tpu.memory_space<hbm>> -> memref<128xi32, #tpu.memory_space<hbm>>
      tpu.wait_dma2 semaphore(%arg30 : memref<!tpu.dma_semaphore, #tpu.memory_space<semaphore_mem>>) src(%dma_wait3A_146 : memref<128xi32, #tpu.memory_space<hbm>>) dst(%arg19 : memref<128xi32, #tpu.memory_space<vmem>>)
      %dma_start3A_147 = arith.constant 0 : i32
      %dma_start3A_148 = arith.constant 0 : i32
      %dma_start3A_149 = tpu.memref_slice %arg2[%dma_start3A_147, %dma_start3A_148] : memref<10240x128xf32, #tpu.memory_space<hbm>> -> memref<10240x128xf32, #tpu.memory_space<hbm>>
      tpu.enqueue_indirect_dma source(%dma_start3A_149 : memref<10240x128xf32, #tpu.memory_space<hbm>>) target(%arg25 : memref<128x128xf32, #tpu.memory_space<vmem>>) offsets(%arg11 : memref<128xi32, #tpu.memory_space<vmem>>) semaphore(%arg36 : memref<!tpu.dma_semaphore, #tpu.memory_space<semaphore_mem>>)
      %mul3A_150 = arith.constant 8 : i32
      %mul3A_151 = arith.muli %mul3A_150, %scan3A_104 : i32
      %add3A_152 = arith.constant 2 : i32
      %add3A_153 = arith.addi %mul3A_151, %add3A_152 : i32
      %dma_wait3A_154 = arith.constant 0 : i32
      %dma_wait3A_155 = arith.constant 0 : i32
      %dma_wait3A_156 = tpu.memref_slice %arg2[%dma_wait3A_154, %dma_wait3A_155] : memref<10240x128xf32, #tpu.memory_space<hbm>> -> memref<10240x128xf32, #tpu.memory_space<hbm>>
      tpu.wait_indirect_dma semaphore(%arg35 : memref<!tpu.dma_semaphore, #tpu.memory_space<semaphore_mem>>) src(%dma_wait3A_156 : memref<10240x128xf32, #tpu.memory_space<hbm>>) dst(%arg24 : memref<128x128xf32, #tpu.memory_space<vmem>>)
      "tpu.region"() ({
        %run_scoped3A = tpu.sem_alloc : memref<!tpu.dma_semaphore, #tpu.memory_space<semaphore_mem>>
        %dma_start3A_276 = arith.constant 0 : i32
        %dma_start3A_277 = arith.constant 0 : i32
        %dma_start3A_278 = tpu.memref_slice %arg26[%dma_start3A_276, %dma_start3A_277] : memref<10240x128xf32, #tpu.memory_space<vmem_shared>> -> memref<10240x128xf32, #tpu.memory_space<vmem_shared>>
        tpu.enqueue_indirect_dma source(%arg24 : memref<128x128xf32, #tpu.memory_space<vmem>>) target(%dma_start3A_278 : memref<10240x128xf32, #tpu.memory_space<vmem_shared>>) offsets(%arg18 : memref<128xi32, #tpu.memory_space<vmem>>) semaphore(%run_scoped3A : memref<!tpu.dma_semaphore, #tpu.memory_space<semaphore_mem>>) {add = true}
        %dma_wait3A_279 = arith.constant 0 : i32
        %dma_wait3A_280 = arith.constant 0 : i32
        %dma_wait3A_281 = tpu.memref_slice %arg26[%dma_wait3A_279, %dma_wait3A_280] : memref<10240x128xf32, #tpu.memory_space<vmem_shared>> -> memref<10240x128xf32, #tpu.memory_space<vmem_shared>>
        tpu.wait_indirect_dma semaphore(%run_scoped3A : memref<!tpu.dma_semaphore, #tpu.memory_space<semaphore_mem>>) src(%arg24 : memref<128x128xf32, #tpu.memory_space<vmem>>) dst(%dma_wait3A_281 : memref<10240x128xf32, #tpu.memory_space<vmem_shared>>)
        tpu.yield
      }) : () -> ()
      %lt3A_157 = arith.constant 9 : i32
      %lt3A_158 = arith.cmpi slt, %scan3A_104, %lt3A_157 : i32
      %convert_element_type3A_159 = arith.extui %lt3A_158 : i1 to i32
      %cond3A_160 = arith.constant 0 : i32
      %cond3A_161 = arith.cmpi ne, %convert_element_type3A_159, %cond3A_160 : i32
      scf.if %cond3A_161 {
        %add3A_276 = arith.constant 8 : i32
        %add3A_277 = arith.addi %add3A_153, %add3A_276 : i32
        %add3A_278 = arith.addi %mul3A_6, %add3A_277 : i32
        %mul3A_279 = arith.constant 128 : i32
        %mul3A_280 = arith.muli %add3A_278, %mul3A_279 : i32
        %dma_start3A_281 = tpu.memref_slice %arg4[%mul3A_280] : memref<327680xi32, #tpu.memory_space<hbm>> -> memref<128xi32, #tpu.memory_space<hbm>>
        %dma_start3A_282 = tpu.memref_slice %arg4[%mul3A_280] : memref<327680xi32, #tpu.memory_space<hbm>> -> memref<128xi32, #tpu.memory_space<hbm>>
        tpu.enqueue_dma source(%dma_start3A_282 : memref<128xi32, #tpu.memory_space<hbm>>) target(%arg10 : memref<128xi32, #tpu.memory_space<vmem>>) target_semaphore(%arg29 : memref<!tpu.dma_semaphore, #tpu.memory_space<semaphore_mem>>)
        %dma_start3A_283 = tpu.memref_slice %arg5[%mul3A_280] : memref<327680xi32, #tpu.memory_space<hbm>> -> memref<128xi32, #tpu.memory_space<hbm>>
        %dma_start3A_284 = tpu.memref_slice %arg5[%mul3A_280] : memref<327680xi32, #tpu.memory_space<hbm>> -> memref<128xi32, #tpu.memory_space<hbm>>
        tpu.enqueue_dma source(%dma_start3A_284 : memref<128xi32, #tpu.memory_space<hbm>>) target(%arg18 : memref<128xi32, #tpu.memory_space<vmem>>) target_semaphore(%arg29 : memref<!tpu.dma_semaphore, #tpu.memory_space<semaphore_mem>>)
      } else {
      }
      %dma_wait3A_162 = arith.constant 0 : i32
      %dma_wait3A_163 = tpu.memref_slice %arg4[%dma_wait3A_162] : memref<327680xi32, #tpu.memory_space<hbm>> -> memref<128xi32, #tpu.memory_space<hbm>>
      %dma_wait3A_164 = arith.constant 0 : i32
      %dma_wait3A_165 = tpu.memref_slice %arg4[%dma_wait3A_164] : memref<327680xi32, #tpu.memory_space<hbm>> -> memref<128xi32, #tpu.memory_space<hbm>>
      tpu.wait_dma2 semaphore(%arg31 : memref<!tpu.dma_semaphore, #tpu.memory_space<semaphore_mem>>) src(%dma_wait3A_165 : memref<128xi32, #tpu.memory_space<hbm>>) dst(%arg12 : memref<128xi32, #tpu.memory_space<vmem>>)
      %dma_wait3A_166 = arith.constant 0 : i32
      %dma_wait3A_167 = tpu.memref_slice %arg5[%dma_wait3A_166] : memref<327680xi32, #tpu.memory_space<hbm>> -> memref<128xi32, #tpu.memory_space<hbm>>
      %dma_wait3A_168 = arith.constant 0 : i32
      %dma_wait3A_169 = tpu.memref_slice %arg5[%dma_wait3A_168] : memref<327680xi32, #tpu.memory_space<hbm>> -> memref<128xi32, #tpu.memory_space<hbm>>
      tpu.wait_dma2 semaphore(%arg31 : memref<!tpu.dma_semaphore, #tpu.memory_space<semaphore_mem>>) src(%dma_wait3A_169 : memref<128xi32, #tpu.memory_space<hbm>>) dst(%arg20 : memref<128xi32, #tpu.memory_space<vmem>>)
      %dma_start3A_170 = arith.constant 0 : i32
      %dma_start3A_171 = arith.constant 0 : i32
      %dma_start3A_172 = tpu.memref_slice %arg2[%dma_start3A_170, %dma_start3A_171] : memref<10240x128xf32, #tpu.memory_space<hbm>> -> memref<10240x128xf32, #tpu.memory_space<hbm>>
      tpu.enqueue_indirect_dma source(%dma_start3A_172 : memref<10240x128xf32, #tpu.memory_space<hbm>>) target(%arg24 : memref<128x128xf32, #tpu.memory_space<vmem>>) offsets(%arg12 : memref<128xi32, #tpu.memory_space<vmem>>) semaphore(%arg35 : memref<!tpu.dma_semaphore, #tpu.memory_space<semaphore_mem>>)
      %mul3A_173 = arith.constant 8 : i32
      %mul3A_174 = arith.muli %mul3A_173, %scan3A_104 : i32
      %add3A_175 = arith.constant 3 : i32
      %add3A_176 = arith.addi %mul3A_174, %add3A_175 : i32
      %dma_wait3A_177 = arith.constant 0 : i32
      %dma_wait3A_178 = arith.constant 0 : i32
      %dma_wait3A_179 = tpu.memref_slice %arg2[%dma_wait3A_177, %dma_wait3A_178] : memref<10240x128xf32, #tpu.memory_space<hbm>> -> memref<10240x128xf32, #tpu.memory_space<hbm>>
      tpu.wait_indirect_dma semaphore(%arg36 : memref<!tpu.dma_semaphore, #tpu.memory_space<semaphore_mem>>) src(%dma_wait3A_179 : memref<10240x128xf32, #tpu.memory_space<hbm>>) dst(%arg25 : memref<128x128xf32, #tpu.memory_space<vmem>>)
      "tpu.region"() ({
        %run_scoped3A = tpu.sem_alloc : memref<!tpu.dma_semaphore, #tpu.memory_space<semaphore_mem>>
        %dma_start3A_276 = arith.constant 0 : i32
        %dma_start3A_277 = arith.constant 0 : i32
        %dma_start3A_278 = tpu.memref_slice %arg26[%dma_start3A_276, %dma_start3A_277] : memref<10240x128xf32, #tpu.memory_space<vmem_shared>> -> memref<10240x128xf32, #tpu.memory_space<vmem_shared>>
        tpu.enqueue_indirect_dma source(%arg25 : memref<128x128xf32, #tpu.memory_space<vmem>>) target(%dma_start3A_278 : memref<10240x128xf32, #tpu.memory_space<vmem_shared>>) offsets(%arg19 : memref<128xi32, #tpu.memory_space<vmem>>) semaphore(%run_scoped3A : memref<!tpu.dma_semaphore, #tpu.memory_space<semaphore_mem>>) {add = true}
        %dma_wait3A_279 = arith.constant 0 : i32
        %dma_wait3A_280 = arith.constant 0 : i32
        %dma_wait3A_281 = tpu.memref_slice %arg26[%dma_wait3A_279, %dma_wait3A_280] : memref<10240x128xf32, #tpu.memory_space<vmem_shared>> -> memref<10240x128xf32, #tpu.memory_space<vmem_shared>>
        tpu.wait_indirect_dma semaphore(%run_scoped3A : memref<!tpu.dma_semaphore, #tpu.memory_space<semaphore_mem>>) src(%arg25 : memref<128x128xf32, #tpu.memory_space<vmem>>) dst(%dma_wait3A_281 : memref<10240x128xf32, #tpu.memory_space<vmem_shared>>)
        tpu.yield
      }) : () -> ()
      %lt3A_180 = arith.constant 9 : i32
      %lt3A_181 = arith.cmpi slt, %scan3A_104, %lt3A_180 : i32
      %convert_element_type3A_182 = arith.extui %lt3A_181 : i1 to i32
      %cond3A_183 = arith.constant 0 : i32
      %cond3A_184 = arith.cmpi ne, %convert_element_type3A_182, %cond3A_183 : i32
      scf.if %cond3A_184 {
        %add3A_276 = arith.constant 8 : i32
        %add3A_277 = arith.addi %add3A_176, %add3A_276 : i32
        %add3A_278 = arith.addi %mul3A_6, %add3A_277 : i32
        %mul3A_279 = arith.constant 128 : i32
        %mul3A_280 = arith.muli %add3A_278, %mul3A_279 : i32
        %dma_start3A_281 = tpu.memref_slice %arg4[%mul3A_280] : memref<327680xi32, #tpu.memory_space<hbm>> -> memref<128xi32, #tpu.memory_space<hbm>>
        %dma_start3A_282 = tpu.memref_slice %arg4[%mul3A_280] : memref<327680xi32, #tpu.memory_space<hbm>> -> memref<128xi32, #tpu.memory_space<hbm>>
        tpu.enqueue_dma source(%dma_start3A_282 : memref<128xi32, #tpu.memory_space<hbm>>) target(%arg11 : memref<128xi32, #tpu.memory_space<vmem>>) target_semaphore(%arg30 : memref<!tpu.dma_semaphore, #tpu.memory_space<semaphore_mem>>)
        %dma_start3A_283 = tpu.memref_slice %arg5[%mul3A_280] : memref<327680xi32, #tpu.memory_space<hbm>> -> memref<128xi32, #tpu.memory_space<hbm>>
        %dma_start3A_284 = tpu.memref_slice %arg5[%mul3A_280] : memref<327680xi32, #tpu.memory_space<hbm>> -> memref<128xi32, #tpu.memory_space<hbm>>
        tpu.enqueue_dma source(%dma_start3A_284 : memref<128xi32, #tpu.memory_space<hbm>>) target(%arg19 : memref<128xi32, #tpu.memory_space<vmem>>) target_semaphore(%arg30 : memref<!tpu.dma_semaphore, #tpu.memory_space<semaphore_mem>>)
      } else {
      }
      %dma_wait3A_185 = arith.constant 0 : i32
      %dma_wait3A_186 = tpu.memref_slice %arg4[%dma_wait3A_185] : memref<327680xi32, #tpu.memory_space<hbm>> -> memref<128xi32, #tpu.memory_space<hbm>>
      %dma_wait3A_187 = arith.constant 0 : i32
      %dma_wait3A_188 = tpu.memref_slice %arg4[%dma_wait3A_187] : memref<327680xi32, #tpu.memory_space<hbm>> -> memref<128xi32, #tpu.memory_space<hbm>>
      tpu.wait_dma2 semaphore(%arg32 : memref<!tpu.dma_semaphore, #tpu.memory_space<semaphore_mem>>) src(%dma_wait3A_188 : memref<128xi32, #tpu.memory_space<hbm>>) dst(%arg13 : memref<128xi32, #tpu.memory_space<vmem>>)
      %dma_wait3A_189 = arith.constant 0 : i32
      %dma_wait3A_190 = tpu.memref_slice %arg5[%dma_wait3A_189] : memref<327680xi32, #tpu.memory_space<hbm>> -> memref<128xi32, #tpu.memory_space<hbm>>
      %dma_wait3A_191 = arith.constant 0 : i32
      %dma_wait3A_192 = tpu.memref_slice %arg5[%dma_wait3A_191] : memref<327680xi32, #tpu.memory_space<hbm>> -> memref<128xi32, #tpu.memory_space<hbm>>
      tpu.wait_dma2 semaphore(%arg32 : memref<!tpu.dma_semaphore, #tpu.memory_space<semaphore_mem>>) src(%dma_wait3A_192 : memref<128xi32, #tpu.memory_space<hbm>>) dst(%arg21 : memref<128xi32, #tpu.memory_space<vmem>>)
      %dma_start3A_193 = arith.constant 0 : i32
      %dma_start3A_194 = arith.constant 0 : i32
      %dma_start3A_195 = tpu.memref_slice %arg2[%dma_start3A_193, %dma_start3A_194] : memref<10240x128xf32, #tpu.memory_space<hbm>> -> memref<10240x128xf32, #tpu.memory_space<hbm>>
      tpu.enqueue_indirect_dma source(%dma_start3A_195 : memref<10240x128xf32, #tpu.memory_space<hbm>>) target(%arg25 : memref<128x128xf32, #tpu.memory_space<vmem>>) offsets(%arg13 : memref<128xi32, #tpu.memory_space<vmem>>) semaphore(%arg36 : memref<!tpu.dma_semaphore, #tpu.memory_space<semaphore_mem>>)
      %mul3A_196 = arith.constant 8 : i32
      %mul3A_197 = arith.muli %mul3A_196, %scan3A_104 : i32
      %add3A_198 = arith.constant 4 : i32
      %add3A_199 = arith.addi %mul3A_197, %add3A_198 : i32
      %dma_wait3A_200 = arith.constant 0 : i32
      %dma_wait3A_201 = arith.constant 0 : i32
      %dma_wait3A_202 = tpu.memref_slice %arg2[%dma_wait3A_200, %dma_wait3A_201] : memref<10240x128xf32, #tpu.memory_space<hbm>> -> memref<10240x128xf32, #tpu.memory_space<hbm>>
      tpu.wait_indirect_dma semaphore(%arg35 : memref<!tpu.dma_semaphore, #tpu.memory_space<semaphore_mem>>) src(%dma_wait3A_202 : memref<10240x128xf32, #tpu.memory_space<hbm>>) dst(%arg24 : memref<128x128xf32, #tpu.memory_space<vmem>>)
      "tpu.region"() ({
        %run_scoped3A = tpu.sem_alloc : memref<!tpu.dma_semaphore, #tpu.memory_space<semaphore_mem>>
        %dma_start3A_276 = arith.constant 0 : i32
        %dma_start3A_277 = arith.constant 0 : i32
        %dma_start3A_278 = tpu.memref_slice %arg26[%dma_start3A_276, %dma_start3A_277] : memref<10240x128xf32, #tpu.memory_space<vmem_shared>> -> memref<10240x128xf32, #tpu.memory_space<vmem_shared>>
        tpu.enqueue_indirect_dma source(%arg24 : memref<128x128xf32, #tpu.memory_space<vmem>>) target(%dma_start3A_278 : memref<10240x128xf32, #tpu.memory_space<vmem_shared>>) offsets(%arg20 : memref<128xi32, #tpu.memory_space<vmem>>) semaphore(%run_scoped3A : memref<!tpu.dma_semaphore, #tpu.memory_space<semaphore_mem>>) {add = true}
        %dma_wait3A_279 = arith.constant 0 : i32
        %dma_wait3A_280 = arith.constant 0 : i32
        %dma_wait3A_281 = tpu.memref_slice %arg26[%dma_wait3A_279, %dma_wait3A_280] : memref<10240x128xf32, #tpu.memory_space<vmem_shared>> -> memref<10240x128xf32, #tpu.memory_space<vmem_shared>>
        tpu.wait_indirect_dma semaphore(%run_scoped3A : memref<!tpu.dma_semaphore, #tpu.memory_space<semaphore_mem>>) src(%arg24 : memref<128x128xf32, #tpu.memory_space<vmem>>) dst(%dma_wait3A_281 : memref<10240x128xf32, #tpu.memory_space<vmem_shared>>)
        tpu.yield
      }) : () -> ()
      %lt3A_203 = arith.constant 9 : i32
      %lt3A_204 = arith.cmpi slt, %scan3A_104, %lt3A_203 : i32
      %convert_element_type3A_205 = arith.extui %lt3A_204 : i1 to i32
      %cond3A_206 = arith.constant 0 : i32
      %cond3A_207 = arith.cmpi ne, %convert_element_type3A_205, %cond3A_206 : i32
      scf.if %cond3A_207 {
        %add3A_276 = arith.constant 8 : i32
        %add3A_277 = arith.addi %add3A_199, %add3A_276 : i32
        %add3A_278 = arith.addi %mul3A_6, %add3A_277 : i32
        %mul3A_279 = arith.constant 128 : i32
        %mul3A_280 = arith.muli %add3A_278, %mul3A_279 : i32
        %dma_start3A_281 = tpu.memref_slice %arg4[%mul3A_280] : memref<327680xi32, #tpu.memory_space<hbm>> -> memref<128xi32, #tpu.memory_space<hbm>>
        %dma_start3A_282 = tpu.memref_slice %arg4[%mul3A_280] : memref<327680xi32, #tpu.memory_space<hbm>> -> memref<128xi32, #tpu.memory_space<hbm>>
        tpu.enqueue_dma source(%dma_start3A_282 : memref<128xi32, #tpu.memory_space<hbm>>) target(%arg12 : memref<128xi32, #tpu.memory_space<vmem>>) target_semaphore(%arg31 : memref<!tpu.dma_semaphore, #tpu.memory_space<semaphore_mem>>)
        %dma_start3A_283 = tpu.memref_slice %arg5[%mul3A_280] : memref<327680xi32, #tpu.memory_space<hbm>> -> memref<128xi32, #tpu.memory_space<hbm>>
        %dma_start3A_284 = tpu.memref_slice %arg5[%mul3A_280] : memref<327680xi32, #tpu.memory_space<hbm>> -> memref<128xi32, #tpu.memory_space<hbm>>
        tpu.enqueue_dma source(%dma_start3A_284 : memref<128xi32, #tpu.memory_space<hbm>>) target(%arg20 : memref<128xi32, #tpu.memory_space<vmem>>) target_semaphore(%arg31 : memref<!tpu.dma_semaphore, #tpu.memory_space<semaphore_mem>>)
      } else {
      }
      %dma_wait3A_208 = arith.constant 0 : i32
      %dma_wait3A_209 = tpu.memref_slice %arg4[%dma_wait3A_208] : memref<327680xi32, #tpu.memory_space<hbm>> -> memref<128xi32, #tpu.memory_space<hbm>>
      %dma_wait3A_210 = arith.constant 0 : i32
      %dma_wait3A_211 = tpu.memref_slice %arg4[%dma_wait3A_210] : memref<327680xi32, #tpu.memory_space<hbm>> -> memref<128xi32, #tpu.memory_space<hbm>>
      tpu.wait_dma2 semaphore(%arg33 : memref<!tpu.dma_semaphore, #tpu.memory_space<semaphore_mem>>) src(%dma_wait3A_211 : memref<128xi32, #tpu.memory_space<hbm>>) dst(%arg14 : memref<128xi32, #tpu.memory_space<vmem>>)
      %dma_wait3A_212 = arith.constant 0 : i32
      %dma_wait3A_213 = tpu.memref_slice %arg5[%dma_wait3A_212] : memref<327680xi32, #tpu.memory_space<hbm>> -> memref<128xi32, #tpu.memory_space<hbm>>
      %dma_wait3A_214 = arith.constant 0 : i32
      %dma_wait3A_215 = tpu.memref_slice %arg5[%dma_wait3A_214] : memref<327680xi32, #tpu.memory_space<hbm>> -> memref<128xi32, #tpu.memory_space<hbm>>
      tpu.wait_dma2 semaphore(%arg33 : memref<!tpu.dma_semaphore, #tpu.memory_space<semaphore_mem>>) src(%dma_wait3A_215 : memref<128xi32, #tpu.memory_space<hbm>>) dst(%arg22 : memref<128xi32, #tpu.memory_space<vmem>>)
      %dma_start3A_216 = arith.constant 0 : i32
      %dma_start3A_217 = arith.constant 0 : i32
      %dma_start3A_218 = tpu.memref_slice %arg2[%dma_start3A_216, %dma_start3A_217] : memref<10240x128xf32, #tpu.memory_space<hbm>> -> memref<10240x128xf32, #tpu.memory_space<hbm>>
      tpu.enqueue_indirect_dma source(%dma_start3A_218 : memref<10240x128xf32, #tpu.memory_space<hbm>>) target(%arg24 : memref<128x128xf32, #tpu.memory_space<vmem>>) offsets(%arg14 : memref<128xi32, #tpu.memory_space<vmem>>) semaphore(%arg35 : memref<!tpu.dma_semaphore, #tpu.memory_space<semaphore_mem>>)
      %mul3A_219 = arith.constant 8 : i32
      %mul3A_220 = arith.muli %mul3A_219, %scan3A_104 : i32
      %add3A_221 = arith.constant 5 : i32
      %add3A_222 = arith.addi %mul3A_220, %add3A_221 : i32
      %dma_wait3A_223 = arith.constant 0 : i32
      %dma_wait3A_224 = arith.constant 0 : i32
      %dma_wait3A_225 = tpu.memref_slice %arg2[%dma_wait3A_223, %dma_wait3A_224] : memref<10240x128xf32, #tpu.memory_space<hbm>> -> memref<10240x128xf32, #tpu.memory_space<hbm>>
      tpu.wait_indirect_dma semaphore(%arg36 : memref<!tpu.dma_semaphore, #tpu.memory_space<semaphore_mem>>) src(%dma_wait3A_225 : memref<10240x128xf32, #tpu.memory_space<hbm>>) dst(%arg25 : memref<128x128xf32, #tpu.memory_space<vmem>>)
      "tpu.region"() ({
        %run_scoped3A = tpu.sem_alloc : memref<!tpu.dma_semaphore, #tpu.memory_space<semaphore_mem>>
        %dma_start3A_276 = arith.constant 0 : i32
        %dma_start3A_277 = arith.constant 0 : i32
        %dma_start3A_278 = tpu.memref_slice %arg26[%dma_start3A_276, %dma_start3A_277] : memref<10240x128xf32, #tpu.memory_space<vmem_shared>> -> memref<10240x128xf32, #tpu.memory_space<vmem_shared>>
        tpu.enqueue_indirect_dma source(%arg25 : memref<128x128xf32, #tpu.memory_space<vmem>>) target(%dma_start3A_278 : memref<10240x128xf32, #tpu.memory_space<vmem_shared>>) offsets(%arg21 : memref<128xi32, #tpu.memory_space<vmem>>) semaphore(%run_scoped3A : memref<!tpu.dma_semaphore, #tpu.memory_space<semaphore_mem>>) {add = true}
        %dma_wait3A_279 = arith.constant 0 : i32
        %dma_wait3A_280 = arith.constant 0 : i32
        %dma_wait3A_281 = tpu.memref_slice %arg26[%dma_wait3A_279, %dma_wait3A_280] : memref<10240x128xf32, #tpu.memory_space<vmem_shared>> -> memref<10240x128xf32, #tpu.memory_space<vmem_shared>>
        tpu.wait_indirect_dma semaphore(%run_scoped3A : memref<!tpu.dma_semaphore, #tpu.memory_space<semaphore_mem>>) src(%arg25 : memref<128x128xf32, #tpu.memory_space<vmem>>) dst(%dma_wait3A_281 : memref<10240x128xf32, #tpu.memory_space<vmem_shared>>)
        tpu.yield
      }) : () -> ()
      %lt3A_226 = arith.constant 9 : i32
      %lt3A_227 = arith.cmpi slt, %scan3A_104, %lt3A_226 : i32
      %convert_element_type3A_228 = arith.extui %lt3A_227 : i1 to i32
      %cond3A_229 = arith.constant 0 : i32
      %cond3A_230 = arith.cmpi ne, %convert_element_type3A_228, %cond3A_229 : i32
      scf.if %cond3A_230 {
        %add3A_276 = arith.constant 8 : i32
        %add3A_277 = arith.addi %add3A_222, %add3A_276 : i32
        %add3A_278 = arith.addi %mul3A_6, %add3A_277 : i32
        %mul3A_279 = arith.constant 128 : i32
        %mul3A_280 = arith.muli %add3A_278, %mul3A_279 : i32
        %dma_start3A_281 = tpu.memref_slice %arg4[%mul3A_280] : memref<327680xi32, #tpu.memory_space<hbm>> -> memref<128xi32, #tpu.memory_space<hbm>>
        %dma_start3A_282 = tpu.memref_slice %arg4[%mul3A_280] : memref<327680xi32, #tpu.memory_space<hbm>> -> memref<128xi32, #tpu.memory_space<hbm>>
        tpu.enqueue_dma source(%dma_start3A_282 : memref<128xi32, #tpu.memory_space<hbm>>) target(%arg13 : memref<128xi32, #tpu.memory_space<vmem>>) target_semaphore(%arg32 : memref<!tpu.dma_semaphore, #tpu.memory_space<semaphore_mem>>)
        %dma_start3A_283 = tpu.memref_slice %arg5[%mul3A_280] : memref<327680xi32, #tpu.memory_space<hbm>> -> memref<128xi32, #tpu.memory_space<hbm>>
        %dma_start3A_284 = tpu.memref_slice %arg5[%mul3A_280] : memref<327680xi32, #tpu.memory_space<hbm>> -> memref<128xi32, #tpu.memory_space<hbm>>
        tpu.enqueue_dma source(%dma_start3A_284 : memref<128xi32, #tpu.memory_space<hbm>>) target(%arg21 : memref<128xi32, #tpu.memory_space<vmem>>) target_semaphore(%arg32 : memref<!tpu.dma_semaphore, #tpu.memory_space<semaphore_mem>>)
      } else {
      }
      %dma_wait3A_231 = arith.constant 0 : i32
      %dma_wait3A_232 = tpu.memref_slice %arg4[%dma_wait3A_231] : memref<327680xi32, #tpu.memory_space<hbm>> -> memref<128xi32, #tpu.memory_space<hbm>>
      %dma_wait3A_233 = arith.constant 0 : i32
      %dma_wait3A_234 = tpu.memref_slice %arg4[%dma_wait3A_233] : memref<327680xi32, #tpu.memory_space<hbm>> -> memref<128xi32, #tpu.memory_space<hbm>>
      tpu.wait_dma2 semaphore(%arg34 : memref<!tpu.dma_semaphore, #tpu.memory_space<semaphore_mem>>) src(%dma_wait3A_234 : memref<128xi32, #tpu.memory_space<hbm>>) dst(%arg15 : memref<128xi32, #tpu.memory_space<vmem>>)
      %dma_wait3A_235 = arith.constant 0 : i32
      %dma_wait3A_236 = tpu.memref_slice %arg5[%dma_wait3A_235] : memref<327680xi32, #tpu.memory_space<hbm>> -> memref<128xi32, #tpu.memory_space<hbm>>
      %dma_wait3A_237 = arith.constant 0 : i32
      %dma_wait3A_238 = tpu.memref_slice %arg5[%dma_wait3A_237] : memref<327680xi32, #tpu.memory_space<hbm>> -> memref<128xi32, #tpu.memory_space<hbm>>
      tpu.wait_dma2 semaphore(%arg34 : memref<!tpu.dma_semaphore, #tpu.memory_space<semaphore_mem>>) src(%dma_wait3A_238 : memref<128xi32, #tpu.memory_space<hbm>>) dst(%arg23 : memref<128xi32, #tpu.memory_space<vmem>>)
      %dma_start3A_239 = arith.constant 0 : i32
      %dma_start3A_240 = arith.constant 0 : i32
      %dma_start3A_241 = tpu.memref_slice %arg2[%dma_start3A_239, %dma_start3A_240] : memref<10240x128xf32, #tpu.memory_space<hbm>> -> memref<10240x128xf32, #tpu.memory_space<hbm>>
      tpu.enqueue_indirect_dma source(%dma_start3A_241 : memref<10240x128xf32, #tpu.memory_space<hbm>>) target(%arg25 : memref<128x128xf32, #tpu.memory_space<vmem>>) offsets(%arg15 : memref<128xi32, #tpu.memory_space<vmem>>) semaphore(%arg36 : memref<!tpu.dma_semaphore, #tpu.memory_space<semaphore_mem>>)
      %mul3A_242 = arith.constant 8 : i32
      %mul3A_243 = arith.muli %mul3A_242, %scan3A_104 : i32
      %add3A_244 = arith.constant 6 : i32
      %add3A_245 = arith.addi %mul3A_243, %add3A_244 : i32
      %dma_wait3A_246 = arith.constant 0 : i32
      %dma_wait3A_247 = arith.constant 0 : i32
      %dma_wait3A_248 = tpu.memref_slice %arg2[%dma_wait3A_246, %dma_wait3A_247] : memref<10240x128xf32, #tpu.memory_space<hbm>> -> memref<10240x128xf32, #tpu.memory_space<hbm>>
      tpu.wait_indirect_dma semaphore(%arg35 : memref<!tpu.dma_semaphore, #tpu.memory_space<semaphore_mem>>) src(%dma_wait3A_248 : memref<10240x128xf32, #tpu.memory_space<hbm>>) dst(%arg24 : memref<128x128xf32, #tpu.memory_space<vmem>>)
      "tpu.region"() ({
        %run_scoped3A = tpu.sem_alloc : memref<!tpu.dma_semaphore, #tpu.memory_space<semaphore_mem>>
        %dma_start3A_276 = arith.constant 0 : i32
        %dma_start3A_277 = arith.constant 0 : i32
        %dma_start3A_278 = tpu.memref_slice %arg26[%dma_start3A_276, %dma_start3A_277] : memref<10240x128xf32, #tpu.memory_space<vmem_shared>> -> memref<10240x128xf32, #tpu.memory_space<vmem_shared>>
        tpu.enqueue_indirect_dma source(%arg24 : memref<128x128xf32, #tpu.memory_space<vmem>>) target(%dma_start3A_278 : memref<10240x128xf32, #tpu.memory_space<vmem_shared>>) offsets(%arg22 : memref<128xi32, #tpu.memory_space<vmem>>) semaphore(%run_scoped3A : memref<!tpu.dma_semaphore, #tpu.memory_space<semaphore_mem>>) {add = true}
        %dma_wait3A_279 = arith.constant 0 : i32
        %dma_wait3A_280 = arith.constant 0 : i32
        %dma_wait3A_281 = tpu.memref_slice %arg26[%dma_wait3A_279, %dma_wait3A_280] : memref<10240x128xf32, #tpu.memory_space<vmem_shared>> -> memref<10240x128xf32, #tpu.memory_space<vmem_shared>>
        tpu.wait_indirect_dma semaphore(%run_scoped3A : memref<!tpu.dma_semaphore, #tpu.memory_space<semaphore_mem>>) src(%arg24 : memref<128x128xf32, #tpu.memory_space<vmem>>) dst(%dma_wait3A_281 : memref<10240x128xf32, #tpu.memory_space<vmem_shared>>)
        tpu.yield
      }) : () -> ()
      %lt3A_249 = arith.constant 9 : i32
      %lt3A_250 = arith.cmpi slt, %scan3A_104, %lt3A_249 : i32
      %convert_element_type3A_251 = arith.extui %lt3A_250 : i1 to i32
      %cond3A_252 = arith.constant 0 : i32
      %cond3A_253 = arith.cmpi ne, %convert_element_type3A_251, %cond3A_252 : i32
      scf.if %cond3A_253 {
        %add3A_276 = arith.constant 8 : i32
        %add3A_277 = arith.addi %add3A_245, %add3A_276 : i32
        %add3A_278 = arith.addi %mul3A_6, %add3A_277 : i32
        %mul3A_279 = arith.constant 128 : i32
        %mul3A_280 = arith.muli %add3A_278, %mul3A_279 : i32
        %dma_start3A_281 = tpu.memref_slice %arg4[%mul3A_280] : memref<327680xi32, #tpu.memory_space<hbm>> -> memref<128xi32, #tpu.memory_space<hbm>>
        %dma_start3A_282 = tpu.memref_slice %arg4[%mul3A_280] : memref<327680xi32, #tpu.memory_space<hbm>> -> memref<128xi32, #tpu.memory_space<hbm>>
        tpu.enqueue_dma source(%dma_start3A_282 : memref<128xi32, #tpu.memory_space<hbm>>) target(%arg14 : memref<128xi32, #tpu.memory_space<vmem>>) target_semaphore(%arg33 : memref<!tpu.dma_semaphore, #tpu.memory_space<semaphore_mem>>)
        %dma_start3A_283 = tpu.memref_slice %arg5[%mul3A_280] : memref<327680xi32, #tpu.memory_space<hbm>> -> memref<128xi32, #tpu.memory_space<hbm>>
        %dma_start3A_284 = tpu.memref_slice %arg5[%mul3A_280] : memref<327680xi32, #tpu.memory_space<hbm>> -> memref<128xi32, #tpu.memory_space<hbm>>
        tpu.enqueue_dma source(%dma_start3A_284 : memref<128xi32, #tpu.memory_space<hbm>>) target(%arg22 : memref<128xi32, #tpu.memory_space<vmem>>) target_semaphore(%arg33 : memref<!tpu.dma_semaphore, #tpu.memory_space<semaphore_mem>>)
      } else {
      }
      %lt3A_254 = arith.constant 9 : i32
      %lt3A_255 = arith.cmpi slt, %scan3A_104, %lt3A_254 : i32
      %convert_element_type3A_256 = arith.extui %lt3A_255 : i1 to i32
      %cond3A_257 = arith.constant 0 : i32
      %cond3A_258 = arith.cmpi ne, %convert_element_type3A_256, %cond3A_257 : i32
      scf.if %cond3A_258 {
        %dma_wait3A_276 = arith.constant 0 : i32
        %dma_wait3A_277 = tpu.memref_slice %arg4[%dma_wait3A_276] : memref<327680xi32, #tpu.memory_space<hbm>> -> memref<128xi32, #tpu.memory_space<hbm>>
        %dma_wait3A_278 = arith.constant 0 : i32
        %dma_wait3A_279 = tpu.memref_slice %arg4[%dma_wait3A_278] : memref<327680xi32, #tpu.memory_space<hbm>> -> memref<128xi32, #tpu.memory_space<hbm>>
        tpu.wait_dma2 semaphore(%arg27 : memref<!tpu.dma_semaphore, #tpu.memory_space<semaphore_mem>>) src(%dma_wait3A_279 : memref<128xi32, #tpu.memory_space<hbm>>) dst(%arg8 : memref<128xi32, #tpu.memory_space<vmem>>)
        %dma_wait3A_280 = arith.constant 0 : i32
        %dma_wait3A_281 = tpu.memref_slice %arg5[%dma_wait3A_280] : memref<327680xi32, #tpu.memory_space<hbm>> -> memref<128xi32, #tpu.memory_space<hbm>>
        %dma_wait3A_282 = arith.constant 0 : i32
        %dma_wait3A_283 = tpu.memref_slice %arg5[%dma_wait3A_282] : memref<327680xi32, #tpu.memory_space<hbm>> -> memref<128xi32, #tpu.memory_space<hbm>>
        tpu.wait_dma2 semaphore(%arg27 : memref<!tpu.dma_semaphore, #tpu.memory_space<semaphore_mem>>) src(%dma_wait3A_283 : memref<128xi32, #tpu.memory_space<hbm>>) dst(%arg16 : memref<128xi32, #tpu.memory_space<vmem>>)
        %dma_start3A_284 = arith.constant 0 : i32
        %dma_start3A_285 = arith.constant 0 : i32
        %dma_start3A_286 = tpu.memref_slice %arg2[%dma_start3A_284, %dma_start3A_285] : memref<10240x128xf32, #tpu.memory_space<hbm>> -> memref<10240x128xf32, #tpu.memory_space<hbm>>
        tpu.enqueue_indirect_dma source(%dma_start3A_286 : memref<10240x128xf32, #tpu.memory_space<hbm>>) target(%arg24 : memref<128x128xf32, #tpu.memory_space<vmem>>) offsets(%arg8 : memref<128xi32, #tpu.memory_space<vmem>>) semaphore(%arg35 : memref<!tpu.dma_semaphore, #tpu.memory_space<semaphore_mem>>)
      } else {
      }
      %mul3A_259 = arith.constant 8 : i32
      %mul3A_260 = arith.muli %mul3A_259, %scan3A_104 : i32
      %add3A_261 = arith.constant 7 : i32
      %add3A_262 = arith.addi %mul3A_260, %add3A_261 : i32
      %dma_wait3A_263 = arith.constant 0 : i32
      %dma_wait3A_264 = arith.constant 0 : i32
      %dma_wait3A_265 = tpu.memref_slice %arg2[%dma_wait3A_263, %dma_wait3A_264] : memref<10240x128xf32, #tpu.memory_space<hbm>> -> memref<10240x128xf32, #tpu.memory_space<hbm>>
      tpu.wait_indirect_dma semaphore(%arg36 : memref<!tpu.dma_semaphore, #tpu.memory_space<semaphore_mem>>) src(%dma_wait3A_265 : memref<10240x128xf32, #tpu.memory_space<hbm>>) dst(%arg25 : memref<128x128xf32, #tpu.memory_space<vmem>>)
      "tpu.region"() ({
        %run_scoped3A = tpu.sem_alloc : memref<!tpu.dma_semaphore, #tpu.memory_space<semaphore_mem>>
        %dma_start3A_276 = arith.constant 0 : i32
        %dma_start3A_277 = arith.constant 0 : i32
        %dma_start3A_278 = tpu.memref_slice %arg26[%dma_start3A_276, %dma_start3A_277] : memref<10240x128xf32, #tpu.memory_space<vmem_shared>> -> memref<10240x128xf32, #tpu.memory_space<vmem_shared>>
        tpu.enqueue_indirect_dma source(%arg25 : memref<128x128xf32, #tpu.memory_space<vmem>>) target(%dma_start3A_278 : memref<10240x128xf32, #tpu.memory_space<vmem_shared>>) offsets(%arg23 : memref<128xi32, #tpu.memory_space<vmem>>) semaphore(%run_scoped3A : memref<!tpu.dma_semaphore, #tpu.memory_space<semaphore_mem>>) {add = true}
        %dma_wait3A_279 = arith.constant 0 : i32
        %dma_wait3A_280 = arith.constant 0 : i32
        %dma_wait3A_281 = tpu.memref_slice %arg26[%dma_wait3A_279, %dma_wait3A_280] : memref<10240x128xf32, #tpu.memory_space<vmem_shared>> -> memref<10240x128xf32, #tpu.memory_space<vmem_shared>>
        tpu.wait_indirect_dma semaphore(%run_scoped3A : memref<!tpu.dma_semaphore, #tpu.memory_space<semaphore_mem>>) src(%arg25 : memref<128x128xf32, #tpu.memory_space<vmem>>) dst(%dma_wait3A_281 : memref<10240x128xf32, #tpu.memory_space<vmem_shared>>)
        tpu.yield
      }) : () -> ()
      %lt3A_266 = arith.constant 9 : i32
      %lt3A_267 = arith.cmpi slt, %scan3A_104, %lt3A_266 : i32
      %convert_element_type3A_268 = arith.extui %lt3A_267 : i1 to i32
      %cond3A_269 = arith.constant 0 : i32
      %cond3A_270 = arith.cmpi ne, %convert_element_type3A_268, %cond3A_269 : i32
      scf.if %cond3A_270 {
        %add3A_276 = arith.constant 8 : i32
        %add3A_277 = arith.addi %add3A_262, %add3A_276 : i32
        %add3A_278 = arith.addi %mul3A_6, %add3A_277 : i32
        %mul3A_279 = arith.constant 128 : i32
        %mul3A_280 = arith.muli %add3A_278, %mul3A_279 : i32
        %dma_start3A_281 = tpu.memref_slice %arg4[%mul3A_280] : memref<327680xi32, #tpu.memory_space<hbm>> -> memref<128xi32, #tpu.memory_space<hbm>>
        %dma_start3A_282 = tpu.memref_slice %arg4[%mul3A_280] : memref<327680xi32, #tpu.memory_space<hbm>> -> memref<128xi32, #tpu.memory_space<hbm>>
        tpu.enqueue_dma source(%dma_start3A_282 : memref<128xi32, #tpu.memory_space<hbm>>) target(%arg15 : memref<128xi32, #tpu.memory_space<vmem>>) target_semaphore(%arg34 : memref<!tpu.dma_semaphore, #tpu.memory_space<semaphore_mem>>)
        %dma_start3A_283 = tpu.memref_slice %arg5[%mul3A_280] : memref<327680xi32, #tpu.memory_space<hbm>> -> memref<128xi32, #tpu.memory_space<hbm>>
        %dma_start3A_284 = tpu.memref_slice %arg5[%mul3A_280] : memref<327680xi32, #tpu.memory_space<hbm>> -> memref<128xi32, #tpu.memory_space<hbm>>
        tpu.enqueue_dma source(%dma_start3A_284 : memref<128xi32, #tpu.memory_space<hbm>>) target(%arg23 : memref<128xi32, #tpu.memory_space<vmem>>) target_semaphore(%arg34 : memref<!tpu.dma_semaphore, #tpu.memory_space<semaphore_mem>>)
      } else {
      }
      %lt3A_271 = arith.constant 9 : i32
      %lt3A_272 = arith.cmpi slt, %scan3A_104, %lt3A_271 : i32
      %convert_element_type3A_273 = arith.extui %lt3A_272 : i1 to i32
      %cond3A_274 = arith.constant 0 : i32
      %cond3A_275 = arith.cmpi ne, %convert_element_type3A_273, %cond3A_274 : i32
      scf.if %cond3A_275 {
        %dma_wait3A_276 = arith.constant 0 : i32
        %dma_wait3A_277 = tpu.memref_slice %arg4[%dma_wait3A_276] : memref<327680xi32, #tpu.memory_space<hbm>> -> memref<128xi32, #tpu.memory_space<hbm>>
        %dma_wait3A_278 = arith.constant 0 : i32
        %dma_wait3A_279 = tpu.memref_slice %arg4[%dma_wait3A_278] : memref<327680xi32, #tpu.memory_space<hbm>> -> memref<128xi32, #tpu.memory_space<hbm>>
        tpu.wait_dma2 semaphore(%arg28 : memref<!tpu.dma_semaphore, #tpu.memory_space<semaphore_mem>>) src(%dma_wait3A_279 : memref<128xi32, #tpu.memory_space<hbm>>) dst(%arg9 : memref<128xi32, #tpu.memory_space<vmem>>)
        %dma_wait3A_280 = arith.constant 0 : i32
        %dma_wait3A_281 = tpu.memref_slice %arg5[%dma_wait3A_280] : memref<327680xi32, #tpu.memory_space<hbm>> -> memref<128xi32, #tpu.memory_space<hbm>>
        %dma_wait3A_282 = arith.constant 0 : i32
        %dma_wait3A_283 = tpu.memref_slice %arg5[%dma_wait3A_282] : memref<327680xi32, #tpu.memory_space<hbm>> -> memref<128xi32, #tpu.memory_space<hbm>>
        tpu.wait_dma2 semaphore(%arg28 : memref<!tpu.dma_semaphore, #tpu.memory_space<semaphore_mem>>) src(%dma_wait3A_283 : memref<128xi32, #tpu.memory_space<hbm>>) dst(%arg17 : memref<128xi32, #tpu.memory_space<vmem>>)
        %dma_start3A_284 = arith.constant 0 : i32
        %dma_start3A_285 = arith.constant 0 : i32
        %dma_start3A_286 = tpu.memref_slice %arg2[%dma_start3A_284, %dma_start3A_285] : memref<10240x128xf32, #tpu.memory_space<hbm>> -> memref<10240x128xf32, #tpu.memory_space<hbm>>
        tpu.enqueue_indirect_dma source(%dma_start3A_286 : memref<10240x128xf32, #tpu.memory_space<hbm>>) target(%arg25 : memref<128x128xf32, #tpu.memory_space<vmem>>) offsets(%arg9 : memref<128xi32, #tpu.memory_space<vmem>>) semaphore(%arg36 : memref<!tpu.dma_semaphore, #tpu.memory_space<semaphore_mem>>)
      } else {
      }
    }
    %scan3A_95 = arith.constant 10 : i32
    %barrier3A_96 = arith.constant 0 : index
    tpu.barrier barrier_id(%barrier3A_96)
    %eq3A = arith.constant 0 : i32
    %eq3A_97 = arith.cmpi eq, %arg0, %eq3A : i32
    %convert_element_type3A = arith.extui %eq3A_97 : i1 to i32
    %cond3A = arith.constant 0 : i32
    %cond3A_98 = arith.cmpi ne, %convert_element_type3A, %cond3A : i32
    scf.if %cond3A_98 {
      %mul3A_104 = arith.constant 640 : i32
      %mul3A_105 = arith.muli %arg1, %mul3A_104 : i32
      %mul3A_106 = arith.constant 640 : i32
      %mul3A_107 = arith.muli %arg1, %mul3A_106 : i32
      "tpu.region"() ({
        %run_scoped3A = tpu.sem_alloc : memref<!tpu.dma_semaphore, #tpu.memory_space<semaphore_mem>>
        %dma_start3A_108 = arith.constant 0 : i32
        %dma_start3A_109 = tpu.memref_slice %arg6[%mul3A_107, %dma_start3A_108] : memref<10240x128xf32, #tpu.memory_space<hbm>> -> memref<640x128xf32, #tpu.memory_space<hbm>>
        %dma_start3A_110 = arith.constant 0 : i32
        %dma_start3A_111 = tpu.memref_slice %arg26[%mul3A_105, %dma_start3A_110] : memref<10240x128xf32, #tpu.memory_space<vmem_shared>> -> memref<640x128xf32, #tpu.memory_space<vmem_shared>>
        tpu.enqueue_dma source(%dma_start3A_111 : memref<640x128xf32, #tpu.memory_space<vmem_shared>>) target(%dma_start3A_109 : memref<640x128xf32, #tpu.memory_space<hbm>>) target_semaphore(%run_scoped3A : memref<!tpu.dma_semaphore, #tpu.memory_space<semaphore_mem>>)
        %dma_wait3A_112 = arith.constant 0 : i32
        %dma_wait3A_113 = tpu.memref_slice %arg6[%mul3A_107, %dma_wait3A_112] : memref<10240x128xf32, #tpu.memory_space<hbm>> -> memref<640x128xf32, #tpu.memory_space<hbm>>
        %dma_wait3A_114 = arith.constant 0 : i32
        %dma_wait3A_115 = tpu.memref_slice %arg26[%mul3A_105, %dma_wait3A_114] : memref<10240x128xf32, #tpu.memory_space<vmem_shared>> -> memref<640x128xf32, #tpu.memory_space<vmem_shared>>
        tpu.wait_dma2 semaphore(%run_scoped3A : memref<!tpu.dma_semaphore, #tpu.memory_space<semaphore_mem>>) src(%dma_wait3A_115 : memref<640x128xf32, #tpu.memory_space<vmem_shared>>) dst(%dma_wait3A_113 : memref<640x128xf32, #tpu.memory_space<hbm>>)
        tpu.yield
      }) : () -> ()
    } else {
    }
    %eq3A_99 = arith.constant 1 : i32
    %eq3A_100 = arith.cmpi eq, %arg0, %eq3A_99 : i32
    %convert_element_type3A_101 = arith.extui %eq3A_100 : i1 to i32
    %cond3A_102 = arith.constant 0 : i32
    %cond3A_103 = arith.cmpi ne, %convert_element_type3A_101, %cond3A_102 : i32
    scf.if %cond3A_103 {
      %mul3A_104 = arith.constant 640 : i32
      %mul3A_105 = arith.muli %arg1, %mul3A_104 : i32
      %mul3A_106 = arith.constant 640 : i32
      %mul3A_107 = arith.muli %arg1, %mul3A_106 : i32
      "tpu.region"() ({
        %run_scoped3A = tpu.sem_alloc : memref<!tpu.dma_semaphore, #tpu.memory_space<semaphore_mem>>
        %dma_start3A_108 = arith.constant 0 : i32
        %dma_start3A_109 = tpu.memref_slice %arg7[%mul3A_107, %dma_start3A_108] : memref<10240x128xf32, #tpu.memory_space<hbm>> -> memref<640x128xf32, #tpu.memory_space<hbm>>
        %dma_start3A_110 = arith.constant 0 : i32
        %dma_start3A_111 = tpu.memref_slice %arg26[%mul3A_105, %dma_start3A_110] : memref<10240x128xf32, #tpu.memory_space<vmem_shared>> -> memref<640x128xf32, #tpu.memory_space<vmem_shared>>
        tpu.enqueue_dma source(%dma_start3A_111 : memref<640x128xf32, #tpu.memory_space<vmem_shared>>) target(%dma_start3A_109 : memref<640x128xf32, #tpu.memory_space<hbm>>) target_semaphore(%run_scoped3A : memref<!tpu.dma_semaphore, #tpu.memory_space<semaphore_mem>>)
        %dma_wait3A_112 = arith.constant 0 : i32
        %dma_wait3A_113 = tpu.memref_slice %arg7[%mul3A_107, %dma_wait3A_112] : memref<10240x128xf32, #tpu.memory_space<hbm>> -> memref<640x128xf32, #tpu.memory_space<hbm>>
        %dma_wait3A_114 = arith.constant 0 : i32
        %dma_wait3A_115 = tpu.memref_slice %arg26[%mul3A_105, %dma_wait3A_114] : memref<10240x128xf32, #tpu.memory_space<vmem_shared>> -> memref<640x128xf32, #tpu.memory_space<vmem_shared>>
        tpu.wait_dma2 semaphore(%run_scoped3A : memref<!tpu.dma_semaphore, #tpu.memory_space<semaphore_mem>>) src(%dma_wait3A_115 : memref<640x128xf32, #tpu.memory_space<vmem_shared>>) dst(%dma_wait3A_113 : memref<640x128xf32, #tpu.memory_space<hbm>>)
        tpu.yield
      }) : () -> ()
    } else {
    }
    return
  }
}

module attributes {stable_mosaic.version = 14 : i64} {
  func.func @_tc_scale_in_body(%arg0: i32, %arg1: memref<2048x1xf32, #tpu.memory_space<vmem>>, %arg2: memref<2048x1xf32, #tpu.memory_space<vmem>>, %arg3: memref<2048x128xf32, #tpu.memory_space<vmem>>, %arg4: memref<2048x128xf32, #tpu.memory_space<vmem>>) attributes {dimension_semantics = [#tpu.dimension_semantics<arbitrary>], iteration_bounds = array<i64: 5>, scalar_prefetch = 0 : i64, scratch_operands = 0 : i64, tpu.core_type = #tpu.core_type<tc>, window_params = [{transform_indices = @transform_0, window_bounds = array<i64: 2048, 1>}, {transform_indices = @transform_1, window_bounds = array<i64: 2048, 1>}, {transform_indices = @transform_2, window_bounds = array<i64: 2048, 128>}, {transform_indices = @transform_3, window_bounds = array<i64: 2048, 128>}]} {
    %get3A = arith.constant 0 : index
    %get3A_0 = arith.constant 0 : index
    %get3A_1 = vector.load %arg1[%get3A, %get3A_0] : memref<2048x1xf32, #tpu.memory_space<vmem>>, vector<2048x1xf32>
    %get3A_2 = arith.constant 0 : index
    %get3A_3 = arith.constant 0 : index
    %get3A_4 = vector.load %arg2[%get3A_2, %get3A_3] : memref<2048x1xf32, #tpu.memory_space<vmem>>, vector<2048x1xf32>
    %add3A = arith.addf %get3A_1, %get3A_4 : vector<2048x1xf32>
    %add3A_5 = arith.constant 1.000000e+00 : f32
    %add3A_6 = vector.broadcast %add3A_5 : f32 to vector<2048x1xf32>
    %add3A_7 = arith.addf %add3A, %add3A_6 : vector<2048x1xf32>
    %get3A_8 = arith.constant 0 : index
    %get3A_9 = arith.constant 0 : index
    %get3A_10 = vector.load %arg3[%get3A_8, %get3A_9] : memref<2048x128xf32, #tpu.memory_space<vmem>>, vector<2048x128xf32>
    %rsqrt3A = math.rsqrt %add3A_7 : vector<2048x1xf32>
    %mul3A = vector.broadcast %rsqrt3A : vector<2048x1xf32> to vector<2048x128xf32>
    %mul3A_11 = arith.mulf %get3A_10, %mul3A : vector<2048x128xf32>
    %swap3A = arith.constant 0 : index
    %swap3A_12 = arith.constant 0 : index
    %swap3A_13 = vector.load %arg4[%swap3A, %swap3A_12] : memref<2048x128xf32, #tpu.memory_space<vmem>>, vector<2048x128xf32>
    tpu.vector_store %arg4[%swap3A, %swap3A_12], %mul3A_11 {strides = array<i32>} : memref<2048x128xf32, #tpu.memory_space<vmem>>, vector<2048x128xf32>,
    return
  }
  func.func @transform_0(%arg0: i32) -> (i32, i32) {
    %c0_i32 = arith.constant 0 : i32
    %c0_i32_0 = arith.constant 0 : i32
    return %arg0, %c0_i32 : i32, i32
  }
  func.func @transform_1(%arg0: i32) -> (i32, i32) {
    %c0_i32 = arith.constant 0 : i32
    %c0_i32_0 = arith.constant 0 : i32
    return %arg0, %c0_i32 : i32, i32
  }
  func.func @transform_2(%arg0: i32) -> (i32, i32) {
    %c0_i32 = arith.constant 0 : i32
    %c0_i32_0 = arith.constant 0 : i32
    return %arg0, %c0_i32 : i32, i32
  }
  func.func @transform_3(%arg0: i32) -> (i32, i32) {
    %c0_i32 = arith.constant 0 : i32
    %c0_i32_0 = arith.constant 0 : i32
    return %arg0, %c0_i32 : i32, i32
  }
}

module attributes {stable_mosaic.version = 14 : i64} {
  func.func @_tc_mid_body(%arg0: i32, %arg1: memref<2048x1xf32, #tpu.memory_space<vmem>>, %arg2: memref<2048x1xf32, #tpu.memory_space<vmem>>, %arg3: memref<2048x128xf32, #tpu.memory_space<vmem>>, %arg4: memref<2048x128xf32, #tpu.memory_space<vmem>>, %arg5: memref<2048x128xf32, #tpu.memory_space<vmem>>, %arg6: memref<2048x128xf32, #tpu.memory_space<vmem>>) attributes {dimension_semantics = [#tpu.dimension_semantics<arbitrary>], iteration_bounds = array<i64: 5>, scalar_prefetch = 0 : i64, scratch_operands = 0 : i64, tpu.core_type = #tpu.core_type<tc>, window_params = [{transform_indices = @transform_0, window_bounds = array<i64: 2048, 1>}, {transform_indices = @transform_1, window_bounds = array<i64: 2048, 1>}, {transform_indices = @transform_2, window_bounds = array<i64: 2048, 128>}, {transform_indices = @transform_3, window_bounds = array<i64: 2048, 128>}, {transform_indices = @transform_4, window_bounds = array<i64: 2048, 128>}, {transform_indices = @transform_5, window_bounds = array<i64: 2048, 128>}]} {
    %get3A = arith.constant 0 : index
    %get3A_0 = arith.constant 0 : index
    %get3A_1 = vector.load %arg1[%get3A, %get3A_0] : memref<2048x1xf32, #tpu.memory_space<vmem>>, vector<2048x1xf32>
    %get3A_2 = arith.constant 0 : index
    %get3A_3 = arith.constant 0 : index
    %get3A_4 = vector.load %arg2[%get3A_2, %get3A_3] : memref<2048x1xf32, #tpu.memory_space<vmem>>, vector<2048x1xf32>
    %add3A = arith.addf %get3A_1, %get3A_4 : vector<2048x1xf32>
    %add3A_5 = arith.constant 1.000000e+00 : f32
    %add3A_6 = vector.broadcast %add3A_5 : f32 to vector<2048x1xf32>
    %add3A_7 = arith.addf %add3A, %add3A_6 : vector<2048x1xf32>
    %get3A_8 = arith.constant 0 : index
    %get3A_9 = arith.constant 0 : index
    %get3A_10 = vector.load %arg3[%get3A_8, %get3A_9] : memref<2048x128xf32, #tpu.memory_space<vmem>>, vector<2048x128xf32>
    %get3A_11 = arith.constant 0 : index
    %get3A_12 = arith.constant 0 : index
    %get3A_13 = vector.load %arg4[%get3A_11, %get3A_12] : memref<2048x128xf32, #tpu.memory_space<vmem>>, vector<2048x128xf32>
    %add3A_14 = arith.addf %get3A_10, %get3A_13 : vector<2048x128xf32>
    %get3A_15 = arith.constant 0 : index
    %get3A_16 = arith.constant 0 : index
    %get3A_17 = vector.load %arg5[%get3A_15, %get3A_16] : memref<2048x128xf32, #tpu.memory_space<vmem>>, vector<2048x128xf32>
    %add3A_18 = arith.addf %add3A_14, %get3A_17 : vector<2048x128xf32>
    %div3A = vector.broadcast %add3A_7 : vector<2048x1xf32> to vector<2048x128xf32>
    %div3A_19 = arith.divf %add3A_18, %div3A : vector<2048x128xf32>
    %swap3A = arith.constant 0 : index
    %swap3A_20 = arith.constant 0 : index
    %swap3A_21 = vector.load %arg6[%swap3A, %swap3A_20] : memref<2048x128xf32, #tpu.memory_space<vmem>>, vector<2048x128xf32>
    tpu.vector_store %arg6[%swap3A, %swap3A_20], %div3A_19 {strides = array<i32>} : memref<2048x128xf32, #tpu.memory_space<vmem>>, vector<2048x128xf32>,
    return
  }
  func.func @transform_0(%arg0: i32) -> (i32, i32) {
    %c0_i32 = arith.constant 0 : i32
    %c0_i32_0 = arith.constant 0 : i32
    return %arg0, %c0_i32 : i32, i32
  }
  func.func @transform_1(%arg0: i32) -> (i32, i32) {
    %c0_i32 = arith.constant 0 : i32
    %c0_i32_0 = arith.constant 0 : i32
    return %arg0, %c0_i32 : i32, i32
  }
  func.func @transform_2(%arg0: i32) -> (i32, i32) {
    %c0_i32 = arith.constant 0 : i32
    %c0_i32_0 = arith.constant 0 : i32
    return %arg0, %c0_i32 : i32, i32
  }
  func.func @transform_3(%arg0: i32) -> (i32, i32) {
    %c0_i32 = arith.constant 0 : i32
    %c0_i32_0 = arith.constant 0 : i32
    return %arg0, %c0_i32 : i32, i32
  }
  func.func @transform_4(%arg0: i32) -> (i32, i32) {
    %c0_i32 = arith.constant 0 : i32
    %c0_i32_0 = arith.constant 0 : i32
    return %arg0, %c0_i32 : i32, i32
  }
  func.func @transform_5(%arg0: i32) -> (i32, i32) {
    %c0_i32 = arith.constant 0 : i32
    %c0_i32_0 = arith.constant 0 : i32
    return %arg0, %c0_i32 : i32, i32
  }
}

module attributes {stable_mosaic.version = 14 : i64} {
  func.func @_tc_final_body(%arg0: i32, %arg1: memref<2000x1xf32, #tpu.memory_space<vmem>>, %arg2: memref<2000x1xf32, #tpu.memory_space<vmem>>, %arg3: memref<2000x128xf32, #tpu.memory_space<vmem>>, %arg4: memref<2000x128xf32, #tpu.memory_space<vmem>>, %arg5: memref<2000x128xf32, #tpu.memory_space<vmem>>, %arg6: memref<128x128xf32, #tpu.memory_space<vmem>>, %arg7: memref<1x128xf32, #tpu.memory_space<vmem>>, %arg8: memref<2000x128xf32, #tpu.memory_space<vmem>>) attributes {dimension_semantics = [#tpu.dimension_semantics<arbitrary>], iteration_bounds = array<i64: 5>, scalar_prefetch = 0 : i64, scratch_operands = 0 : i64, tpu.core_type = #tpu.core_type<tc>, window_params = [{transform_indices = @transform_0, window_bounds = array<i64: 2000, 1>}, {transform_indices = @transform_1, window_bounds = array<i64: 2000, 1>}, {transform_indices = @transform_2, window_bounds = array<i64: 2000, 128>}, {transform_indices = @transform_3, window_bounds = array<i64: 2000, 128>}, {transform_indices = @transform_4, window_bounds = array<i64: 2000, 128>}, {pipeline_mode = #tpu.pipeline_mode<synchronous>, transform_indices = @transform_5, window_bounds = array<i64: 128, 128>}, {pipeline_mode = #tpu.pipeline_mode<synchronous>, transform_indices = @transform_6, window_bounds = array<i64: 1, 128>}, {transform_indices = @transform_7, window_bounds = array<i64: 2000, 128>}]} {
    %get3A = arith.constant 0 : index
    %get3A_0 = arith.constant 0 : index
    %get3A_1 = vector.load %arg1[%get3A, %get3A_0] : memref<2000x1xf32, #tpu.memory_space<vmem>>, vector<2000x1xf32>
    %get3A_2 = arith.constant 0 : index
    %get3A_3 = arith.constant 0 : index
    %get3A_4 = vector.load %arg2[%get3A_2, %get3A_3] : memref<2000x1xf32, #tpu.memory_space<vmem>>, vector<2000x1xf32>
    %add3A = arith.addf %get3A_1, %get3A_4 : vector<2000x1xf32>
    %add3A_5 = arith.constant 1.000000e+00 : f32
    %add3A_6 = vector.broadcast %add3A_5 : f32 to vector<2000x1xf32>
    %add3A_7 = arith.addf %add3A, %add3A_6 : vector<2000x1xf32>
    %get3A_8 = arith.constant 0 : index
    %get3A_9 = arith.constant 0 : index
    %get3A_10 = vector.load %arg3[%get3A_8, %get3A_9] : memref<2000x128xf32, #tpu.memory_space<vmem>>, vector<2000x128xf32>
    %get3A_11 = arith.constant 0 : index
    %get3A_12 = arith.constant 0 : index
    %get3A_13 = vector.load %arg4[%get3A_11, %get3A_12] : memref<2000x128xf32, #tpu.memory_space<vmem>>, vector<2000x128xf32>
    %add3A_14 = arith.addf %get3A_10, %get3A_13 : vector<2000x128xf32>
    %get3A_15 = arith.constant 0 : index
    %get3A_16 = arith.constant 0 : index
    %get3A_17 = vector.load %arg5[%get3A_15, %get3A_16] : memref<2000x128xf32, #tpu.memory_space<vmem>>, vector<2000x128xf32>
    %add3A_18 = arith.addf %add3A_14, %get3A_17 : vector<2000x128xf32>
    %rsqrt3A = math.rsqrt %add3A_7 : vector<2000x1xf32>
    %mul3A = vector.broadcast %rsqrt3A : vector<2000x1xf32> to vector<2000x128xf32>
    %mul3A_19 = arith.mulf %add3A_18, %mul3A : vector<2000x128xf32>
    %get3A_20 = arith.constant 0 : index
    %get3A_21 = arith.constant 0 : index
    %get3A_22 = vector.load %arg6[%get3A_20, %get3A_21] : memref<128x128xf32, #tpu.memory_space<vmem>>, vector<128x128xf32>
    %dot_general3A = arith.constant dense<0.000000e+00> : vector<2000x128xf32>
    %dot_general3A_23 = tpu.matmul %mul3A_19, %get3A_22, %dot_general3A {dimension_numbers = #tpu.dot_dimension_numbers<[1], [0], [0], [1], [0, 0, 1, 1], [], []>, transpose_lhs_hint = false} : vector<2000x128xf32>, vector<128x128xf32>, vector<2000x128xf32> -> vector<2000x128xf32>
    %get3A_24 = arith.constant 0 : index
    %get3A_25 = arith.constant 0 : index
    %get3A_26 = vector.load %arg7[%get3A_24, %get3A_25] : memref<1x128xf32, #tpu.memory_space<vmem>>, vector<1x128xf32>
    %add3A_27 = vector.broadcast %get3A_26 : vector<1x128xf32> to vector<2000x128xf32>
    %add3A_28 = arith.addf %dot_general3A_23, %add3A_27 : vector<2000x128xf32>
    %reduce_max3A = arith.constant dense<0xFF800000> : vector<2000xf32>
    %reduce_max3A_29 = vector.multi_reduction <maximumf>, %add3A_28, %reduce_max3A [1] : vector<2000x128xf32> to vector<2000xf32>
    %broadcast_in_dim3A = vector.shape_cast %reduce_max3A_29 : vector<2000xf32> to vector<2000x1xf32>
    %sub3A = vector.broadcast %broadcast_in_dim3A : vector<2000x1xf32> to vector<2000x128xf32>
    %sub3A_30 = arith.subf %add3A_28, %sub3A : vector<2000x128xf32>
    %exp3A = math.exp %sub3A_30 : vector<2000x128xf32>
    %reduce_sum3A = arith.constant dense<0.000000e+00> : vector<2000xf32>
    %reduce_sum3A_31 = vector.multi_reduction <add>, %exp3A, %reduce_sum3A [1] : vector<2000x128xf32> to vector<2000xf32>
    %broadcast_in_dim3A_32 = vector.shape_cast %reduce_sum3A_31 : vector<2000xf32> to vector<2000x1xf32>
    %log3A = math.log %broadcast_in_dim3A_32 : vector<2000x1xf32>
    %sub3A_33 = vector.broadcast %log3A : vector<2000x1xf32> to vector<2000x128xf32>
    %sub3A_34 = arith.subf %sub3A_30, %sub3A_33 : vector<2000x128xf32>
    %swap3A = arith.constant 0 : index
    %swap3A_35 = arith.constant 0 : index
    %swap3A_36 = vector.load %arg8[%swap3A, %swap3A_35] : memref<2000x128xf32, #tpu.memory_space<vmem>>, vector<2000x128xf32>
    tpu.vector_store %arg8[%swap3A, %swap3A_35], %sub3A_34 {strides = array<i32>} : memref<2000x128xf32, #tpu.memory_space<vmem>>, vector<2000x128xf32>,
    return
  }
  func.func @transform_0(%arg0: i32) -> (i32, i32) {
    %c0_i32 = arith.constant 0 : i32
    %c0_i32_0 = arith.constant 0 : i32
    return %arg0, %c0_i32 : i32, i32
  }
  func.func @transform_1(%arg0: i32) -> (i32, i32) {
    %c0_i32 = arith.constant 0 : i32
    %c0_i32_0 = arith.constant 0 : i32
    return %arg0, %c0_i32 : i32, i32
  }
  func.func @transform_2(%arg0: i32) -> (i32, i32) {
    %c0_i32 = arith.constant 0 : i32
    %c0_i32_0 = arith.constant 0 : i32
    return %arg0, %c0_i32 : i32, i32
  }
  func.func @transform_3(%arg0: i32) -> (i32, i32) {
    %c0_i32 = arith.constant 0 : i32
    %c0_i32_0 = arith.constant 0 : i32
    return %arg0, %c0_i32 : i32, i32
  }
  func.func @transform_4(%arg0: i32) -> (i32, i32) {
    %c0_i32 = arith.constant 0 : i32
    %c0_i32_0 = arith.constant 0 : i32
    return %arg0, %c0_i32 : i32, i32
  }
  func.func @transform_5(%arg0: i32) -> (i32, i32) {
    %c0_i32 = arith.constant 0 : i32
    %c0_i32_0 = arith.constant 0 : i32
    %c0_i32_1 = arith.constant 0 : i32
    return %c0_i32, %c0_i32_0 : i32, i32
  }
  func.func @transform_6(%arg0: i32) -> (i32, i32) {
    %c0_i32 = arith.constant 0 : i32
    %c0_i32_0 = arith.constant 0 : i32
    %c0_i32_1 = arith.constant 0 : i32
    return %c0_i32, %c0_i32_0 : i32, i32
  }
  func.func @transform_7(%arg0: i32) -> (i32, i32) {
    %c0_i32 = arith.constant 0 : i32
    %c0_i32_0 = arith.constant 0 : i32
    return %arg0, %c0_i32 : i32, i32
  }
}

</mosaic_0001>

<sc_bundles>
// kernel: kernel.11.cloned.1.call-start
scs
__scs_entry_jumppad:
0x0: {  	(pc) =	sbr.rel $0x88, $3  }
0x1: {  	(tag) =	ssettag $0x0;
	lr =	simm.s32 $0x1  }
0x2: {  	[smem:$0x3F9D] =	sst lr;
	_ =	strace $0xD0000000  }
0x3: {  	_ = 	snop  }
0x4: {  	_ = 	snop  }
0x5: {  	_ = 	snop  }
0x6: {  	_ = 	snop  }
0x7: {  	_ = 	snop  }
__scs_overlays_trampoline_lowered:
0x8: {  	[smem:$0x3FAC] =	sst s0  }
0x9: {  	[smem:$0x3FAD] =	sst s1  }
0xa: {  	[smem:$0x3FAE] =	sst s2  }
0xb: {  	[smem:$0x3FAF] =	sst s3  }
0xc: {  	[smem:$0x3FB0] =	sst s4  }
0xd: {  	[smem:$0x3FB1] =	sst s5  }
0xe: {  	[smem:$0x3FB2] =	sst s6  }
0xf: {  	[smem:$0x3FB3] =	sst s7  }
0x10: {  	[smem:$0x3FB4] =	sst s8  }
0x11: {  	[smem:$0x3FB5] =	sst s9;
	s0 =	simm.s32 @!p0 $0x0  }
0x12: {  	s1 =	sld [smem:$0x3F9B];
	s0 =	simm.s32 @p0 $0x1  }
0x13: {  	[smem:$0x3FB6] =	sst s0;
	s0 =	simm.s32 @!p1 $0x0  }
0x14: {  	s2 =	sld [smem:$0x3F9A];
	s0 =	simm.s32 @p1 $0x1  }
0x15: {  	[smem:$0x3FB7] =	sst s0;
	s0 =	simm.s32 @!p2 $0x0  }
0x16: {  	s3 =	sld [smem:$0x3FDB];
	s0 =	simm.s32 @p2 $0x1  }
0x17: {  	s4 =	simm.s32 $0x1BF5;
	[smem:$0x3FB9] =	sst s0  }
0x18: {  	s0 =	sld [smem:$0x3F9C];
	_ =	swait.ge [sflag:s4], $0x0  }
0x19: {  	s7 =	sld [smem:$0x3F9D]  }
0x1a: {  	s8 =	sadd.s32 $0xFFFFE003, lr  }
0x1b: {  	s9 =	sadd.s32 $0xFFFFFEF7, lr;
	s5 =	simm.s32 $0xFFFFFFFF;
	p2 =	slt.u32 s8, $0xFFFFF086  }
0x1c: {  	p1 =	slt.u32 s9, $0xF7A;
	s5 =	simm.s32 @!p2 $0x0  }
0x1d: {  	s5 =	simm.s32 @p1 $0x1;
	p0 =	seq.s32 s7, s2  }
0x1e: {  	s7 =	smul.u32 @!p0 $0xF7A, s2;
	p2 =	seq.s32 @!p0 s5, $0x0  }
0x1f: {  	s9 =	smul.u32 $0xF7A, s1;
	s8 =	simm.s32 @!p0 $0x1BF5;
	p2 =	por !p2, p0  }
0x20: {  	[sflag:s8] =	ssyncset.s32 @!p0 $0xFFFFF086;
	s6 =	sadd.s32 @!p0 s3, s7;
	s7 =	simm.s32 @!p0 $0x108  }
0x21: {  	s3 =	sadd.s32 s3, s9;
	s6 =	sadd.s32 @!p0 $0x88, s6;
	s7 =	simm.s32 @p2 $0x1082  }
0x22: {  	[simem:s7], [sflag:s8] =	dma.local @!p0 [hbm:s6], $0xF7A  }
0x23: {  	s9 =	sor.u32 $0xD0000000, s2;
	s6 =	simm.s32 $0x108;
	_ =	swait.ge @!p0 [sflag:s8], $0x0  }
0x24: {  	s3 =	sadd.s32 $0x88, s3;
	s6 =	simm.s32 @!p1 $0x1082;
	[sflag:s4] =	ssyncset.s32 $0xFFFFF086  }
0x25: {  	[simem:s6], [sflag:s4] =	dma.local [hbm:s3], $0xF7A  }
0x26: {  	[smem:$0x3F9D] =	sst s1;
	(tag) =	ssettag s2;
	_ =	strace s9  }
0x27: {  	s1 =	sld [smem:$0x3FAD]  }
0x28: {  	s2 =	sld [smem:$0x3FAE]  }
0x29: {  	s4 =	sld [smem:$0x3FB0]  }
0x2a: {  	p0 =	seq.s32 s5, $0x0;
	s5 =	sld [smem:$0x3FB1]  }
0x2b: {  	s6 =	sld [smem:$0x3FB2]  }
0x2c: {  	s7 =	sld [smem:$0x3FB3]  }
0x2d: {  	s3 =	simm.s32 $0x108;
	s8 =	sld [smem:$0x3FB4]  }
0x2e: {  	s3 =	simm.s32 @!p0 $0x1082;
	s9 =	sld [smem:$0x3FB5]  }
0x2f: {  	lr =	sadd.s32 s0, s3;
	s0 =	sld [smem:$0x3FAC]  }
0x30: {  	s3 =	sld [smem:$0x3FAF]  }
0x31: {  	[smem:$0x3FB8] =	sst s10  }
0x32: {  	s10 =	sld [smem:$0x3FB6];
	_ =	sdelay $0x3  }
0x33: {  	p0 =	seq.s32 s10, $0x1;
	s10 =	sld [smem:$0x3FB8];
	_ =	sdelay $0x3  }
0x34: {  	[smem:$0x3FB8] =	sst s10  }
0x35: {  	s10 =	sld [smem:$0x3FB7];
	_ =	sdelay $0x3  }
0x36: {  	p1 =	seq.s32 s10, $0x1;
	s10 =	sld [smem:$0x3FB8];
	_ =	sdelay $0x3  }
0x37: {  	[smem:$0x3FB8] =	sst s10  }
0x38: {  	s10 =	sld [smem:$0x3FB9]  }
0x39: {  	_ = 	snop;
	(pc) =	sbr.ind lr, $3  }
0x3a: {  	_ = 	snop  }
0x3b: {  	_ = 	snop  }
0x3c: {  	p2 =	seq.s32 s10, $0x1;
	s10 =	sld [smem:$0x3FB8]  }
0x3d: {  	_ =	shalt  }
0x3e: {  	_ =	shalt  }
0x3f: {  	_ =	shalt  }
0x40: {  	_ =	shalt  }
0x41: {  	_ =	shalt  }
0x42: {  	_ =	shalt  }
0x43: {  	_ =	shalt  }
0x44: {  	_ =	shalt  }
0x45: {  	_ =	shalt  }
0x46: {  	_ =	shalt  }
0x47: {  	_ =	shalt  }
0x48: {  	_ =	shalt  }
0x49: {  	_ =	shalt  }
0x4a: {  	_ =	shalt  }
0x4b: {  	_ =	shalt  }
0x4c: {  	_ =	shalt  }
0x4d: {  	_ =	shalt  }
0x4e: {  	_ =	shalt  }
0x4f: {  	_ =	shalt  }
0x50: {  	_ =	shalt  }
0x51: {  	_ =	shalt  }
0x52: {  	_ =	shalt  }
0x53: {  	_ =	shalt  }
0x54: {  	_ =	shalt  }
0x55: {  	_ =	shalt  }
0x56: {  	_ =	shalt  }
0x57: {  	_ =	shalt  }
0x58: {  	_ =	shalt  }
0x59: {  	_ =	shalt  }
0x5a: {  	_ =	shalt  }
0x5b: {  	_ =	shalt  }
0x5c: {  	_ =	shalt  }
0x5d: {  	_ =	shalt  }
0x5e: {  	_ =	shalt  }
0x5f: {  	_ =	shalt  }
0x60: {  	_ =	shalt  }
0x61: {  	_ =	shalt  }
0x62: {  	_ =	shalt  }
0x63: {  	_ =	shalt  }
0x64: {  	_ =	shalt  }
0x65: {  	_ =	shalt  }
0x66: {  	_ =	shalt  }
0x67: {  	_ =	shalt  }
0x68: {  	_ =	shalt  }
0x69: {  	_ =	shalt  }
0x6a: {  	_ =	shalt  }
0x6b: {  	_ =	shalt  }
0x6c: {  	_ =	shalt  }
0x6d: {  	_ =	shalt  }
0x6e: {  	_ =	shalt  }
0x6f: {  	_ =	shalt  }
0x70: {  	_ =	shalt  }
0x71: {  	_ =	shalt  }
0x72: {  	_ =	shalt  }
0x73: {  	_ =	shalt  }
0x74: {  	_ =	shalt  }
0x75: {  	_ =	shalt  }
0x76: {  	_ =	shalt  }
0x77: {  	_ =	shalt  }
0x78: {  	_ =	shalt  }
0x79: {  	_ =	shalt  }
0x7a: {  	_ =	shalt  }
0x7b: {  	_ =	shalt  }
0x7c: {  	_ =	shalt  }
0x7d: {  	_ =	shalt  }
0x7e: {  	_ =	shalt  }
0x7f: {  	_ =	shalt  }
0x80: {  	_ =	shalt  }
0x81: {  	_ =	shalt  }
0x82: {  	_ =	shalt  }
0x83: {  	_ =	shalt  }
0x84: {  	_ =	shalt  }
0x85: {  	_ =	shalt  }
0x86: {  	_ =	shalt  }
0x87: {  	_ =	shalt  }
.Lfunc_end0:
.L_simem_size_0:
called_computation.1_lowered:
.L_overlay_start_0:
0x88: {  	s2 =	sld [smem:$0x3FD9]  }
0x89: {  	s3 =	sld [smem:$0x3FFE];
	_ =	sdelay $0x1  }
0x8a: {  	s1 =	srdreg.scid  }
0x8b: {  	s0 =	sand.u32 $0x1, s1  }
0x8c: {  	s17 =	sshll.u32 s0, $0xA;
	s2 =	sadd.s32 s3, s2  }
0x8d: {  	s2 =	sadd.s32 s2, s17  }
0x8e: {  	[smem:$0x3FC4] =	sst s2  }
0x8f: {  	_ = 	snop  }
0x90: {  	s2 =	sld [smem:$0x3FD0];
	(tm) =	ssettm $0x1  }
0x91: {  	s18 =	sld [smem:$0x3FFB];
	_ =	sdelay $0x3  }
0x92: {  	_ =	strace s18  }
0x93: {  	s3 =	sld [smem:$0x3FFC];
	_ =	sdelay $0x3  }
0x94: {  	_ =	strace s3  }
0x95: {  	s3 =	sld [smem:$0x3FFD];
	_ =	sdelay $0x3  }
0x96: {  	_ =	strace s3  }
0x97: {  	_ =	strace $0x8FFFFFFF  }
0x98: {  	s19 =	sld [smem:$0x3FDB];
	_ =	sdelay $0x1  }
0x99: {  	s4 =	simm.s32 $_scs_section_size  }
0x9a: {  	s5 =	simm.s32 $_size__tile_overlayer_lowered;
	s6 =	simm.s32 $_tile_overlayer_lowered  }
0x9b: {  	s22 =	simm.s32 $0x1BFF;
	s21 =	sshll.u32 s6, $0x1;
	s3 =	sadd.s32 s4, s19  }
0x9c: {  	s7 =	simm.s32 $0x0;
	s20 =	sshll.u32 s5, $0x1;
	s5 =	sadd.s32 s21, s3  }
0x9d: {  	[timem:s7], [sflag:s22] =	dma.local [hbm:s5], s20  }
0x9e: {  	_ =	swait.ge [sflag:s22], s20  }
0x9f: {  	s4 =	ssub.s32 $0x0, s20;
	[sflag:s22] =	ssyncset.done $0x0  }
0xa0: {  	[sflag:s22] =	ssyncadd.s32 s4;
	_ =	sdelay $0x1  }
0xa1: {  	s23 =	simm.s32 $0x1B8B  }
0xa2: {  	_ =	swait.ge [sflag:s23], $0x1  }
0xa3: {  	[sflag:s23] =	ssyncset.done $0x0  }
0xa4: {  	s25 =	simm.s32 $0x1B8E;
	s24 =	sld [smem:$0x3FFE];
	[sflag:s23] =	ssyncadd.s32 $0xFFFFFFFF  }
0xa5: {  	s26 =	simm.s32 $execute0_lowered;
	[smem:$0x3FD2] =	sst s25  }
0xa6: {  	s5 =	sshll.u32 s26, $0x1;
	_ =	strace $0x80000049;
	[dreg:$0x1] =	wrdreg $0xFFFFFFFF  }
0xa7: {  	s28 =	simm.s32 $_size_execute0_lowered;
	s3 =	sadd.s32 s3, s5;
	[dreg:$0x0] =	wrdreg $0x0  }
0xa8: {  	s5 =	sshll.u32 s28, $0x1;
	[dreg:$0x2] =	wrdreg s3  }
0xa9: {  	[dreg:$0x3] =	wrdreg s5  }
0xaa: {  	[dreg:$0x4] =	wrdreg $0xC0  }
0xab: {  	_ =	task [dreg:s7], $0x5FFFF  }
0xac: {  	[dreg:$0x1] =	wrdreg $0xFFFFFFFF  }
0xad: {  	[dreg:$0x0] =	wrdreg $0x60  }
0xae: {  	[dreg:$0x2] =	wrdreg s24  }
0xaf: {  	[dreg:$0x3] =	wrdreg s2  }
0xb0: {  	[dreg:$0x4] =	wrdreg $0x88000  }
0xb1: {  	[dreg:$0x5] =	wrdreg $0x9  }
0xb2: {  	_ =	task.clear_ibuf [dreg:s7], $0x6FFFF;
	_ =	strace $0x90000049  }
0xb3: {  	s29 =	simm.s32 $0x9;
	_ =	strace $0x8000004B  }
0xb4: {  	_ =	swait.ge [sflag:s29], $0x1  }
0xb5: {  	[sflag:s29] =	ssyncadd.s32 $0xFFFFFFFF  }
0xb6: {  	_ =	strace $0x9000004B  }
0xb7: {  	_ =	sfence  }
0xb8: {  	s30 =	sld [smem:$0x0];
	_ =	sdelay $0x2  }
0xb9: {  	s31 =	sshll.u32 s1, $0xD;
	s1 =	sshrl.u32 s1, $0x2  }
0xba: {  	s3 =	sand.u32 $0x4000, s31;
	s1 =	sadd.s32 s1, s30  }
0xbb: {  	s0 =	sor.u32 s3, s0;
	s1 =	sshll.u32 s1, $0x11  }
0xbc: {  	s0 =	sor.u32 s1, s0  }
0xbd: {  	s0 =	sadd.s32 $0x8F2B, s0  }
0xbe: {  	[sflag:s0] =	ssyncadd.remote.s32 $0x1  }
0xbf: {  	_ =	sfence.sel $0xFFFF  }
0xc0: {  	[dreg:$0x0] =	wrdreg $0xFFFFFFFF;
	(pc) =	sbr.abs _section_cstart, $3  }
0xc1: {  	[dreg:$0x1] =	wrdreg $0xFFFFFFFF  }
0xc2: {  	_ =	task.clear_ibuf [dreg:s7], $0x2FFFF;
	_ =	strace $0x9FFFFFFF  }
0xc3: {  	(tm) =	ssettm $0x7FFFFFFF  }
tec
execute0_lowered:
.L_overlay_start_1:
0x0: {  	(tag) =	ssettag $0x1  }
0x1: {  	s0 =	srdreg.scid  }
0x2: {  	s0 =	sand.u32 $0x1, s0  }
0x3: {  	s2 =	rddreg [dreg:$0x0];
	s11 =	stileid.u32;
	s1 =	sshll.u32 s0, $0x4  }
0x4: {  	s3 =	rddreg [dreg:$0x1];
	s5 =	sor.u32 s11, s1  }
0x5: {  	s28 =	rddreg [dreg:$0x2];
	s7 =	sadd.s32 $0x2C00, s2;
	s5 =	smul.u32 $0x500, s5  }
0x6: {  	s10 =	smul.u32 $0x50, s11;
	s4 =	ssub.s32 $0x2, s0;
	s1 =	simm.s32 $0x0  }
0x7: {  	s6 =	sshrl.u32 s4, $0x1;
	[smem:$0x7FF] =	sst s1;
	s13 =	sadd.s32 s3, s5  }
0x8: {  	s14 =	sadd.s32 s7, s5;
	s15 =	sor.u32 $0x10, s5;
	[dreg:$0x4] =	wrdreg s13  }
0x9: {  	s4 =	ssub.s32 s4, s6;
	[dreg:$0x5] =	wrdreg s14;
	s8 =	sadd.s32 s3, s15  }
0xa: {  	s16 =	sor.u32 $0x20, s5;
	s6 =	sadd.s32 s7, s15;
	[dreg:$0x6] =	wrdreg s8  }
0xb: {  	s18 =	sor.u32 $0x30, s5;
	s17 =	sadd.s32 s3, s16;
	[dreg:$0x7] =	wrdreg s6  }
0xc: {  	s21 =	sor.u32 $0x40, s5;
	s19 =	sadd.s32 s3, s18;
	[dreg:$0x8] =	wrdreg s17  }
0xd: {  	s9 =	sor.u32 $0x50, s5;
	s12 =	sadd.s32 s3, s21;
	[dreg:$0xa] =	wrdreg s19  }
0xe: {  	s31 =	sadd.s32 $0xCC00, s2;
	s22 =	sadd.s32 s3, s9;
	[dreg:$0xc] =	wrdreg s12  }
0xf: {  	s24 =	sor.u32 $0x60, s5;
	s23 =	sadd.s32 s7, s9;
	[dreg:$0xe] =	wrdreg s22  }
0x10: {  	s5 =	sor.u32 $0x70, s5;
	s25 =	sadd.s32 s3, s24;
	[dreg:$0xf] =	wrdreg s23  }
0x11: {  	s20 =	smul.u32 $0x500, s0;
	s26 =	sadd.s32 s3, s5;
	[dreg:$0x10] =	wrdreg s25  }
0x12: {  	p0 =	seq.s32 s0, $0x1;
	s5 =	sadd.s32 s7, s5;
	[dreg:$0x12] =	wrdreg s26  }
0x13: {  	s6 =	sadd.s32 s7, s16;
	s8 =	sadd.s32 s7, s21;
	[dreg:$0x13] =	wrdreg s5  }
0x14: {  	s19 =	smul.u32 $0x2800, s11;
	s23 =	sshll.u32 s11, $0x6;
	[dreg:$0x9] =	wrdreg s6  }
0x15: {  	s5 =	simm.s32 $0xB;
	s6 =	sadd.s32 s7, s18;
	[dreg:$0xd] =	wrdreg s8  }
0x16: {  	s8 =	sadd.s32 s7, s24;
	s24 =	smax.u32 s4, $0x1;
	[dreg:$0xb] =	wrdreg s6  }
0x17: {  	s4 =	simm.s32 $0x1;
	s6 =	sadd.s32 s10, s20;
	[dreg:$0x11] =	wrdreg s8  }
0x18: {  	s20 =	smul.u32 $0x50000, s11;
	s21 =	sadd.s32 s19, s2;
	s19 =	sor.u32 $0x1C0B, s23  }
0x19: {  	s8 =	simm.s32 $0x4800;
	s11 =	simm.s32 $0xA;
	s6 =	sshll.u32 s6, $0x4  }
0x1a: {  	s9 =	sor.u32 $0xE0, s6;
	s13 =	sor.u32 $0xC0, s6;
	s14 =	sor.u32 $0xA0, s6  }
0x1b: {  	s25 =	sadd.s32 s6, s3;
	s26 =	sadd.s32 s6, s7;
	s18 =	sor.u32 $0x80, s6  }
0x1c: {  	s22 =	sshrl.u32 s20, $0x2;
	s6 =	simm.s32 $0x2;
	s20 =	simm.s32 $0x0  }
0x1d: {  	s10 =	sadd.s32 s9, s3;
	s12 =	sadd.s32 s9, s7;
	s15 =	sadd.s32 s13, s3  }
0x1e: {  	s0 =	sadd.s32 s13, s7;
	s16 =	sadd.s32 s14, s3;
	[dreg:$0x14] =	wrdreg s10  }
0x1f: {  	s17 =	sadd.s32 s14, s7;
	s29 =	sadd.s32 s18, s3;
	[dreg:$0x15] =	wrdreg s12  }
0x20: {  	s30 =	sadd.s32 s18, s7;
	s3 =	simm.s32 $0x84C00;
	[dreg:$0x16] =	wrdreg s15  }
0x21: {  	s2 =	sadd.s32 s22, s28;
	s7 =	simm.s32 $0x80;
	[dreg:$0x17] =	wrdreg s0  }
0x22: {  	s9 =	simm.s32 $0x9;
	s13 =	simm.s32 $0x5;
	[dreg:$0x18] =	wrdreg s16  }
0x23: {  	s14 =	simm.s32 $0x6;
	[dreg:$0x19] =	wrdreg s17;
	s3 =	simm.s32 @!p0 $0x5CC00  }
0x24: {  	s0 =	sadd.s32 $0x34C00, s21;
	s17 =	simm.s32 $0x300;
	s10 =	simm.s32 $0x3  }
.Ltmp0:
0x25: {  	_ =	strace $0x8000004A;
	[dreg:$0x1a] =	wrdreg s2;
	(pc) =	sbr.rel .LBB2_1-.Ltmp0, $4  }
0x26: {  	s12 =	simm.s32 $0x4;
	s15 =	simm.s32 $0x7;
	[dreg:$0x1c] =	wrdreg s0  }
0x27: {  	s16 =	simm.s32 $0x8;
	s3 =	sadd.s32 s3, s21;
	[dreg:$0x1e] =	wrdreg s24  }
0x28: {  	s24 =	simm.s32 $0x700;
	s0 =	simm.s32 $0x380;
	[dreg:$0x1d] =	wrdreg s19  }
0x29: {  	s2 =	simm.s32 $0x780;
	[dreg:$0x1b] =	wrdreg s3;
	s3 =	simm.s32 $0x800  }
.LBB2_4:
0x2a: {  	_ =	swait.ge [sflag:s11], $0x4000  }
0x2b: {  	[sflag:s11] =	ssyncset.done $0x0  }
0x2c: {  	[sflag:s11] =	ssyncadd.s32 $0xFFFFC000  }
0x2d: {  	[spmem:s28] =	stream.indirect.scatter.add.f32 [tilespmem:s8], [sflag:$0xB], $0x80, s2, s7, $0xb8;
	[tilespmem:$0x1C800] =	vst v63  }
0x2e: {  	_ =	swait.ge [sflag:s5], $0x4000  }
0x2f: {  	[sflag:s5] =	ssyncset.done $0x0  }
0x30: {  	[sflag:s5] =	ssyncadd.s32 $0xFFFFC000  }
0x31: {  	[bflag:$0x0] =	sbarrier.arrive $0xFFFF  }
0x32: {  	s20 =	sld [smem:$0x7FD]  }
0x33: {  	s18 =	rddreg [dreg:$0x1b]  }
0x34: {  	s19 =	rddreg [dreg:$0x1d]  }
0x35: {  	[hbm:s18], [sflag:s19] =	dma.local [spmem:s20], $0x2800  }
0x36: {  	_ =	swait.ge [sflag:s5], $0x2800  }
0x37: {  	s22 =	rddreg [dreg:$0x1f]  }
0x38: {  	s23 =	rddreg [dreg:$0x1e];
	s20 =	sadd.s32 $0x1, s22  }
0x39: {  	p0 =	sne.s32 s20, s23  }
.Ltmp1:
0x3a: {  	_ = 	snop;
	(pc) =	sbr.rel @!p0 .LBB2_5-.Ltmp1, $3  }
0x3b: {  	_ =	sdelay $0x1  }
0x3c: {  	[sflag:s5] =	ssyncset.done $0x0  }
0x3d: {  	[sflag:s5] =	ssyncadd.s32 $0xFFFFD800  }
.LBB2_1:
0x3e: {  	[dreg:$0x1f] =	wrdreg s20  }
0x3f: {  	s18 =	rddreg [dreg:$0x1a]  }
0x40: {  	s22 =	rddreg [dreg:$0x1c];
	s21 =	sshrl.u32 s18, $0x3  }
0x41: {  	[smem:$0x7FD] =	sst s21  }
0x42: {  	[spmem:s21], [sflag:s19] =	dma.local [hbm:s22], $0x2800  }
0x43: {  	_ =	swait.ge [sflag:s5], $0x2800  }
0x44: {  	[sflag:s5] =	ssyncset.done $0x0  }
0x45: {  	[sflag:s5] =	ssyncadd.s32 $0xFFFFD800  }
0x46: {  	[bflag:$0x0] =	sbarrier.arrive $0xFFFF  }
0x47: {  	s23 =	rddreg [dreg:$0x4]  }
0x48: {  	[tilespmem:s1], [sflag:$0x1] =	stream.linear.gather [hbm4b:s23+s1], $0x80, $0x38;
	[tilespmem:$0x1C800] =	vst v63  }
0x49: {  	s20 =	simm.s32 $0x400;
	s19 =	rddreg [dreg:$0x5]  }
0x4a: {  	[tilespmem:s20], [sflag:$0x1] =	stream.linear.gather [hbm4b:s19+s1], $0x80, $0x38;
	[tilespmem:$0x1C800] =	vst v63  }
0x4b: {  	s21 =	rddreg [dreg:$0x6]  }
0x4c: {  	[tilespmem:s7], [sflag:$0x2] =	stream.linear.gather [hbm4b:s21+s1], $0x80, $0x38;
	[tilespmem:$0x1C800] =	vst v63  }
0x4d: {  	s22 =	rddreg [dreg:$0x7];
	s23 =	simm.s32 $0x480  }
0x4e: {  	[tilespmem:s23], [sflag:$0x2] =	stream.linear.gather [hbm4b:s22+s1], $0x80, $0x38;
	[tilespmem:$0x1C800] =	vst v63  }
0x4f: {  	s20 =	rddreg [dreg:$0x8];
	s21 =	simm.s32 $0x100  }
0x50: {  	[tilespmem:s21], [sflag:$0x3] =	stream.linear.gather [hbm4b:s20+s1], $0x80, $0x38;
	[tilespmem:$0x1C800] =	vst v63  }
0x51: {  	s22 =	rddreg [dreg:$0x9];
	s23 =	simm.s32 $0x500  }
0x52: {  	[tilespmem:s23], [sflag:$0x3] =	stream.linear.gather [hbm4b:s22+s1], $0x80, $0x38;
	[tilespmem:$0x1C800] =	vst v63  }
0x53: {  	s20 =	rddreg [dreg:$0xa];
	s21 =	simm.s32 $0x180  }
0x54: {  	[tilespmem:s21], [sflag:$0x4] =	stream.linear.gather [hbm4b:s20+s1], $0x80, $0x38;
	[tilespmem:$0x1C800] =	vst v63  }
0x55: {  	s22 =	rddreg [dreg:$0xb];
	s23 =	simm.s32 $0x580  }
0x56: {  	[tilespmem:s23], [sflag:$0x4] =	stream.linear.gather [hbm4b:s22+s1], $0x80, $0x38;
	[tilespmem:$0x1C800] =	vst v63  }
0x57: {  	s20 =	rddreg [dreg:$0xc];
	s21 =	simm.s32 $0x200  }
0x58: {  	[tilespmem:s21], [sflag:$0x5] =	stream.linear.gather [hbm4b:s20+s1], $0x80, $0x38;
	[tilespmem:$0x1C800] =	vst v63  }
0x59: {  	s22 =	rddreg [dreg:$0xd];
	s23 =	simm.s32 $0x600  }
0x5a: {  	[tilespmem:s23], [sflag:$0x5] =	stream.linear.gather [hbm4b:s22+s1], $0x80, $0x38;
	[tilespmem:$0x1C800] =	vst v63  }
0x5b: {  	s20 =	rddreg [dreg:$0xe];
	s21 =	simm.s32 $0x280  }
0x5c: {  	[tilespmem:s21], [sflag:$0x6] =	stream.linear.gather [hbm4b:s20+s1], $0x80, $0x38;
	[tilespmem:$0x1C800] =	vst v63  }
0x5d: {  	s22 =	rddreg [dreg:$0xf];
	s23 =	simm.s32 $0x680  }
0x5e: {  	[tilespmem:s23], [sflag:$0x6] =	stream.linear.gather [hbm4b:s22+s1], $0x80, $0x38;
	[tilespmem:$0x1C800] =	vst v63  }
0x5f: {  	s20 =	rddreg [dreg:$0x10]  }
0x60: {  	[tilespmem:s17], [sflag:$0x7] =	stream.linear.gather [hbm4b:s20+s1], $0x80, $0x38;
	[tilespmem:$0x1C800] =	vst v63  }
0x61: {  	s21 =	rddreg [dreg:$0x11]  }
0x62: {  	[tilespmem:s24], [sflag:$0x7] =	stream.linear.gather [hbm4b:s21+s1], $0x80, $0x38;
	[tilespmem:$0x1C800] =	vst v63  }
0x63: {  	s22 =	rddreg [dreg:$0x12]  }
0x64: {  	[tilespmem:s0], [sflag:$0x8] =	stream.linear.gather [hbm4b:s22+s1], $0x80, $0x38;
	[tilespmem:$0x1C800] =	vst v63  }
0x65: {  	s23 =	rddreg [dreg:$0x13]  }
0x66: {  	[tilespmem:s2], [sflag:$0x8] =	stream.linear.gather [hbm4b:s23+s1], $0x80, $0x38;
	[tilespmem:$0x1C800] =	vst v63  }
0x67: {  	_ =	swait.ge [sflag:s4], $0x80  }
0x68: {  	[sflag:s4] =	ssyncset.done $0x0  }
0x69: {  	[sflag:s4] =	ssyncadd.s32 $0xFFFFFF80  }
0x6a: {  	_ =	swait.ge [sflag:s4], $0x80  }
0x6b: {  	[sflag:s4] =	ssyncset.done $0x0  }
0x6c: {  	[sflag:s4] =	ssyncadd.s32 $0xFFFFFF80  }
0x6d: {  	[tilespmem:s3], [sflag:$0x9] =	stream.indirect.gather [hbm4b:s31+s7], $0x80, s1, s7, $0xb8;
	[tilespmem:$0x1C800] =	vst v63  }
0x6e: {  	_ =	swait.ge [sflag:s6], $0x80  }
0x6f: {  	[sflag:s6] =	ssyncset.done $0x0  }
0x70: {  	[sflag:s6] =	ssyncadd.s32 $0xFFFFFF80  }
0x71: {  	_ =	swait.ge [sflag:s6], $0x80  }
0x72: {  	[sflag:s6] =	ssyncset.done $0x0  }
0x73: {  	s18 =	simm.s32 $0x0;
	[sflag:s6] =	ssyncadd.s32 $0xFFFFFF80  }
0x74: {  	[tilespmem:s8], [sflag:$0xA] =	stream.indirect.gather [hbm4b:s31+s7], $0x80, s7, s7, $0xb8;
	[tilespmem:$0x1C800] =	vst v63  }
.LBB2_2:
0x75: {  	_ =	swait.ge [sflag:s9], $0x4000  }
0x76: {  	[sflag:s9] =	ssyncset.done $0x0  }
0x77: {  	s19 =	simm.s32 $0x400;
	[sflag:s9] =	ssyncadd.s32 $0xFFFFC000  }
0x78: {  	[spmem:s28] =	stream.indirect.scatter.add.f32 [tilespmem:s3], [sflag:$0xB], $0x80, s19, s7, $0xb8;
	[tilespmem:$0x1C800] =	vst v63  }
0x79: {  	_ =	swait.ge [sflag:s5], $0x4000  }
0x7a: {  	p0 =	seq.s32 s18, $0x480;
	[sflag:s5] =	ssyncset.done $0x0  }
0x7b: {  	s20 =	sadd.s32 @!p0 s18, s29;
	s19 =	simm.s32 @!p0 $0x0;
	[sflag:s5] =	ssyncadd.s32 $0xFFFFC000  }
0x7c: {  	[tilespmem:s19], [sflag:$0x1] =	stream.linear.gather @!p0 [hbm4b:s20+s19], $0x80, $0x38;
	[tilespmem:$0x1C800] =	vst v63  }
0x7d: {  	s21 =	simm.s32 @!p0 $0x400;
	s20 =	sadd.s32 @!p0 s18, s30  }
0x7e: {  	[tilespmem:s21], [sflag:$0x1] =	stream.linear.gather @!p0 [hbm4b:s20+s19], $0x80, $0x38;
	[tilespmem:$0x1C800] =	vst v63  }
0x7f: {  	_ =	swait.ge [sflag:s10], $0x80  }
0x80: {  	[sflag:s10] =	ssyncset.done $0x0  }
0x81: {  	[sflag:s10] =	ssyncadd.s32 $0xFFFFFF80  }
0x82: {  	_ =	swait.ge [sflag:s10], $0x80  }
0x83: {  	[sflag:s10] =	ssyncset.done $0x0  }
0x84: {  	s21 =	simm.s32 $0x100;
	[sflag:s10] =	ssyncadd.s32 $0xFFFFFF80  }
0x85: {  	[tilespmem:s3], [sflag:$0x9] =	stream.indirect.gather [hbm4b:s31+s7], $0x80, s21, s7, $0xb8;
	[tilespmem:$0x1C800] =	vst v63  }
0x86: {  	_ =	swait.ge [sflag:s11], $0x4000  }
0x87: {  	[sflag:s11] =	ssyncset.done $0x0  }
0x88: {  	s22 =	simm.s32 $0x480;
	[sflag:s11] =	ssyncadd.s32 $0xFFFFC000  }
0x89: {  	[spmem:s28] =	stream.indirect.scatter.add.f32 [tilespmem:s8], [sflag:$0xB], $0x80, s22, s7, $0xb8;
	[tilespmem:$0x1C800] =	vst v63  }
0x8a: {  	_ =	swait.ge [sflag:s5], $0x4000  }
0x8b: {  	s20 =	sadd.s32 @!p0 s18, s25;
	[sflag:s5] =	ssyncset.done $0x0  }
0x8c: {  	s21 =	sadd.s32 @!p0 $0x90, s20;
	s22 =	simm.s32 @!p0 $0x80;
	[sflag:s5] =	ssyncadd.s32 $0xFFFFC000  }
0x8d: {  	[tilespmem:s22], [sflag:$0x2] =	stream.linear.gather @!p0 [hbm4b:s21+s19], $0x80, $0x38;
	[tilespmem:$0x1C800] =	vst v63  }
0x8e: {  	s21 =	sadd.s32 @!p0 s18, s26  }
0x8f: {  	s23 =	simm.s32 @!p0 $0x480;
	s22 =	sadd.s32 @!p0 $0x90, s21  }
0x90: {  	[tilespmem:s23], [sflag:$0x2] =	stream.linear.gather @!p0 [hbm4b:s22+s19], $0x80, $0x38;
	[tilespmem:$0x1C800] =	vst v63  }
0x91: {  	_ =	swait.ge [sflag:s12], $0x80  }
0x92: {  	[sflag:s12] =	ssyncset.done $0x0  }
0x93: {  	[sflag:s12] =	ssyncadd.s32 $0xFFFFFF80  }
0x94: {  	_ =	swait.ge [sflag:s12], $0x80  }
0x95: {  	[sflag:s12] =	ssyncset.done $0x0  }
0x96: {  	s23 =	simm.s32 $0x180;
	[sflag:s12] =	ssyncadd.s32 $0xFFFFFF80  }
0x97: {  	[tilespmem:s8], [sflag:$0xA] =	stream.indirect.gather [hbm4b:s31+s7], $0x80, s23, s7, $0xb8;
	[tilespmem:$0x1C800] =	vst v63  }
0x98: {  	_ =	swait.ge [sflag:s9], $0x4000  }
0x99: {  	[sflag:s9] =	ssyncset.done $0x0  }
0x9a: {  	s23 =	simm.s32 $0x500;
	[sflag:s9] =	ssyncadd.s32 $0xFFFFC000  }
0x9b: {  	[spmem:s28] =	stream.indirect.scatter.add.f32 [tilespmem:s3], [sflag:$0xB], $0x80, s23, s7, $0xb8;
	[tilespmem:$0x1C800] =	vst v63  }
0x9c: {  	_ =	swait.ge [sflag:s5], $0x4000  }
0x9d: {  	[sflag:s5] =	ssyncset.done $0x0;
	s22 =	rddreg [dreg:$0x18]  }
0x9e: {  	s23 =	simm.s32 @!p0 $0x100;
	[sflag:s5] =	ssyncadd.s32 $0xFFFFC000;
	s22 =	sadd.s32 @!p0 s18, s22  }
0x9f: {  	[tilespmem:s23], [sflag:$0x3] =	stream.linear.gather @!p0 [hbm4b:s22+s19], $0x80, $0x38;
	[tilespmem:$0x1C800] =	vst v63  }
0xa0: {  	s22 =	rddreg [dreg:$0x19]  }
0xa1: {  	s23 =	simm.s32 @!p0 $0x500;
	s22 =	sadd.s32 @!p0 s18, s22  }
0xa2: {  	[tilespmem:s23], [sflag:$0x3] =	stream.linear.gather @!p0 [hbm4b:s22+s19], $0x80, $0x38;
	[tilespmem:$0x1C800] =	vst v63  }
0xa3: {  	_ =	swait.ge [sflag:s13], $0x80  }
0xa4: {  	[sflag:s13] =	ssyncset.done $0x0  }
0xa5: {  	[sflag:s13] =	ssyncadd.s32 $0xFFFFFF80  }
0xa6: {  	_ =	swait.ge [sflag:s13], $0x80  }
0xa7: {  	[sflag:s13] =	ssyncset.done $0x0  }
0xa8: {  	s23 =	simm.s32 $0x200;
	[sflag:s13] =	ssyncadd.s32 $0xFFFFFF80  }
0xa9: {  	[tilespmem:s3], [sflag:$0x9] =	stream.indirect.gather [hbm4b:s31+s7], $0x80, s23, s7, $0xb8;
	[tilespmem:$0x1C800] =	vst v63  }
0xaa: {  	_ =	swait.ge [sflag:s11], $0x4000  }
0xab: {  	[sflag:s11] =	ssyncset.done $0x0  }
0xac: {  	s23 =	simm.s32 $0x580;
	[sflag:s11] =	ssyncadd.s32 $0xFFFFC000  }
0xad: {  	[spmem:s28] =	stream.indirect.scatter.add.f32 [tilespmem:s8], [sflag:$0xB], $0x80, s23, s7, $0xb8;
	[tilespmem:$0x1C800] =	vst v63  }
0xae: {  	_ =	swait.ge [sflag:s5], $0x4000  }
0xaf: {  	[sflag:s5] =	ssyncset.done $0x0  }
0xb0: {  	s22 =	sadd.s32 @!p0 $0xB0, s20;
	s23 =	simm.s32 @!p0 $0x180;
	[sflag:s5] =	ssyncadd.s32 $0xFFFFC000  }
0xb1: {  	[tilespmem:s23], [sflag:$0x4] =	stream.linear.gather @!p0 [hbm4b:s22+s19], $0x80, $0x38;
	[tilespmem:$0x1C800] =	vst v63  }
0xb2: {  	s22 =	sadd.s32 @!p0 $0xB0, s21;
	s23 =	simm.s32 @!p0 $0x580  }
0xb3: {  	[tilespmem:s23], [sflag:$0x4] =	stream.linear.gather @!p0 [hbm4b:s22+s19], $0x80, $0x38;
	[tilespmem:$0x1C800] =	vst v63  }
0xb4: {  	_ =	swait.ge [sflag:s14], $0x80  }
0xb5: {  	[sflag:s14] =	ssyncset.done $0x0  }
0xb6: {  	[sflag:s14] =	ssyncadd.s32 $0xFFFFFF80  }
0xb7: {  	_ =	swait.ge [sflag:s14], $0x80  }
0xb8: {  	[sflag:s14] =	ssyncset.done $0x0  }
0xb9: {  	s23 =	simm.s32 $0x280;
	[sflag:s14] =	ssyncadd.s32 $0xFFFFFF80  }
0xba: {  	[tilespmem:s8], [sflag:$0xA] =	stream.indirect.gather [hbm4b:s31+s7], $0x80, s23, s7, $0xb8;
	[tilespmem:$0x1C800] =	vst v63  }
0xbb: {  	_ =	swait.ge [sflag:s9], $0x4000  }
0xbc: {  	[sflag:s9] =	ssyncset.done $0x0  }
0xbd: {  	s23 =	simm.s32 $0x600;
	[sflag:s9] =	ssyncadd.s32 $0xFFFFC000  }
0xbe: {  	[spmem:s28] =	stream.indirect.scatter.add.f32 [tilespmem:s3], [sflag:$0xB], $0x80, s23, s7, $0xb8;
	[tilespmem:$0x1C800] =	vst v63  }
0xbf: {  	_ =	swait.ge [sflag:s5], $0x4000  }
0xc0: {  	[sflag:s5] =	ssyncset.done $0x0;
	s22 =	rddreg [dreg:$0x16]  }
0xc1: {  	s23 =	simm.s32 @!p0 $0x200;
	[sflag:s5] =	ssyncadd.s32 $0xFFFFC000;
	s22 =	sadd.s32 @!p0 s18, s22  }
0xc2: {  	[tilespmem:s23], [sflag:$0x5] =	stream.linear.gather @!p0 [hbm4b:s22+s19], $0x80, $0x38;
	[tilespmem:$0x1C800] =	vst v63  }
0xc3: {  	s22 =	rddreg [dreg:$0x17]  }
0xc4: {  	s23 =	simm.s32 @!p0 $0x600;
	s22 =	sadd.s32 @!p0 s18, s22  }
0xc5: {  	[tilespmem:s23], [sflag:$0x5] =	stream.linear.gather @!p0 [hbm4b:s22+s19], $0x80, $0x38;
	[tilespmem:$0x1C800] =	vst v63  }
0xc6: {  	_ =	swait.ge [sflag:s15], $0x80  }
0xc7: {  	[sflag:s15] =	ssyncset.done $0x0  }
0xc8: {  	[sflag:s15] =	ssyncadd.s32 $0xFFFFFF80  }
0xc9: {  	_ =	swait.ge [sflag:s15], $0x80  }
0xca: {  	[sflag:s15] =	ssyncset.done $0x0  }
0xcb: {  	[sflag:s15] =	ssyncadd.s32 $0xFFFFFF80  }
0xcc: {  	[tilespmem:s3], [sflag:$0x9] =	stream.indirect.gather [hbm4b:s31+s7], $0x80, s17, s7, $0xb8;
	[tilespmem:$0x1C800] =	vst v63  }
0xcd: {  	_ =	swait.ge [sflag:s11], $0x4000  }
0xce: {  	[sflag:s11] =	ssyncset.done $0x0  }
0xcf: {  	s23 =	simm.s32 $0x680;
	[sflag:s11] =	ssyncadd.s32 $0xFFFFC000  }
0xd0: {  	[spmem:s28] =	stream.indirect.scatter.add.f32 [tilespmem:s8], [sflag:$0xB], $0x80, s23, s7, $0xb8;
	[tilespmem:$0x1C800] =	vst v63  }
0xd1: {  	_ =	swait.ge [sflag:s5], $0x4000  }
0xd2: {  	[sflag:s5] =	ssyncset.done $0x0  }
0xd3: {  	s20 =	sadd.s32 @!p0 $0xD0, s20;
	s22 =	simm.s32 @!p0 $0x280;
	[sflag:s5] =	ssyncadd.s32 $0xFFFFC000  }
0xd4: {  	[tilespmem:s22], [sflag:$0x6] =	stream.linear.gather @!p0 [hbm4b:s20+s19], $0x80, $0x38;
	[tilespmem:$0x1C800] =	vst v63  }
0xd5: {  	s20 =	sadd.s32 @!p0 $0xD0, s21;
	s21 =	simm.s32 @!p0 $0x680  }
0xd6: {  	[tilespmem:s21], [sflag:$0x6] =	stream.linear.gather @!p0 [hbm4b:s20+s19], $0x80, $0x38;
	[tilespmem:$0x1C800] =	vst v63  }
0xd7: {  	_ =	swait.ge [sflag:s16], $0x80  }
0xd8: {  	[sflag:s16] =	ssyncset.done $0x0  }
0xd9: {  	[sflag:s16] =	ssyncadd.s32 $0xFFFFFF80  }
0xda: {  	_ =	swait.ge [sflag:s16], $0x80  }
0xdb: {  	[sflag:s16] =	ssyncset.done $0x0  }
0xdc: {  	[sflag:s16] =	ssyncadd.s32 $0xFFFFFF80  }
0xdd: {  	[tilespmem:s8], [sflag:$0xA] =	stream.indirect.gather [hbm4b:s31+s7], $0x80, s0, s7, $0xb8;
	[tilespmem:$0x1C800] =	vst v63  }
0xde: {  	_ =	swait.ge [sflag:s9], $0x4000  }
0xdf: {  	[sflag:s9] =	ssyncset.done $0x0  }
.Ltmp2:
0xe0: {  	[sflag:s9] =	ssyncadd.s32 $0xFFFFC000;
	(pc) =	sbr.rel @p0 .LBB2_4-.Ltmp2, $4  }
0xe1: {  	[spmem:s28] =	stream.indirect.scatter.add.f32 [tilespmem:s3], [sflag:$0xB], $0x80, s24, s7, $0xb8;
	[tilespmem:$0x1C800] =	vst v63  }
0xe2: {  	_ =	swait.ge [sflag:s5], $0x4000  }
0xe3: {  	[sflag:s5] =	ssyncset.done $0x0  }
0xe4: {  	[sflag:s5] =	ssyncadd.s32 $0xFFFFC000  }
0xe5: {  	s19 =	rddreg [dreg:$0x14]  }
0xe6: {  	s21 =	rddreg [dreg:$0x15];
	s19 =	sadd.s32 s18, s19  }
0xe7: {  	[tilespmem:s17], [sflag:$0x7] =	stream.linear.gather [hbm4b:s19+s1], $0x80, $0x38;
	[tilespmem:$0x1C800] =	vst v63  }
0xe8: {  	s19 =	sadd.s32 s18, s21  }
0xe9: {  	[tilespmem:s24], [sflag:$0x7] =	stream.linear.gather [hbm4b:s19+s1], $0x80, $0x38;
	[tilespmem:$0x1C800] =	vst v63  }
0xea: {  	_ =	swait.ge [sflag:s4], $0x80  }
0xeb: {  	[sflag:s4] =	ssyncset.done $0x0  }
0xec: {  	[sflag:s4] =	ssyncadd.s32 $0xFFFFFF80  }
0xed: {  	_ =	swait.ge [sflag:s4], $0x80  }
0xee: {  	[sflag:s4] =	ssyncset.done $0x0  }
0xef: {  	[sflag:s4] =	ssyncadd.s32 $0xFFFFFF80  }
0xf0: {  	[tilespmem:s3], [sflag:$0x9] =	stream.indirect.gather [hbm4b:s31+s7], $0x80, s1, s7, $0xb8;
	[tilespmem:$0x1C800] =	vst v63  }
0xf1: {  	_ =	swait.ge [sflag:s11], $0x4000  }
0xf2: {  	[sflag:s11] =	ssyncset.done $0x0  }
0xf3: {  	[sflag:s11] =	ssyncadd.s32 $0xFFFFC000  }
0xf4: {  	[spmem:s28] =	stream.indirect.scatter.add.f32 [tilespmem:s8], [sflag:$0xB], $0x80, s2, s7, $0xb8;
	[tilespmem:$0x1C800] =	vst v63  }
0xf5: {  	_ =	swait.ge [sflag:s5], $0x4000  }
0xf6: {  	s22 =	sadd.s32 s18, s25;
	[sflag:s5] =	ssyncset.done $0x0  }
0xf7: {  	s23 =	sadd.s32 s18, s26;
	s19 =	sadd.s32 $0xF0, s22;
	[sflag:s5] =	ssyncadd.s32 $0xFFFFC000  }
0xf8: {  	[tilespmem:s0], [sflag:$0x8] =	stream.linear.gather [hbm4b:s19+s1], $0x80, $0x38;
	[tilespmem:$0x1C800] =	vst v63  }
0xf9: {  	s19 =	sadd.s32 $0xF0, s23  }
0xfa: {  	[tilespmem:s2], [sflag:$0x8] =	stream.linear.gather [hbm4b:s19+s1], $0x80, $0x38;
	[tilespmem:$0x1C800] =	vst v63  }
0xfb: {  	_ =	swait.ge [sflag:s6], $0x80  }
0xfc: {  	[sflag:s6] =	ssyncset.done $0x0  }
.Ltmp3:
0xfd: {  	[sflag:s6] =	ssyncadd.s32 $0xFFFFFF80;
	(pc) =	sbr.rel .LBB2_2-.Ltmp3, $4  }
0xfe: {  	_ =	swait.ge [sflag:s6], $0x80  }
0xff: {  	[sflag:s6] =	ssyncset.done $0x0  }
0x100: {  	s18 =	sadd.s32 $0x80, s18;
	[sflag:s6] =	ssyncadd.s32 $0xFFFFFF80  }
0x101: {  	[tilespmem:s8], [sflag:$0xA] =	stream.indirect.gather [hbm4b:s31+s7], $0x80, s7, s7, $0xb8;
	[tilespmem:$0x1C800] =	vst v63  }
.LBB2_5:
0x102: {  	_ =	sfence.sel $0x180000  }
0x103: {  	[bflag:$0x0] =	sbarrier.arrive $0xFFFF  }
0x104: {  	_ =	strace $0x9000004A  }
0x105: {  	s0 =	stileid.u32;
	[bflag:$0x2] =	sbarrier.arrive $0xFFFF  }
0x106: {  	p0 =	sne.s32 s0, $0x0;
	s0 =	rddreg [dreg:$0x3]  }
0x107: {  	s0 =	sadd.s32 @!p0 $0x100000, s0  }
0x108: {  	[sflag:s0] =	ssyncadd.tile.s32 @!p0 $0x1;
	_ =	shalt  }
.Lfunc_end2:
_tile_overlayer_lowered:
.L_overlay_start_2:
0x109: {  	(tag) =	ssettag $0x2  }
0x10a: {  	s0 =	rddreg [dreg:$0x0];
	s2 =	stileid.u32  }
0x10b: {  	s1 =	rddreg [dreg:$0x1];
	p0 =	sne.s32 s2, $0x0  }
0x10c: {  	s3 =	rddreg [dreg:$0x2];
	[bflag:$0x3] =	sbarrier.arrive $0xFFFF;
	s2 =	simm.s32 @!p0 $0x1C0B  }
0x10d: {  	[timem:s3], [sflag:s2] =	dma.local @!p0 [hbm:s0], s1  }
0x10e: {  	s0 =	simm.s32 @!p0 $0xB  }
0x10f: {  	_ =	swait.ge @!p0 [sflag:s0], s1  }
0x110: {  	s1 =	ssub.s32 @!p0 $0x0, s1;
	[sflag:s0] =	ssyncset.done @!p0 $0x0  }
0x111: {  	[sflag:s0] =	ssyncadd.s32 @!p0 s1  }
0x112: {  	[bflag:$0x3] =	sbarrier.arrive $0xFFFF  }
0x113: {  	_ =	shalt  }

// kernel: kernel.14.cloned.1.call-start
scs
__scs_entry_jumppad:
0x0: {  	(pc) =	sbr.rel $0x88, $3  }
0x1: {  	(tag) =	ssettag $0x0;
	lr =	simm.s32 $0x1  }
0x2: {  	[smem:$0x3F9D] =	sst lr;
	_ =	strace $0xD0000000  }
0x3: {  	_ = 	snop  }
0x4: {  	_ = 	snop  }
0x5: {  	_ = 	snop  }
0x6: {  	_ = 	snop  }
0x7: {  	_ = 	snop  }
__scs_overlays_trampoline_lowered:
0x8: {  	[smem:$0x3FAC] =	sst s0  }
0x9: {  	[smem:$0x3FAD] =	sst s1  }
0xa: {  	[smem:$0x3FAE] =	sst s2  }
0xb: {  	[smem:$0x3FAF] =	sst s3  }
0xc: {  	[smem:$0x3FB0] =	sst s4  }
0xd: {  	[smem:$0x3FB1] =	sst s5  }
0xe: {  	[smem:$0x3FB2] =	sst s6  }
0xf: {  	[smem:$0x3FB3] =	sst s7  }
0x10: {  	[smem:$0x3FB4] =	sst s8  }
0x11: {  	[smem:$0x3FB5] =	sst s9;
	s0 =	simm.s32 @!p0 $0x0  }
0x12: {  	s1 =	sld [smem:$0x3F9B];
	s0 =	simm.s32 @p0 $0x1  }
0x13: {  	[smem:$0x3FB6] =	sst s0;
	s0 =	simm.s32 @!p1 $0x0  }
0x14: {  	s2 =	sld [smem:$0x3F9A];
	s0 =	simm.s32 @p1 $0x1  }
0x15: {  	[smem:$0x3FB7] =	sst s0;
	s0 =	simm.s32 @!p2 $0x0  }
0x16: {  	s3 =	sld [smem:$0x3FDB];
	s0 =	simm.s32 @p2 $0x1  }
0x17: {  	s4 =	simm.s32 $0x1BF5;
	[smem:$0x3FB9] =	sst s0  }
0x18: {  	s0 =	sld [smem:$0x3F9C];
	_ =	swait.ge [sflag:s4], $0x0  }
0x19: {  	s7 =	sld [smem:$0x3F9D]  }
0x1a: {  	s8 =	sadd.s32 $0xFFFFE003, lr  }
0x1b: {  	s9 =	sadd.s32 $0xFFFFFEF7, lr;
	s5 =	simm.s32 $0xFFFFFFFF;
	p2 =	slt.u32 s8, $0xFFFFF086  }
0x1c: {  	p1 =	slt.u32 s9, $0xF7A;
	s5 =	simm.s32 @!p2 $0x0  }
0x1d: {  	s5 =	simm.s32 @p1 $0x1;
	p0 =	seq.s32 s7, s2  }
0x1e: {  	s7 =	smul.u32 @!p0 $0xF7A, s2;
	p2 =	seq.s32 @!p0 s5, $0x0  }
0x1f: {  	s9 =	smul.u32 $0xF7A, s1;
	s8 =	simm.s32 @!p0 $0x1BF5;
	p2 =	por !p2, p0  }
0x20: {  	[sflag:s8] =	ssyncset.s32 @!p0 $0xFFFFF086;
	s6 =	sadd.s32 @!p0 s3, s7;
	s7 =	simm.s32 @!p0 $0x108  }
0x21: {  	s3 =	sadd.s32 s3, s9;
	s6 =	sadd.s32 @!p0 $0x88, s6;
	s7 =	simm.s32 @p2 $0x1082  }
0x22: {  	[simem:s7], [sflag:s8] =	dma.local @!p0 [hbm:s6], $0xF7A  }
0x23: {  	s9 =	sor.u32 $0xD0000000, s2;
	s6 =	simm.s32 $0x108;
	_ =	swait.ge @!p0 [sflag:s8], $0x0  }
0x24: {  	s3 =	sadd.s32 $0x88, s3;
	s6 =	simm.s32 @!p1 $0x1082;
	[sflag:s4] =	ssyncset.s32 $0xFFFFF086  }
0x25: {  	[simem:s6], [sflag:s4] =	dma.local [hbm:s3], $0xF7A  }
0x26: {  	[smem:$0x3F9D] =	sst s1;
	(tag) =	ssettag s2;
	_ =	strace s9  }
0x27: {  	s1 =	sld [smem:$0x3FAD]  }
0x28: {  	s2 =	sld [smem:$0x3FAE]  }
0x29: {  	s4 =	sld [smem:$0x3FB0]  }
0x2a: {  	p0 =	seq.s32 s5, $0x0;
	s5 =	sld [smem:$0x3FB1]  }
0x2b: {  	s6 =	sld [smem:$0x3FB2]  }
0x2c: {  	s7 =	sld [smem:$0x3FB3]  }
0x2d: {  	s3 =	simm.s32 $0x108;
	s8 =	sld [smem:$0x3FB4]  }
0x2e: {  	s3 =	simm.s32 @!p0 $0x1082;
	s9 =	sld [smem:$0x3FB5]  }
0x2f: {  	lr =	sadd.s32 s0, s3;
	s0 =	sld [smem:$0x3FAC]  }
0x30: {  	s3 =	sld [smem:$0x3FAF]  }
0x31: {  	[smem:$0x3FB8] =	sst s10  }
0x32: {  	s10 =	sld [smem:$0x3FB6];
	_ =	sdelay $0x3  }
0x33: {  	p0 =	seq.s32 s10, $0x1;
	s10 =	sld [smem:$0x3FB8];
	_ =	sdelay $0x3  }
0x34: {  	[smem:$0x3FB8] =	sst s10  }
0x35: {  	s10 =	sld [smem:$0x3FB7];
	_ =	sdelay $0x3  }
0x36: {  	p1 =	seq.s32 s10, $0x1;
	s10 =	sld [smem:$0x3FB8];
	_ =	sdelay $0x3  }
0x37: {  	[smem:$0x3FB8] =	sst s10  }
0x38: {  	s10 =	sld [smem:$0x3FB9]  }
0x39: {  	_ = 	snop;
	(pc) =	sbr.ind lr, $3  }
0x3a: {  	_ = 	snop  }
0x3b: {  	_ = 	snop  }
0x3c: {  	p2 =	seq.s32 s10, $0x1;
	s10 =	sld [smem:$0x3FB8]  }
0x3d: {  	_ =	shalt  }
0x3e: {  	_ =	shalt  }
0x3f: {  	_ =	shalt  }
0x40: {  	_ =	shalt  }
0x41: {  	_ =	shalt  }
0x42: {  	_ =	shalt  }
0x43: {  	_ =	shalt  }
0x44: {  	_ =	shalt  }
0x45: {  	_ =	shalt  }
0x46: {  	_ =	shalt  }
0x47: {  	_ =	shalt  }
0x48: {  	_ =	shalt  }
0x49: {  	_ =	shalt  }
0x4a: {  	_ =	shalt  }
0x4b: {  	_ =	shalt  }
0x4c: {  	_ =	shalt  }
0x4d: {  	_ =	shalt  }
0x4e: {  	_ =	shalt  }
0x4f: {  	_ =	shalt  }
0x50: {  	_ =	shalt  }
0x51: {  	_ =	shalt  }
0x52: {  	_ =	shalt  }
0x53: {  	_ =	shalt  }
0x54: {  	_ =	shalt  }
0x55: {  	_ =	shalt  }
0x56: {  	_ =	shalt  }
0x57: {  	_ =	shalt  }
0x58: {  	_ =	shalt  }
0x59: {  	_ =	shalt  }
0x5a: {  	_ =	shalt  }
0x5b: {  	_ =	shalt  }
0x5c: {  	_ =	shalt  }
0x5d: {  	_ =	shalt  }
0x5e: {  	_ =	shalt  }
0x5f: {  	_ =	shalt  }
0x60: {  	_ =	shalt  }
0x61: {  	_ =	shalt  }
0x62: {  	_ =	shalt  }
0x63: {  	_ =	shalt  }
0x64: {  	_ =	shalt  }
0x65: {  	_ =	shalt  }
0x66: {  	_ =	shalt  }
0x67: {  	_ =	shalt  }
0x68: {  	_ =	shalt  }
0x69: {  	_ =	shalt  }
0x6a: {  	_ =	shalt  }
0x6b: {  	_ =	shalt  }
0x6c: {  	_ =	shalt  }
0x6d: {  	_ =	shalt  }
0x6e: {  	_ =	shalt  }
0x6f: {  	_ =	shalt  }
0x70: {  	_ =	shalt  }
0x71: {  	_ =	shalt  }
0x72: {  	_ =	shalt  }
0x73: {  	_ =	shalt  }
0x74: {  	_ =	shalt  }
0x75: {  	_ =	shalt  }
0x76: {  	_ =	shalt  }
0x77: {  	_ =	shalt  }
0x78: {  	_ =	shalt  }
0x79: {  	_ =	shalt  }
0x7a: {  	_ =	shalt  }
0x7b: {  	_ =	shalt  }
0x7c: {  	_ =	shalt  }
0x7d: {  	_ =	shalt  }
0x7e: {  	_ =	shalt  }
0x7f: {  	_ =	shalt  }
0x80: {  	_ =	shalt  }
0x81: {  	_ =	shalt  }
0x82: {  	_ =	shalt  }
0x83: {  	_ =	shalt  }
0x84: {  	_ =	shalt  }
0x85: {  	_ =	shalt  }
0x86: {  	_ =	shalt  }
0x87: {  	_ =	shalt  }
.Lfunc_end0:
.L_simem_size_0:
called_computation.2_lowered:
.L_overlay_start_0:
0x88: {  	s2 =	sld [smem:$0x3FD9]  }
0x89: {  	s3 =	sld [smem:$0x3FFE];
	_ =	sdelay $0x1  }
0x8a: {  	s1 =	srdreg.scid  }
0x8b: {  	s0 =	sand.u32 $0x1, s1  }
0x8c: {  	s17 =	sshll.u32 s0, $0xA;
	s2 =	sadd.s32 s3, s2  }
0x8d: {  	s2 =	sadd.s32 s2, s17  }
0x8e: {  	[smem:$0x3FC4] =	sst s2  }
0x8f: {  	_ = 	snop  }
0x90: {  	s2 =	sld [smem:$0x3FD0];
	(tm) =	ssettm $0x1  }
0x91: {  	s18 =	sld [smem:$0x3FFB];
	_ =	sdelay $0x3  }
0x92: {  	_ =	strace s18  }
0x93: {  	s3 =	sld [smem:$0x3FFC];
	_ =	sdelay $0x3  }
0x94: {  	_ =	strace s3  }
0x95: {  	s3 =	sld [smem:$0x3FFD];
	_ =	sdelay $0x3  }
0x96: {  	_ =	strace s3  }
0x97: {  	_ =	strace $0x8FFFFFFF  }
0x98: {  	s19 =	sld [smem:$0x3FDB];
	_ =	sdelay $0x1  }
0x99: {  	s4 =	simm.s32 $_scs_section_size  }
0x9a: {  	s5 =	simm.s32 $_size__tile_overlayer_lowered;
	s6 =	simm.s32 $_tile_overlayer_lowered  }
0x9b: {  	s22 =	simm.s32 $0x1BFF;
	s21 =	sshll.u32 s6, $0x1;
	s3 =	sadd.s32 s4, s19  }
0x9c: {  	s7 =	simm.s32 $0x0;
	s20 =	sshll.u32 s5, $0x1;
	s5 =	sadd.s32 s21, s3  }
0x9d: {  	[timem:s7], [sflag:s22] =	dma.local [hbm:s5], s20  }
0x9e: {  	_ =	swait.ge [sflag:s22], s20  }
0x9f: {  	s4 =	ssub.s32 $0x0, s20;
	[sflag:s22] =	ssyncset.done $0x0  }
0xa0: {  	[sflag:s22] =	ssyncadd.s32 s4;
	_ =	sdelay $0x1  }
0xa1: {  	s23 =	simm.s32 $0x1B8B  }
0xa2: {  	_ =	swait.ge [sflag:s23], $0x1  }
0xa3: {  	[sflag:s23] =	ssyncset.done $0x0  }
0xa4: {  	s25 =	simm.s32 $0x1B8E;
	s24 =	sld [smem:$0x3FFE];
	[sflag:s23] =	ssyncadd.s32 $0xFFFFFFFF  }
0xa5: {  	s26 =	simm.s32 $execute0_lowered;
	[smem:$0x3FD2] =	sst s25  }
0xa6: {  	s5 =	sshll.u32 s26, $0x1;
	_ =	strace $0x8000004C;
	[dreg:$0x1] =	wrdreg $0xFFFFFFFF  }
0xa7: {  	s28 =	simm.s32 $_size_execute0_lowered;
	s3 =	sadd.s32 s3, s5;
	[dreg:$0x0] =	wrdreg $0x0  }
0xa8: {  	s5 =	sshll.u32 s28, $0x1;
	[dreg:$0x2] =	wrdreg s3  }
0xa9: {  	[dreg:$0x3] =	wrdreg s5  }
0xaa: {  	[dreg:$0x4] =	wrdreg $0xC0  }
0xab: {  	_ =	task [dreg:s7], $0x5FFFF  }
0xac: {  	[dreg:$0x1] =	wrdreg $0xFFFFFFFF  }
0xad: {  	[dreg:$0x0] =	wrdreg $0x60  }
0xae: {  	[dreg:$0x2] =	wrdreg s24  }
0xaf: {  	[dreg:$0x3] =	wrdreg s2  }
0xb0: {  	[dreg:$0x4] =	wrdreg $0x88000  }
0xb1: {  	[dreg:$0x5] =	wrdreg $0x9  }
0xb2: {  	_ =	task.clear_ibuf [dreg:s7], $0x6FFFF;
	_ =	strace $0x9000004C  }
0xb3: {  	s29 =	simm.s32 $0x9;
	_ =	strace $0x8000004E  }
0xb4: {  	_ =	swait.ge [sflag:s29], $0x1  }
0xb5: {  	[sflag:s29] =	ssyncadd.s32 $0xFFFFFFFF  }
0xb6: {  	_ =	strace $0x9000004E  }
0xb7: {  	_ =	sfence  }
0xb8: {  	s30 =	sld [smem:$0x0];
	_ =	sdelay $0x2  }
0xb9: {  	s31 =	sshll.u32 s1, $0xD;
	s1 =	sshrl.u32 s1, $0x2  }
0xba: {  	s3 =	sand.u32 $0x4000, s31;
	s1 =	sadd.s32 s1, s30  }
0xbb: {  	s0 =	sor.u32 s3, s0;
	s1 =	sshll.u32 s1, $0x11  }
0xbc: {  	s0 =	sor.u32 s1, s0  }
0xbd: {  	s0 =	sadd.s32 $0x8F2B, s0  }
0xbe: {  	[sflag:s0] =	ssyncadd.remote.s32 $0x1  }
0xbf: {  	_ =	sfence.sel $0xFFFF  }
0xc0: {  	[dreg:$0x0] =	wrdreg $0xFFFFFFFF;
	(pc) =	sbr.abs _section_cstart, $3  }
0xc1: {  	[dreg:$0x1] =	wrdreg $0xFFFFFFFF  }
0xc2: {  	_ =	task.clear_ibuf [dreg:s7], $0x2FFFF;
	_ =	strace $0x9FFFFFFF  }
0xc3: {  	(tm) =	ssettm $0x7FFFFFFF  }
tec
execute0_lowered:
.L_overlay_start_1:
0x0: {  	(tag) =	ssettag $0x1  }
0x1: {  	s0 =	srdreg.scid  }
0x2: {  	s0 =	sand.u32 $0x1, s0  }
0x3: {  	s2 =	rddreg [dreg:$0x0];
	s11 =	stileid.u32;
	s1 =	sshll.u32 s0, $0x4  }
0x4: {  	s3 =	rddreg [dreg:$0x1];
	s5 =	sor.u32 s11, s1  }
0x5: {  	s28 =	rddreg [dreg:$0x2];
	s7 =	sadd.s32 $0x2C00, s2;
	s5 =	smul.u32 $0x500, s5  }
0x6: {  	s10 =	smul.u32 $0x50, s11;
	s4 =	ssub.s32 $0x2, s0;
	s1 =	simm.s32 $0x0  }
0x7: {  	s6 =	sshrl.u32 s4, $0x1;
	[smem:$0x7FF] =	sst s1;
	s13 =	sadd.s32 s3, s5  }
0x8: {  	s14 =	sadd.s32 s7, s5;
	s15 =	sor.u32 $0x10, s5;
	[dreg:$0x4] =	wrdreg s13  }
0x9: {  	s4 =	ssub.s32 s4, s6;
	[dreg:$0x5] =	wrdreg s14;
	s8 =	sadd.s32 s3, s15  }
0xa: {  	s16 =	sor.u32 $0x20, s5;
	s6 =	sadd.s32 s7, s15;
	[dreg:$0x6] =	wrdreg s8  }
0xb: {  	s18 =	sor.u32 $0x30, s5;
	s17 =	sadd.s32 s3, s16;
	[dreg:$0x7] =	wrdreg s6  }
0xc: {  	s21 =	sor.u32 $0x40, s5;
	s19 =	sadd.s32 s3, s18;
	[dreg:$0x8] =	wrdreg s17  }
0xd: {  	s9 =	sor.u32 $0x50, s5;
	s12 =	sadd.s32 s3, s21;
	[dreg:$0xa] =	wrdreg s19  }
0xe: {  	s31 =	sadd.s32 $0xCC00, s2;
	s22 =	sadd.s32 s3, s9;
	[dreg:$0xc] =	wrdreg s12  }
0xf: {  	s24 =	sor.u32 $0x60, s5;
	s23 =	sadd.s32 s7, s9;
	[dreg:$0xe] =	wrdreg s22  }
0x10: {  	s5 =	sor.u32 $0x70, s5;
	s25 =	sadd.s32 s3, s24;
	[dreg:$0xf] =	wrdreg s23  }
0x11: {  	s20 =	smul.u32 $0x500, s0;
	s26 =	sadd.s32 s3, s5;
	[dreg:$0x10] =	wrdreg s25  }
0x12: {  	p0 =	seq.s32 s0, $0x1;
	s5 =	sadd.s32 s7, s5;
	[dreg:$0x12] =	wrdreg s26  }
0x13: {  	s6 =	sadd.s32 s7, s16;
	s8 =	sadd.s32 s7, s21;
	[dreg:$0x13] =	wrdreg s5  }
0x14: {  	s19 =	smul.u32 $0x2800, s11;
	s23 =	sshll.u32 s11, $0x6;
	[dreg:$0x9] =	wrdreg s6  }
0x15: {  	s5 =	simm.s32 $0xB;
	s6 =	sadd.s32 s7, s18;
	[dreg:$0xd] =	wrdreg s8  }
0x16: {  	s8 =	sadd.s32 s7, s24;
	s24 =	smax.u32 s4, $0x1;
	[dreg:$0xb] =	wrdreg s6  }
0x17: {  	s4 =	simm.s32 $0x1;
	s6 =	sadd.s32 s10, s20;
	[dreg:$0x11] =	wrdreg s8  }
0x18: {  	s20 =	smul.u32 $0x50000, s11;
	s21 =	sadd.s32 s19, s2;
	s19 =	sor.u32 $0x1C0B, s23  }
0x19: {  	s8 =	simm.s32 $0x4800;
	s11 =	simm.s32 $0xA;
	s6 =	sshll.u32 s6, $0x4  }
0x1a: {  	s9 =	sor.u32 $0xE0, s6;
	s13 =	sor.u32 $0xC0, s6;
	s14 =	sor.u32 $0xA0, s6  }
0x1b: {  	s25 =	sadd.s32 s6, s3;
	s26 =	sadd.s32 s6, s7;
	s18 =	sor.u32 $0x80, s6  }
0x1c: {  	s22 =	sshrl.u32 s20, $0x2;
	s6 =	simm.s32 $0x2;
	s20 =	simm.s32 $0x0  }
0x1d: {  	s10 =	sadd.s32 s9, s3;
	s12 =	sadd.s32 s9, s7;
	s15 =	sadd.s32 s13, s3  }
0x1e: {  	s0 =	sadd.s32 s13, s7;
	s16 =	sadd.s32 s14, s3;
	[dreg:$0x14] =	wrdreg s10  }
0x1f: {  	s17 =	sadd.s32 s14, s7;
	s29 =	sadd.s32 s18, s3;
	[dreg:$0x15] =	wrdreg s12  }
0x20: {  	s30 =	sadd.s32 s18, s7;
	s3 =	simm.s32 $0x84C00;
	[dreg:$0x16] =	wrdreg s15  }
0x21: {  	s2 =	sadd.s32 s22, s28;
	s7 =	simm.s32 $0x80;
	[dreg:$0x17] =	wrdreg s0  }
0x22: {  	s9 =	simm.s32 $0x9;
	s13 =	simm.s32 $0x5;
	[dreg:$0x18] =	wrdreg s16  }
0x23: {  	s14 =	simm.s32 $0x6;
	[dreg:$0x19] =	wrdreg s17;
	s3 =	simm.s32 @!p0 $0x5CC00  }
0x24: {  	s0 =	sadd.s32 $0x34C00, s21;
	s17 =	simm.s32 $0x300;
	s10 =	simm.s32 $0x3  }
.Ltmp0:
0x25: {  	_ =	strace $0x8000004D;
	[dreg:$0x1a] =	wrdreg s2;
	(pc) =	sbr.rel .LBB2_1-.Ltmp0, $4  }
0x26: {  	s12 =	simm.s32 $0x4;
	s15 =	simm.s32 $0x7;
	[dreg:$0x1c] =	wrdreg s0  }
0x27: {  	s16 =	simm.s32 $0x8;
	s3 =	sadd.s32 s3, s21;
	[dreg:$0x1e] =	wrdreg s24  }
0x28: {  	s24 =	simm.s32 $0x700;
	s0 =	simm.s32 $0x380;
	[dreg:$0x1d] =	wrdreg s19  }
0x29: {  	s2 =	simm.s32 $0x780;
	[dreg:$0x1b] =	wrdreg s3;
	s3 =	simm.s32 $0x800  }
.LBB2_4:
0x2a: {  	_ =	swait.ge [sflag:s11], $0x4000  }
0x2b: {  	[sflag:s11] =	ssyncset.done $0x0  }
0x2c: {  	[sflag:s11] =	ssyncadd.s32 $0xFFFFC000  }
0x2d: {  	[spmem:s28] =	stream.indirect.scatter.add.f32 [tilespmem:s8], [sflag:$0xB], $0x80, s2, s7, $0xb8;
	[tilespmem:$0x1C800] =	vst v63  }
0x2e: {  	_ =	swait.ge [sflag:s5], $0x4000  }
0x2f: {  	[sflag:s5] =	ssyncset.done $0x0  }
0x30: {  	[sflag:s5] =	ssyncadd.s32 $0xFFFFC000  }
0x31: {  	[bflag:$0x0] =	sbarrier.arrive $0xFFFF  }
0x32: {  	s20 =	sld [smem:$0x7FD]  }
0x33: {  	s18 =	rddreg [dreg:$0x1b]  }
0x34: {  	s19 =	rddreg [dreg:$0x1d]  }
0x35: {  	[hbm:s18], [sflag:s19] =	dma.local [spmem:s20], $0x2800  }
0x36: {  	_ =	swait.ge [sflag:s5], $0x2800  }
0x37: {  	s22 =	rddreg [dreg:$0x1f]  }
0x38: {  	s23 =	rddreg [dreg:$0x1e];
	s20 =	sadd.s32 $0x1, s22  }
0x39: {  	p0 =	sne.s32 s20, s23  }
.Ltmp1:
0x3a: {  	_ = 	snop;
	(pc) =	sbr.rel @!p0 .LBB2_5-.Ltmp1, $3  }
0x3b: {  	_ =	sdelay $0x1  }
0x3c: {  	[sflag:s5] =	ssyncset.done $0x0  }
0x3d: {  	[sflag:s5] =	ssyncadd.s32 $0xFFFFD800  }
.LBB2_1:
0x3e: {  	[dreg:$0x1f] =	wrdreg s20  }
0x3f: {  	s18 =	rddreg [dreg:$0x1a]  }
0x40: {  	s22 =	rddreg [dreg:$0x1c];
	s21 =	sshrl.u32 s18, $0x3  }
0x41: {  	[smem:$0x7FD] =	sst s21  }
0x42: {  	[spmem:s21], [sflag:s19] =	dma.local [hbm:s22], $0x2800  }
0x43: {  	_ =	swait.ge [sflag:s5], $0x2800  }
0x44: {  	[sflag:s5] =	ssyncset.done $0x0  }
0x45: {  	[sflag:s5] =	ssyncadd.s32 $0xFFFFD800  }
0x46: {  	[bflag:$0x0] =	sbarrier.arrive $0xFFFF  }
0x47: {  	s23 =	rddreg [dreg:$0x4]  }
0x48: {  	[tilespmem:s1], [sflag:$0x1] =	stream.linear.gather [hbm4b:s23+s1], $0x80, $0x38;
	[tilespmem:$0x1C800] =	vst v63  }
0x49: {  	s20 =	simm.s32 $0x400;
	s19 =	rddreg [dreg:$0x5]  }
0x4a: {  	[tilespmem:s20], [sflag:$0x1] =	stream.linear.gather [hbm4b:s19+s1], $0x80, $0x38;
	[tilespmem:$0x1C800] =	vst v63  }
0x4b: {  	s21 =	rddreg [dreg:$0x6]  }
0x4c: {  	[tilespmem:s7], [sflag:$0x2] =	stream.linear.gather [hbm4b:s21+s1], $0x80, $0x38;
	[tilespmem:$0x1C800] =	vst v63  }
0x4d: {  	s22 =	rddreg [dreg:$0x7];
	s23 =	simm.s32 $0x480  }
0x4e: {  	[tilespmem:s23], [sflag:$0x2] =	stream.linear.gather [hbm4b:s22+s1], $0x80, $0x38;
	[tilespmem:$0x1C800] =	vst v63  }
0x4f: {  	s20 =	rddreg [dreg:$0x8];
	s21 =	simm.s32 $0x100  }
0x50: {  	[tilespmem:s21], [sflag:$0x3] =	stream.linear.gather [hbm4b:s20+s1], $0x80, $0x38;
	[tilespmem:$0x1C800] =	vst v63  }
0x51: {  	s22 =	rddreg [dreg:$0x9];
	s23 =	simm.s32 $0x500  }
0x52: {  	[tilespmem:s23], [sflag:$0x3] =	stream.linear.gather [hbm4b:s22+s1], $0x80, $0x38;
	[tilespmem:$0x1C800] =	vst v63  }
0x53: {  	s20 =	rddreg [dreg:$0xa];
	s21 =	simm.s32 $0x180  }
0x54: {  	[tilespmem:s21], [sflag:$0x4] =	stream.linear.gather [hbm4b:s20+s1], $0x80, $0x38;
	[tilespmem:$0x1C800] =	vst v63  }
0x55: {  	s22 =	rddreg [dreg:$0xb];
	s23 =	simm.s32 $0x580  }
0x56: {  	[tilespmem:s23], [sflag:$0x4] =	stream.linear.gather [hbm4b:s22+s1], $0x80, $0x38;
	[tilespmem:$0x1C800] =	vst v63  }
0x57: {  	s20 =	rddreg [dreg:$0xc];
	s21 =	simm.s32 $0x200  }
0x58: {  	[tilespmem:s21], [sflag:$0x5] =	stream.linear.gather [hbm4b:s20+s1], $0x80, $0x38;
	[tilespmem:$0x1C800] =	vst v63  }
0x59: {  	s22 =	rddreg [dreg:$0xd];
	s23 =	simm.s32 $0x600  }
0x5a: {  	[tilespmem:s23], [sflag:$0x5] =	stream.linear.gather [hbm4b:s22+s1], $0x80, $0x38;
	[tilespmem:$0x1C800] =	vst v63  }
0x5b: {  	s20 =	rddreg [dreg:$0xe];
	s21 =	simm.s32 $0x280  }
0x5c: {  	[tilespmem:s21], [sflag:$0x6] =	stream.linear.gather [hbm4b:s20+s1], $0x80, $0x38;
	[tilespmem:$0x1C800] =	vst v63  }
0x5d: {  	s22 =	rddreg [dreg:$0xf];
	s23 =	simm.s32 $0x680  }
0x5e: {  	[tilespmem:s23], [sflag:$0x6] =	stream.linear.gather [hbm4b:s22+s1], $0x80, $0x38;
	[tilespmem:$0x1C800] =	vst v63  }
0x5f: {  	s20 =	rddreg [dreg:$0x10]  }
0x60: {  	[tilespmem:s17], [sflag:$0x7] =	stream.linear.gather [hbm4b:s20+s1], $0x80, $0x38;
	[tilespmem:$0x1C800] =	vst v63  }
0x61: {  	s21 =	rddreg [dreg:$0x11]  }
0x62: {  	[tilespmem:s24], [sflag:$0x7] =	stream.linear.gather [hbm4b:s21+s1], $0x80, $0x38;
	[tilespmem:$0x1C800] =	vst v63  }
0x63: {  	s22 =	rddreg [dreg:$0x12]  }
0x64: {  	[tilespmem:s0], [sflag:$0x8] =	stream.linear.gather [hbm4b:s22+s1], $0x80, $0x38;
	[tilespmem:$0x1C800] =	vst v63  }
0x65: {  	s23 =	rddreg [dreg:$0x13]  }
0x66: {  	[tilespmem:s2], [sflag:$0x8] =	stream.linear.gather [hbm4b:s23+s1], $0x80, $0x38;
	[tilespmem:$0x1C800] =	vst v63  }
0x67: {  	_ =	swait.ge [sflag:s4], $0x80  }
0x68: {  	[sflag:s4] =	ssyncset.done $0x0  }
0x69: {  	[sflag:s4] =	ssyncadd.s32 $0xFFFFFF80  }
0x6a: {  	_ =	swait.ge [sflag:s4], $0x80  }
0x6b: {  	[sflag:s4] =	ssyncset.done $0x0  }
0x6c: {  	[sflag:s4] =	ssyncadd.s32 $0xFFFFFF80  }
0x6d: {  	[tilespmem:s3], [sflag:$0x9] =	stream.indirect.gather [hbm4b:s31+s7], $0x80, s1, s7, $0xb8;
	[tilespmem:$0x1C800] =	vst v63  }
0x6e: {  	_ =	swait.ge [sflag:s6], $0x80  }
0x6f: {  	[sflag:s6] =	ssyncset.done $0x0  }
0x70: {  	[sflag:s6] =	ssyncadd.s32 $0xFFFFFF80  }
0x71: {  	_ =	swait.ge [sflag:s6], $0x80  }
0x72: {  	[sflag:s6] =	ssyncset.done $0x0  }
0x73: {  	s18 =	simm.s32 $0x0;
	[sflag:s6] =	ssyncadd.s32 $0xFFFFFF80  }
0x74: {  	[tilespmem:s8], [sflag:$0xA] =	stream.indirect.gather [hbm4b:s31+s7], $0x80, s7, s7, $0xb8;
	[tilespmem:$0x1C800] =	vst v63  }
.LBB2_2:
0x75: {  	_ =	swait.ge [sflag:s9], $0x4000  }
0x76: {  	[sflag:s9] =	ssyncset.done $0x0  }
0x77: {  	s19 =	simm.s32 $0x400;
	[sflag:s9] =	ssyncadd.s32 $0xFFFFC000  }
0x78: {  	[spmem:s28] =	stream.indirect.scatter.add.f32 [tilespmem:s3], [sflag:$0xB], $0x80, s19, s7, $0xb8;
	[tilespmem:$0x1C800] =	vst v63  }
0x79: {  	_ =	swait.ge [sflag:s5], $0x4000  }
0x7a: {  	p0 =	seq.s32 s18, $0x480;
	[sflag:s5] =	ssyncset.done $0x0  }
0x7b: {  	s20 =	sadd.s32 @!p0 s18, s29;
	s19 =	simm.s32 @!p0 $0x0;
	[sflag:s5] =	ssyncadd.s32 $0xFFFFC000  }
0x7c: {  	[tilespmem:s19], [sflag:$0x1] =	stream.linear.gather @!p0 [hbm4b:s20+s19], $0x80, $0x38;
	[tilespmem:$0x1C800] =	vst v63  }
0x7d: {  	s21 =	simm.s32 @!p0 $0x400;
	s20 =	sadd.s32 @!p0 s18, s30  }
0x7e: {  	[tilespmem:s21], [sflag:$0x1] =	stream.linear.gather @!p0 [hbm4b:s20+s19], $0x80, $0x38;
	[tilespmem:$0x1C800] =	vst v63  }
0x7f: {  	_ =	swait.ge [sflag:s10], $0x80  }
0x80: {  	[sflag:s10] =	ssyncset.done $0x0  }
0x81: {  	[sflag:s10] =	ssyncadd.s32 $0xFFFFFF80  }
0x82: {  	_ =	swait.ge [sflag:s10], $0x80  }
0x83: {  	[sflag:s10] =	ssyncset.done $0x0  }
0x84: {  	s21 =	simm.s32 $0x100;
	[sflag:s10] =	ssyncadd.s32 $0xFFFFFF80  }
0x85: {  	[tilespmem:s3], [sflag:$0x9] =	stream.indirect.gather [hbm4b:s31+s7], $0x80, s21, s7, $0xb8;
	[tilespmem:$0x1C800] =	vst v63  }
0x86: {  	_ =	swait.ge [sflag:s11], $0x4000  }
0x87: {  	[sflag:s11] =	ssyncset.done $0x0  }
0x88: {  	s22 =	simm.s32 $0x480;
	[sflag:s11] =	ssyncadd.s32 $0xFFFFC000  }
0x89: {  	[spmem:s28] =	stream.indirect.scatter.add.f32 [tilespmem:s8], [sflag:$0xB], $0x80, s22, s7, $0xb8;
	[tilespmem:$0x1C800] =	vst v63  }
0x8a: {  	_ =	swait.ge [sflag:s5], $0x4000  }
0x8b: {  	s20 =	sadd.s32 @!p0 s18, s25;
	[sflag:s5] =	ssyncset.done $0x0  }
0x8c: {  	s21 =	sadd.s32 @!p0 $0x90, s20;
	s22 =	simm.s32 @!p0 $0x80;
	[sflag:s5] =	ssyncadd.s32 $0xFFFFC000  }
0x8d: {  	[tilespmem:s22], [sflag:$0x2] =	stream.linear.gather @!p0 [hbm4b:s21+s19], $0x80, $0x38;
	[tilespmem:$0x1C800] =	vst v63  }
0x8e: {  	s21 =	sadd.s32 @!p0 s18, s26  }
0x8f: {  	s23 =	simm.s32 @!p0 $0x480;
	s22 =	sadd.s32 @!p0 $0x90, s21  }
0x90: {  	[tilespmem:s23], [sflag:$0x2] =	stream.linear.gather @!p0 [hbm4b:s22+s19], $0x80, $0x38;
	[tilespmem:$0x1C800] =	vst v63  }
0x91: {  	_ =	swait.ge [sflag:s12], $0x80  }
0x92: {  	[sflag:s12] =	ssyncset.done $0x0  }
0x93: {  	[sflag:s12] =	ssyncadd.s32 $0xFFFFFF80  }
0x94: {  	_ =	swait.ge [sflag:s12], $0x80  }
0x95: {  	[sflag:s12] =	ssyncset.done $0x0  }
0x96: {  	s23 =	simm.s32 $0x180;
	[sflag:s12] =	ssyncadd.s32 $0xFFFFFF80  }
0x97: {  	[tilespmem:s8], [sflag:$0xA] =	stream.indirect.gather [hbm4b:s31+s7], $0x80, s23, s7, $0xb8;
	[tilespmem:$0x1C800] =	vst v63  }
0x98: {  	_ =	swait.ge [sflag:s9], $0x4000  }
0x99: {  	[sflag:s9] =	ssyncset.done $0x0  }
0x9a: {  	s23 =	simm.s32 $0x500;
	[sflag:s9] =	ssyncadd.s32 $0xFFFFC000  }
0x9b: {  	[spmem:s28] =	stream.indirect.scatter.add.f32 [tilespmem:s3], [sflag:$0xB], $0x80, s23, s7, $0xb8;
	[tilespmem:$0x1C800] =	vst v63  }
0x9c: {  	_ =	swait.ge [sflag:s5], $0x4000  }
0x9d: {  	[sflag:s5] =	ssyncset.done $0x0;
	s22 =	rddreg [dreg:$0x18]  }
0x9e: {  	s23 =	simm.s32 @!p0 $0x100;
	[sflag:s5] =	ssyncadd.s32 $0xFFFFC000;
	s22 =	sadd.s32 @!p0 s18, s22  }
0x9f: {  	[tilespmem:s23], [sflag:$0x3] =	stream.linear.gather @!p0 [hbm4b:s22+s19], $0x80, $0x38;
	[tilespmem:$0x1C800] =	vst v63  }
0xa0: {  	s22 =	rddreg [dreg:$0x19]  }
0xa1: {  	s23 =	simm.s32 @!p0 $0x500;
	s22 =	sadd.s32 @!p0 s18, s22  }
0xa2: {  	[tilespmem:s23], [sflag:$0x3] =	stream.linear.gather @!p0 [hbm4b:s22+s19], $0x80, $0x38;
	[tilespmem:$0x1C800] =	vst v63  }
0xa3: {  	_ =	swait.ge [sflag:s13], $0x80  }
0xa4: {  	[sflag:s13] =	ssyncset.done $0x0  }
0xa5: {  	[sflag:s13] =	ssyncadd.s32 $0xFFFFFF80  }
0xa6: {  	_ =	swait.ge [sflag:s13], $0x80  }
0xa7: {  	[sflag:s13] =	ssyncset.done $0x0  }
0xa8: {  	s23 =	simm.s32 $0x200;
	[sflag:s13] =	ssyncadd.s32 $0xFFFFFF80  }
0xa9: {  	[tilespmem:s3], [sflag:$0x9] =	stream.indirect.gather [hbm4b:s31+s7], $0x80, s23, s7, $0xb8;
	[tilespmem:$0x1C800] =	vst v63  }
0xaa: {  	_ =	swait.ge [sflag:s11], $0x4000  }
0xab: {  	[sflag:s11] =	ssyncset.done $0x0  }
0xac: {  	s23 =	simm.s32 $0x580;
	[sflag:s11] =	ssyncadd.s32 $0xFFFFC000  }
0xad: {  	[spmem:s28] =	stream.indirect.scatter.add.f32 [tilespmem:s8], [sflag:$0xB], $0x80, s23, s7, $0xb8;
	[tilespmem:$0x1C800] =	vst v63  }
0xae: {  	_ =	swait.ge [sflag:s5], $0x4000  }
0xaf: {  	[sflag:s5] =	ssyncset.done $0x0  }
0xb0: {  	s22 =	sadd.s32 @!p0 $0xB0, s20;
	s23 =	simm.s32 @!p0 $0x180;
	[sflag:s5] =	ssyncadd.s32 $0xFFFFC000  }
0xb1: {  	[tilespmem:s23], [sflag:$0x4] =	stream.linear.gather @!p0 [hbm4b:s22+s19], $0x80, $0x38;
	[tilespmem:$0x1C800] =	vst v63  }
0xb2: {  	s22 =	sadd.s32 @!p0 $0xB0, s21;
	s23 =	simm.s32 @!p0 $0x580  }
0xb3: {  	[tilespmem:s23], [sflag:$0x4] =	stream.linear.gather @!p0 [hbm4b:s22+s19], $0x80, $0x38;
	[tilespmem:$0x1C800] =	vst v63  }
0xb4: {  	_ =	swait.ge [sflag:s14], $0x80  }
0xb5: {  	[sflag:s14] =	ssyncset.done $0x0  }
0xb6: {  	[sflag:s14] =	ssyncadd.s32 $0xFFFFFF80  }
0xb7: {  	_ =	swait.ge [sflag:s14], $0x80  }
0xb8: {  	[sflag:s14] =	ssyncset.done $0x0  }
0xb9: {  	s23 =	simm.s32 $0x280;
	[sflag:s14] =	ssyncadd.s32 $0xFFFFFF80  }
0xba: {  	[tilespmem:s8], [sflag:$0xA] =	stream.indirect.gather [hbm4b:s31+s7], $0x80, s23, s7, $0xb8;
	[tilespmem:$0x1C800] =	vst v63  }
0xbb: {  	_ =	swait.ge [sflag:s9], $0x4000  }
0xbc: {  	[sflag:s9] =	ssyncset.done $0x0  }
0xbd: {  	s23 =	simm.s32 $0x600;
	[sflag:s9] =	ssyncadd.s32 $0xFFFFC000  }
0xbe: {  	[spmem:s28] =	stream.indirect.scatter.add.f32 [tilespmem:s3], [sflag:$0xB], $0x80, s23, s7, $0xb8;
	[tilespmem:$0x1C800] =	vst v63  }
0xbf: {  	_ =	swait.ge [sflag:s5], $0x4000  }
0xc0: {  	[sflag:s5] =	ssyncset.done $0x0;
	s22 =	rddreg [dreg:$0x16]  }
0xc1: {  	s23 =	simm.s32 @!p0 $0x200;
	[sflag:s5] =	ssyncadd.s32 $0xFFFFC000;
	s22 =	sadd.s32 @!p0 s18, s22  }
0xc2: {  	[tilespmem:s23], [sflag:$0x5] =	stream.linear.gather @!p0 [hbm4b:s22+s19], $0x80, $0x38;
	[tilespmem:$0x1C800] =	vst v63  }
0xc3: {  	s22 =	rddreg [dreg:$0x17]  }
0xc4: {  	s23 =	simm.s32 @!p0 $0x600;
	s22 =	sadd.s32 @!p0 s18, s22  }
0xc5: {  	[tilespmem:s23], [sflag:$0x5] =	stream.linear.gather @!p0 [hbm4b:s22+s19], $0x80, $0x38;
	[tilespmem:$0x1C800] =	vst v63  }
0xc6: {  	_ =	swait.ge [sflag:s15], $0x80  }
0xc7: {  	[sflag:s15] =	ssyncset.done $0x0  }
0xc8: {  	[sflag:s15] =	ssyncadd.s32 $0xFFFFFF80  }
0xc9: {  	_ =	swait.ge [sflag:s15], $0x80  }
0xca: {  	[sflag:s15] =	ssyncset.done $0x0  }
0xcb: {  	[sflag:s15] =	ssyncadd.s32 $0xFFFFFF80  }
0xcc: {  	[tilespmem:s3], [sflag:$0x9] =	stream.indirect.gather [hbm4b:s31+s7], $0x80, s17, s7, $0xb8;
	[tilespmem:$0x1C800] =	vst v63  }
0xcd: {  	_ =	swait.ge [sflag:s11], $0x4000  }
0xce: {  	[sflag:s11] =	ssyncset.done $0x0  }
0xcf: {  	s23 =	simm.s32 $0x680;
	[sflag:s11] =	ssyncadd.s32 $0xFFFFC000  }
0xd0: {  	[spmem:s28] =	stream.indirect.scatter.add.f32 [tilespmem:s8], [sflag:$0xB], $0x80, s23, s7, $0xb8;
	[tilespmem:$0x1C800] =	vst v63  }
0xd1: {  	_ =	swait.ge [sflag:s5], $0x4000  }
0xd2: {  	[sflag:s5] =	ssyncset.done $0x0  }
0xd3: {  	s20 =	sadd.s32 @!p0 $0xD0, s20;
	s22 =	simm.s32 @!p0 $0x280;
	[sflag:s5] =	ssyncadd.s32 $0xFFFFC000  }
0xd4: {  	[tilespmem:s22], [sflag:$0x6] =	stream.linear.gather @!p0 [hbm4b:s20+s19], $0x80, $0x38;
	[tilespmem:$0x1C800] =	vst v63  }
0xd5: {  	s20 =	sadd.s32 @!p0 $0xD0, s21;
	s21 =	simm.s32 @!p0 $0x680  }
0xd6: {  	[tilespmem:s21], [sflag:$0x6] =	stream.linear.gather @!p0 [hbm4b:s20+s19], $0x80, $0x38;
	[tilespmem:$0x1C800] =	vst v63  }
0xd7: {  	_ =	swait.ge [sflag:s16], $0x80  }
0xd8: {  	[sflag:s16] =	ssyncset.done $0x0  }
0xd9: {  	[sflag:s16] =	ssyncadd.s32 $0xFFFFFF80  }
0xda: {  	_ =	swait.ge [sflag:s16], $0x80  }
0xdb: {  	[sflag:s16] =	ssyncset.done $0x0  }
0xdc: {  	[sflag:s16] =	ssyncadd.s32 $0xFFFFFF80  }
0xdd: {  	[tilespmem:s8], [sflag:$0xA] =	stream.indirect.gather [hbm4b:s31+s7], $0x80, s0, s7, $0xb8;
	[tilespmem:$0x1C800] =	vst v63  }
0xde: {  	_ =	swait.ge [sflag:s9], $0x4000  }
0xdf: {  	[sflag:s9] =	ssyncset.done $0x0  }
.Ltmp2:
0xe0: {  	[sflag:s9] =	ssyncadd.s32 $0xFFFFC000;
	(pc) =	sbr.rel @p0 .LBB2_4-.Ltmp2, $4  }
0xe1: {  	[spmem:s28] =	stream.indirect.scatter.add.f32 [tilespmem:s3], [sflag:$0xB], $0x80, s24, s7, $0xb8;
	[tilespmem:$0x1C800] =	vst v63  }
0xe2: {  	_ =	swait.ge [sflag:s5], $0x4000  }
0xe3: {  	[sflag:s5] =	ssyncset.done $0x0  }
0xe4: {  	[sflag:s5] =	ssyncadd.s32 $0xFFFFC000  }
0xe5: {  	s19 =	rddreg [dreg:$0x14]  }
0xe6: {  	s21 =	rddreg [dreg:$0x15];
	s19 =	sadd.s32 s18, s19  }
0xe7: {  	[tilespmem:s17], [sflag:$0x7] =	stream.linear.gather [hbm4b:s19+s1], $0x80, $0x38;
	[tilespmem:$0x1C800] =	vst v63  }
0xe8: {  	s19 =	sadd.s32 s18, s21  }
0xe9: {  	[tilespmem:s24], [sflag:$0x7] =	stream.linear.gather [hbm4b:s19+s1], $0x80, $0x38;
	[tilespmem:$0x1C800] =	vst v63  }
0xea: {  	_ =	swait.ge [sflag:s4], $0x80  }
0xeb: {  	[sflag:s4] =	ssyncset.done $0x0  }
0xec: {  	[sflag:s4] =	ssyncadd.s32 $0xFFFFFF80  }
0xed: {  	_ =	swait.ge [sflag:s4], $0x80  }
0xee: {  	[sflag:s4] =	ssyncset.done $0x0  }
0xef: {  	[sflag:s4] =	ssyncadd.s32 $0xFFFFFF80  }
0xf0: {  	[tilespmem:s3], [sflag:$0x9] =	stream.indirect.gather [hbm4b:s31+s7], $0x80, s1, s7, $0xb8;
	[tilespmem:$0x1C800] =	vst v63  }
0xf1: {  	_ =	swait.ge [sflag:s11], $0x4000  }
0xf2: {  	[sflag:s11] =	ssyncset.done $0x0  }
0xf3: {  	[sflag:s11] =	ssyncadd.s32 $0xFFFFC000  }
0xf4: {  	[spmem:s28] =	stream.indirect.scatter.add.f32 [tilespmem:s8], [sflag:$0xB], $0x80, s2, s7, $0xb8;
	[tilespmem:$0x1C800] =	vst v63  }
0xf5: {  	_ =	swait.ge [sflag:s5], $0x4000  }
0xf6: {  	s22 =	sadd.s32 s18, s25;
	[sflag:s5] =	ssyncset.done $0x0  }
0xf7: {  	s23 =	sadd.s32 s18, s26;
	s19 =	sadd.s32 $0xF0, s22;
	[sflag:s5] =	ssyncadd.s32 $0xFFFFC000  }
0xf8: {  	[tilespmem:s0], [sflag:$0x8] =	stream.linear.gather [hbm4b:s19+s1], $0x80, $0x38;
	[tilespmem:$0x1C800] =	vst v63  }
0xf9: {  	s19 =	sadd.s32 $0xF0, s23  }
0xfa: {  	[tilespmem:s2], [sflag:$0x8] =	stream.linear.gather [hbm4b:s19+s1], $0x80, $0x38;
	[tilespmem:$0x1C800] =	vst v63  }
0xfb: {  	_ =	swait.ge [sflag:s6], $0x80  }
0xfc: {  	[sflag:s6] =	ssyncset.done $0x0  }
.Ltmp3:
0xfd: {  	[sflag:s6] =	ssyncadd.s32 $0xFFFFFF80;
	(pc) =	sbr.rel .LBB2_2-.Ltmp3, $4  }
0xfe: {  	_ =	swait.ge [sflag:s6], $0x80  }
0xff: {  	[sflag:s6] =	ssyncset.done $0x0  }
0x100: {  	s18 =	sadd.s32 $0x80, s18;
	[sflag:s6] =	ssyncadd.s32 $0xFFFFFF80  }
0x101: {  	[tilespmem:s8], [sflag:$0xA] =	stream.indirect.gather [hbm4b:s31+s7], $0x80, s7, s7, $0xb8;
	[tilespmem:$0x1C800] =	vst v63  }
.LBB2_5:
0x102: {  	_ =	sfence.sel $0x180000  }
0x103: {  	[bflag:$0x0] =	sbarrier.arrive $0xFFFF  }
0x104: {  	_ =	strace $0x9000004D  }
0x105: {  	s0 =	stileid.u32;
	[bflag:$0x2] =	sbarrier.arrive $0xFFFF  }
0x106: {  	p0 =	sne.s32 s0, $0x0;
	s0 =	rddreg [dreg:$0x3]  }
0x107: {  	s0 =	sadd.s32 @!p0 $0x100000, s0  }
0x108: {  	[sflag:s0] =	ssyncadd.tile.s32 @!p0 $0x1;
	_ =	shalt  }
.Lfunc_end2:
_tile_overlayer_lowered:
.L_overlay_start_2:
0x109: {  	(tag) =	ssettag $0x2  }
0x10a: {  	s0 =	rddreg [dreg:$0x0];
	s2 =	stileid.u32  }
0x10b: {  	s1 =	rddreg [dreg:$0x1];
	p0 =	sne.s32 s2, $0x0  }
0x10c: {  	s3 =	rddreg [dreg:$0x2];
	[bflag:$0x3] =	sbarrier.arrive $0xFFFF;
	s2 =	simm.s32 @!p0 $0x1C0B  }
0x10d: {  	[timem:s3], [sflag:s2] =	dma.local @!p0 [hbm:s0], s1  }
0x10e: {  	s0 =	simm.s32 @!p0 $0xB  }
0x10f: {  	_ =	swait.ge @!p0 [sflag:s0], s1  }
0x110: {  	s1 =	ssub.s32 @!p0 $0x0, s1;
	[sflag:s0] =	ssyncset.done @!p0 $0x0  }
0x111: {  	[sflag:s0] =	ssyncadd.s32 @!p0 s1  }
0x112: {  	[bflag:$0x3] =	sbarrier.arrive $0xFFFF  }
0x113: {  	_ =	shalt  }

// kernel: kernel.8.cloned.1.call-start
scs
__scs_entry_jumppad:
0x0: {  	(pc) =	sbr.rel $0x88, $3  }
0x1: {  	(tag) =	ssettag $0x0;
	lr =	simm.s32 $0x1  }
0x2: {  	[smem:$0x3F9D] =	sst lr;
	_ =	strace $0xD0000000  }
0x3: {  	_ = 	snop  }
0x4: {  	_ = 	snop  }
0x5: {  	_ = 	snop  }
0x6: {  	_ = 	snop  }
0x7: {  	_ = 	snop  }
__scs_overlays_trampoline_lowered:
0x8: {  	[smem:$0x3FAC] =	sst s0  }
0x9: {  	[smem:$0x3FAD] =	sst s1  }
0xa: {  	[smem:$0x3FAE] =	sst s2  }
0xb: {  	[smem:$0x3FAF] =	sst s3  }
0xc: {  	[smem:$0x3FB0] =	sst s4  }
0xd: {  	[smem:$0x3FB1] =	sst s5  }
0xe: {  	[smem:$0x3FB2] =	sst s6  }
0xf: {  	[smem:$0x3FB3] =	sst s7  }
0x10: {  	[smem:$0x3FB4] =	sst s8  }
0x11: {  	[smem:$0x3FB5] =	sst s9;
	s0 =	simm.s32 @!p0 $0x0  }
0x12: {  	s1 =	sld [smem:$0x3F9B];
	s0 =	simm.s32 @p0 $0x1  }
0x13: {  	[smem:$0x3FB6] =	sst s0;
	s0 =	simm.s32 @!p1 $0x0  }
0x14: {  	s2 =	sld [smem:$0x3F9A];
	s0 =	simm.s32 @p1 $0x1  }
0x15: {  	[smem:$0x3FB7] =	sst s0;
	s0 =	simm.s32 @!p2 $0x0  }
0x16: {  	s3 =	sld [smem:$0x3FDB];
	s0 =	simm.s32 @p2 $0x1  }
0x17: {  	s4 =	simm.s32 $0x1BF5;
	[smem:$0x3FB9] =	sst s0  }
0x18: {  	s0 =	sld [smem:$0x3F9C];
	_ =	swait.ge [sflag:s4], $0x0  }
0x19: {  	s7 =	sld [smem:$0x3F9D]  }
0x1a: {  	s8 =	sadd.s32 $0xFFFFE003, lr  }
0x1b: {  	s9 =	sadd.s32 $0xFFFFFEF7, lr;
	s5 =	simm.s32 $0xFFFFFFFF;
	p2 =	slt.u32 s8, $0xFFFFF086  }
0x1c: {  	p1 =	slt.u32 s9, $0xF7A;
	s5 =	simm.s32 @!p2 $0x0  }
0x1d: {  	s5 =	simm.s32 @p1 $0x1;
	p0 =	seq.s32 s7, s2  }
0x1e: {  	s7 =	smul.u32 @!p0 $0xF7A, s2;
	p2 =	seq.s32 @!p0 s5, $0x0  }
0x1f: {  	s9 =	smul.u32 $0xF7A, s1;
	s8 =	simm.s32 @!p0 $0x1BF5;
	p2 =	por !p2, p0  }
0x20: {  	[sflag:s8] =	ssyncset.s32 @!p0 $0xFFFFF086;
	s6 =	sadd.s32 @!p0 s3, s7;
	s7 =	simm.s32 @!p0 $0x108  }
0x21: {  	s3 =	sadd.s32 s3, s9;
	s6 =	sadd.s32 @!p0 $0x88, s6;
	s7 =	simm.s32 @p2 $0x1082  }
0x22: {  	[simem:s7], [sflag:s8] =	dma.local @!p0 [hbm:s6], $0xF7A  }
0x23: {  	s9 =	sor.u32 $0xD0000000, s2;
	s6 =	simm.s32 $0x108;
	_ =	swait.ge @!p0 [sflag:s8], $0x0  }
0x24: {  	s3 =	sadd.s32 $0x88, s3;
	s6 =	simm.s32 @!p1 $0x1082;
	[sflag:s4] =	ssyncset.s32 $0xFFFFF086  }
0x25: {  	[simem:s6], [sflag:s4] =	dma.local [hbm:s3], $0xF7A  }
0x26: {  	[smem:$0x3F9D] =	sst s1;
	(tag) =	ssettag s2;
	_ =	strace s9  }
0x27: {  	s1 =	sld [smem:$0x3FAD]  }
0x28: {  	s2 =	sld [smem:$0x3FAE]  }
0x29: {  	s4 =	sld [smem:$0x3FB0]  }
0x2a: {  	p0 =	seq.s32 s5, $0x0;
	s5 =	sld [smem:$0x3FB1]  }
0x2b: {  	s6 =	sld [smem:$0x3FB2]  }
0x2c: {  	s7 =	sld [smem:$0x3FB3]  }
0x2d: {  	s3 =	simm.s32 $0x108;
	s8 =	sld [smem:$0x3FB4]  }
0x2e: {  	s3 =	simm.s32 @!p0 $0x1082;
	s9 =	sld [smem:$0x3FB5]  }
0x2f: {  	lr =	sadd.s32 s0, s3;
	s0 =	sld [smem:$0x3FAC]  }
0x30: {  	s3 =	sld [smem:$0x3FAF]  }
0x31: {  	[smem:$0x3FB8] =	sst s10  }
0x32: {  	s10 =	sld [smem:$0x3FB6];
	_ =	sdelay $0x3  }
0x33: {  	p0 =	seq.s32 s10, $0x1;
	s10 =	sld [smem:$0x3FB8];
	_ =	sdelay $0x3  }
0x34: {  	[smem:$0x3FB8] =	sst s10  }
0x35: {  	s10 =	sld [smem:$0x3FB7];
	_ =	sdelay $0x3  }
0x36: {  	p1 =	seq.s32 s10, $0x1;
	s10 =	sld [smem:$0x3FB8];
	_ =	sdelay $0x3  }
0x37: {  	[smem:$0x3FB8] =	sst s10  }
0x38: {  	s10 =	sld [smem:$0x3FB9]  }
0x39: {  	_ = 	snop;
	(pc) =	sbr.ind lr, $3  }
0x3a: {  	_ = 	snop  }
0x3b: {  	_ = 	snop  }
0x3c: {  	p2 =	seq.s32 s10, $0x1;
	s10 =	sld [smem:$0x3FB8]  }
0x3d: {  	_ =	shalt  }
0x3e: {  	_ =	shalt  }
0x3f: {  	_ =	shalt  }
0x40: {  	_ =	shalt  }
0x41: {  	_ =	shalt  }
0x42: {  	_ =	shalt  }
0x43: {  	_ =	shalt  }
0x44: {  	_ =	shalt  }
0x45: {  	_ =	shalt  }
0x46: {  	_ =	shalt  }
0x47: {  	_ =	shalt  }
0x48: {  	_ =	shalt  }
0x49: {  	_ =	shalt  }
0x4a: {  	_ =	shalt  }
0x4b: {  	_ =	shalt  }
0x4c: {  	_ =	shalt  }
0x4d: {  	_ =	shalt  }
0x4e: {  	_ =	shalt  }
0x4f: {  	_ =	shalt  }
0x50: {  	_ =	shalt  }
0x51: {  	_ =	shalt  }
0x52: {  	_ =	shalt  }
0x53: {  	_ =	shalt  }
0x54: {  	_ =	shalt  }
0x55: {  	_ =	shalt  }
0x56: {  	_ =	shalt  }
0x57: {  	_ =	shalt  }
0x58: {  	_ =	shalt  }
0x59: {  	_ =	shalt  }
0x5a: {  	_ =	shalt  }
0x5b: {  	_ =	shalt  }
0x5c: {  	_ =	shalt  }
0x5d: {  	_ =	shalt  }
0x5e: {  	_ =	shalt  }
0x5f: {  	_ =	shalt  }
0x60: {  	_ =	shalt  }
0x61: {  	_ =	shalt  }
0x62: {  	_ =	shalt  }
0x63: {  	_ =	shalt  }
0x64: {  	_ =	shalt  }
0x65: {  	_ =	shalt  }
0x66: {  	_ =	shalt  }
0x67: {  	_ =	shalt  }
0x68: {  	_ =	shalt  }
0x69: {  	_ =	shalt  }
0x6a: {  	_ =	shalt  }
0x6b: {  	_ =	shalt  }
0x6c: {  	_ =	shalt  }
0x6d: {  	_ =	shalt  }
0x6e: {  	_ =	shalt  }
0x6f: {  	_ =	shalt  }
0x70: {  	_ =	shalt  }
0x71: {  	_ =	shalt  }
0x72: {  	_ =	shalt  }
0x73: {  	_ =	shalt  }
0x74: {  	_ =	shalt  }
0x75: {  	_ =	shalt  }
0x76: {  	_ =	shalt  }
0x77: {  	_ =	shalt  }
0x78: {  	_ =	shalt  }
0x79: {  	_ =	shalt  }
0x7a: {  	_ =	shalt  }
0x7b: {  	_ =	shalt  }
0x7c: {  	_ =	shalt  }
0x7d: {  	_ =	shalt  }
0x7e: {  	_ =	shalt  }
0x7f: {  	_ =	shalt  }
0x80: {  	_ =	shalt  }
0x81: {  	_ =	shalt  }
0x82: {  	_ =	shalt  }
0x83: {  	_ =	shalt  }
0x84: {  	_ =	shalt  }
0x85: {  	_ =	shalt  }
0x86: {  	_ =	shalt  }
0x87: {  	_ =	shalt  }
.Lfunc_end0:
.L_simem_size_0:
called_computation_lowered:
.L_overlay_start_0:
0x88: {  	s2 =	sld [smem:$0x3FD9]  }
0x89: {  	s3 =	sld [smem:$0x3FFE];
	_ =	sdelay $0x1  }
0x8a: {  	s1 =	srdreg.scid  }
0x8b: {  	s0 =	sand.u32 $0x1, s1  }
0x8c: {  	s16 =	sshll.u32 s0, $0xA;
	s2 =	sadd.s32 s3, s2  }
0x8d: {  	s2 =	sadd.s32 s2, s16  }
0x8e: {  	[smem:$0x3FC4] =	sst s2  }
0x8f: {  	_ = 	snop  }
0x90: {  	(tm) =	ssettm $0x1  }
0x91: {  	s17 =	sld [smem:$0x3FFB];
	_ =	sdelay $0x3  }
0x92: {  	_ =	strace s17  }
0x93: {  	s2 =	sld [smem:$0x3FFC];
	_ =	sdelay $0x3  }
0x94: {  	_ =	strace s2  }
0x95: {  	s2 =	sld [smem:$0x3FFD];
	_ =	sdelay $0x3  }
0x96: {  	_ =	strace s2  }
0x97: {  	_ =	strace $0x8FFFFFFF  }
0x98: {  	s18 =	sld [smem:$0x3FDB];
	_ =	sdelay $0x1  }
0x99: {  	s19 =	simm.s32 $_scs_section_size  }
0x9a: {  	s4 =	simm.s32 $_size__tile_overlayer_lowered;
	s5 =	simm.s32 $_tile_overlayer_lowered  }
0x9b: {  	s22 =	simm.s32 $0x1BFF;
	s21 =	sshll.u32 s5, $0x1;
	s2 =	sadd.s32 s19, s18  }
0x9c: {  	s6 =	simm.s32 $0x0;
	s20 =	sshll.u32 s4, $0x1;
	s4 =	sadd.s32 s21, s2  }
0x9d: {  	[timem:s6], [sflag:s22] =	dma.local [hbm:s4], s20  }
0x9e: {  	_ =	swait.ge [sflag:s22], s20  }
0x9f: {  	s3 =	ssub.s32 $0x0, s20;
	[sflag:s22] =	ssyncset.done $0x0  }
0xa0: {  	[sflag:s22] =	ssyncadd.s32 s3;
	_ =	sdelay $0x1  }
0xa1: {  	s23 =	simm.s32 $0x1B8B  }
0xa2: {  	_ =	swait.ge [sflag:s23], $0x1  }
0xa3: {  	[sflag:s23] =	ssyncset.done $0x0  }
0xa4: {  	s25 =	simm.s32 $0x1B8E;
	s24 =	sld [smem:$0x3FFE];
	[sflag:s23] =	ssyncadd.s32 $0xFFFFFFFF  }
0xa5: {  	s26 =	simm.s32 $execute0_lowered;
	[smem:$0x3FD2] =	sst s25  }
0xa6: {  	s4 =	sshll.u32 s26, $0x1;
	_ =	strace $0x80000046;
	[dreg:$0x1] =	wrdreg $0xFFFFFFFF  }
0xa7: {  	s28 =	simm.s32 $_size_execute0_lowered;
	s2 =	sadd.s32 s2, s4;
	[dreg:$0x0] =	wrdreg $0x0  }
0xa8: {  	s4 =	sshll.u32 s28, $0x1;
	[dreg:$0x2] =	wrdreg s2  }
0xa9: {  	[dreg:$0x3] =	wrdreg s4  }
0xaa: {  	[dreg:$0x4] =	wrdreg $0xC0  }
0xab: {  	_ =	task [dreg:s6], $0x5FFFF  }
0xac: {  	[dreg:$0x1] =	wrdreg $0xFFFFFFFF  }
0xad: {  	[dreg:$0x0] =	wrdreg $0x60  }
0xae: {  	[dreg:$0x2] =	wrdreg s24  }
0xaf: {  	[dreg:$0x3] =	wrdreg $0x1800  }
0xb0: {  	[dreg:$0x4] =	wrdreg $0x9  }
0xb1: {  	_ =	task.clear_ibuf [dreg:s6], $0x5FFFF;
	_ =	strace $0x90000046  }
0xb2: {  	s29 =	simm.s32 $0x9;
	_ =	strace $0x80000048  }
0xb3: {  	_ =	swait.ge [sflag:s29], $0x1  }
0xb4: {  	[sflag:s29] =	ssyncadd.s32 $0xFFFFFFFF  }
0xb5: {  	_ =	strace $0x90000048  }
0xb6: {  	_ =	sfence  }
0xb7: {  	s30 =	sld [smem:$0x0];
	_ =	sdelay $0x2  }
0xb8: {  	s31 =	sshll.u32 s1, $0xD;
	s1 =	sshrl.u32 s1, $0x2  }
0xb9: {  	s3 =	sand.u32 $0x4000, s31;
	s1 =	sadd.s32 s1, s30  }
0xba: {  	s0 =	sor.u32 s3, s0;
	s1 =	sshll.u32 s1, $0x11  }
0xbb: {  	s0 =	sor.u32 s1, s0  }
0xbc: {  	s0 =	sadd.s32 $0x8F2B, s0  }
0xbd: {  	[sflag:s0] =	ssyncadd.remote.s32 $0x1  }
0xbe: {  	_ =	sfence.sel $0xFFFF  }
0xbf: {  	[dreg:$0x0] =	wrdreg $0xFFFFFFFF;
	(pc) =	sbr.abs _section_cstart, $3  }
0xc0: {  	[dreg:$0x1] =	wrdreg $0xFFFFFFFF  }
0xc1: {  	_ =	task.clear_ibuf [dreg:s6], $0x2FFFF;
	_ =	strace $0x9FFFFFFF  }
0xc2: {  	(tm) =	ssettm $0x7FFFFFFF  }
0xc3: {  	_ =	shalt  }
tec
execute0_lowered:
.L_overlay_start_1:
0x0: {  	(tag) =	ssettag $0x1  }
0x1: {  	s5 =	rddreg [dreg:$0x0]  }
0x2: {  	s1 =	rddreg [dreg:$0x1]  }
0x3: {  	s0 =	rddreg [dreg:$0x2]  }
0x4: {  	s3 =	simm.s32 $0x0;
	s4 =	srdreg.scid;
	s2 =	stileid.u32  }
0x5: {  	s15 =	simm.s32 $0xD400;
	s16 =	simm.s32 $0x80;
	s17 =	simm.s32 $0x1  }
0x6: {  	s18 =	simm.s32 $0x2;
	s19 =	simm.s32 $0x0;
	[smem:$0x7FF] =	sst s3  }
0x7: {  	s8 =	sand.u32 $0x1, s4;
	s11 =	sadd.s32 $0x2C00, s5;
	s6 =	smul.u32 $0x280, s2  }
0x8: {  	s4 =	sadd.s32 $0xCC00, s5;
	s31 =	sshll.u32 s2, $0x6;
	s14 =	smul.u32 $0x50, s2  }
0x9: {  	_ =	strace $0x80000047;
	s7 =	sshll.u32 s8, $0x4;
	s9 =	ssub.s32 $0x2, s8  }
0xa: {  	s30 =	smul.u32 $0x500, s8;
	p0 =	seq.s32 s8, $0x1;
	s7 =	sor.u32 s2, s7  }
0xb: {  	s10 =	sshrl.u32 s6, $0x3;
	s12 =	sshrl.u32 s9, $0x1;
	s13 =	sadd.s32 s6, s1  }
0xc: {  	s6 =	sor.u32 $0x1C03, s31;
	s15 =	simm.s32 @!p0 $0xDA00;
	s7 =	smul.u32 $0x500, s7  }
0xd: {  	s10 =	sadd.s32 s10, s5;
	s9 =	ssub.s32 s9, s12;
	s12 =	sadd.s32 s14, s30  }
0xe: {  	s13 =	sshrl.u32 s13, $0x3;
	s14 =	simm.s32 $0x3;
	s5 =	sadd.s32 $0xCE00, s10  }
0xf: {  	s12 =	sshll.u32 s12, $0x4;
	s9 =	smax.u32 s9, $0x1;
	s10 =	sadd.s32 s15, s10  }
0x10: {  	s15 =	simm.s32 $0x100;
	s7 =	sadd.s32 s11, s7;
	s12 =	sadd.s32 s12, s11  }
0x11: {  	s8 =	sadd.s32 $0x10, s7;
	s11 =	sadd.s32 $0x30, s12;
	s12 =	sadd.s32 $0x20, s12  }
.LBB2_1:
0x12: {  	[spmem:s13], [sflag:s6] =	dma.local [hbm:s5], $0x50  }
0x13: {  	_ =	swait.ge [sflag:s14], $0x50  }
0x14: {  	[sflag:s14] =	ssyncset.done $0x0  }
0x15: {  	[sflag:s14] =	ssyncadd.s32 $0xFFFFFFB0  }
0x16: {  	[tilespmem:s15], [sflag:$0x3] =	stream.linear.gather [hbm4b:s4+s3], $0x80, $0x38;
	[tilespmem:$0x400] =	vst v63  }
0x17: {  	_ =	swait.ge [sflag:s14], $0x80  }
0x18: {  	[sflag:s14] =	ssyncset.done $0x0  }
0x19: {  	[sflag:s14] =	ssyncadd.s32 $0xFFFFFF80  }
0x1a: {  	[bflag:$0x0] =	sbarrier.arrive $0xFFFF  }
0x1b: {  	[tilespmem:s3], [sflag:$0x1] =	stream.linear.gather [hbm4b:s7+s3], $0x80, $0x38;
	[tilespmem:$0x400] =	vst v63  }
0x1c: {  	_ = 	snop  }
0x1d: {  	[tilespmem:s16], [sflag:$0x2] =	stream.linear.gather [hbm4b:s8+s3], $0x80, $0x38;
	[tilespmem:$0x400] =	vst v63  }
0x1e: {  	_ =	swait.ge [sflag:s17], $0x80  }
0x1f: {  	[sflag:s17] =	ssyncset.done $0x0  }
0x20: {  	[sflag:s17] =	ssyncadd.s32 $0xFFFFFF80  }
0x21: {  	[spmem:s1] =	stream.indirect.scatter.add.f32 [tilespmem:s15], [sflag:$0x3], $0x1, s3, s16, $0xb8;
	[tilespmem:$0x400] =	vst v63  }
0x22: {  	_ =	swait.ge [sflag:s14], $0x80  }
0x23: {  	[sflag:s14] =	ssyncset.done $0x0  }
0x24: {  	s20 =	sadd.s32 $0x0, s12;
	[sflag:s14] =	ssyncadd.s32 $0xFFFFFF80  }
0x25: {  	[tilespmem:s3], [sflag:$0x1] =	stream.linear.gather [hbm4b:s20+s3], $0x80, $0x38;
	[tilespmem:$0x400] =	vst v63  }
0x26: {  	_ =	swait.ge [sflag:s18], $0x80  }
0x27: {  	[sflag:s18] =	ssyncset.done $0x0  }
0x28: {  	[sflag:s18] =	ssyncadd.s32 $0xFFFFFF80  }
0x29: {  	[spmem:s1] =	stream.indirect.scatter.add.f32 [tilespmem:s15], [sflag:$0x3], $0x1, s16, s16, $0xb8;
	[tilespmem:$0x400] =	vst v63  }
0x2a: {  	_ =	swait.ge [sflag:s14], $0x80  }
0x2b: {  	[sflag:s14] =	ssyncset.done $0x0  }
0x2c: {  	s21 =	sadd.s32 $0x0, s11;
	s20 =	simm.s32 $0x20;
	[sflag:s14] =	ssyncadd.s32 $0xFFFFFF80  }
.LBB2_2:
0x2d: {  	[tilespmem:s16], [sflag:$0x2] =	stream.linear.gather [hbm4b:s21+s3], $0x80, $0x38;
	[tilespmem:$0x400] =	vst v63  }
0x2e: {  	s21 =	smov.u32 s20  }
0x2f: {  	p0 =	sne.s32 s20, $0x4C0;
	s20 =	sadd.s32 $0x20, s20;
	_ =	swait.ge [sflag:s17], $0x80  }
0x30: {  	[sflag:s17] =	ssyncset.done $0x0  }
0x31: {  	[sflag:s17] =	ssyncadd.s32 $0xFFFFFF80  }
0x32: {  	[spmem:s1] =	stream.indirect.scatter.add.f32 [tilespmem:s15], [sflag:$0x3], $0x1, s3, s16, $0xb8;
	[tilespmem:$0x400] =	vst v63  }
0x33: {  	_ =	swait.ge [sflag:s14], $0x80  }
0x34: {  	[sflag:s14] =	ssyncset.done $0x0  }
0x35: {  	s22 =	sadd.s32 s21, s12;
	[sflag:s14] =	ssyncadd.s32 $0xFFFFFF80  }
0x36: {  	[tilespmem:s3], [sflag:$0x1] =	stream.linear.gather [hbm4b:s22+s3], $0x80, $0x38;
	[tilespmem:$0x400] =	vst v63  }
0x37: {  	_ =	swait.ge [sflag:s18], $0x80  }
0x38: {  	[sflag:s18] =	ssyncset.done $0x0  }
.Ltmp0:
0x39: {  	[sflag:s18] =	ssyncadd.s32 $0xFFFFFF80;
	(pc) =	sbr.rel @p0 .LBB2_2-.Ltmp0, $4  }
0x3a: {  	[spmem:s1] =	stream.indirect.scatter.add.f32 [tilespmem:s15], [sflag:$0x3], $0x1, s16, s16, $0xb8;
	[tilespmem:$0x400] =	vst v63  }
0x3b: {  	_ =	swait.ge [sflag:s14], $0x80  }
0x3c: {  	[sflag:s14] =	ssyncset.done $0x0  }
0x3d: {  	s21 =	sadd.s32 s21, s11;
	[sflag:s14] =	ssyncadd.s32 $0xFFFFFF80  }
0x3e: {  	[tilespmem:s16], [sflag:$0x2] =	stream.linear.gather [hbm4b:s21+s3], $0x80, $0x38;
	[tilespmem:$0x400] =	vst v63  }
0x3f: {  	_ =	swait.ge [sflag:s17], $0x80  }
0x40: {  	[sflag:s17] =	ssyncset.done $0x0  }
0x41: {  	[sflag:s17] =	ssyncadd.s32 $0xFFFFFF80  }
0x42: {  	[spmem:s1] =	stream.indirect.scatter.add.f32 [tilespmem:s15], [sflag:$0x3], $0x1, s3, s16, $0xb8;
	[tilespmem:$0x400] =	vst v63  }
0x43: {  	_ =	swait.ge [sflag:s14], $0x80  }
0x44: {  	[sflag:s14] =	ssyncset.done $0x0  }
0x45: {  	[sflag:s14] =	ssyncadd.s32 $0xFFFFFF80  }
0x46: {  	_ =	swait.ge [sflag:s18], $0x80  }
0x47: {  	[sflag:s18] =	ssyncset.done $0x0  }
0x48: {  	[sflag:s18] =	ssyncadd.s32 $0xFFFFFF80  }
0x49: {  	[spmem:s1] =	stream.indirect.scatter.add.f32 [tilespmem:s15], [sflag:$0x3], $0x1, s16, s16, $0xb8;
	[tilespmem:$0x400] =	vst v63  }
0x4a: {  	_ =	swait.ge [sflag:s14], $0x80  }
0x4b: {  	s19 =	sadd.s32 $0x1, s19;
	[sflag:s14] =	ssyncset.done $0x0  }
0x4c: {  	p0 =	sne.s32 s19, s9;
	[sflag:s14] =	ssyncadd.s32 $0xFFFFFF80  }
.Ltmp1:
0x4d: {  	[bflag:$0x0] =	sbarrier.arrive $0xFFFF;
	(pc) =	sbr.rel @p0 .LBB2_1-.Ltmp1, $4  }
0x4e: {  	[hbm:s10], [sflag:s6] =	dma.local [spmem:s13], $0x50  }
0x4f: {  	_ =	swait.ge [sflag:s14], $0x50  }
0x50: {  	[sflag:s14] =	ssyncset.done $0x0  }
0x51: {  	[sflag:s14] =	ssyncadd.s32 $0xFFFFFFB0  }
0x52: {  	_ =	sfence.sel $0x180000  }
0x53: {  	[bflag:$0x0] =	sbarrier.arrive $0xFFFF  }
0x54: {  	p0 =	sne.s32 s2, $0x0;
	_ =	strace $0x90000047  }
0x55: {  	s0 =	sadd.s32 @!p0 $0x100000, s0;
	[bflag:$0x2] =	sbarrier.arrive $0xFFFF  }
0x56: {  	[sflag:s0] =	ssyncadd.tile.s32 @!p0 $0x1;
	_ =	shalt  }
.Lfunc_end2:
_tile_overlayer_lowered:
.L_overlay_start_2:
0x57: {  	(tag) =	ssettag $0x2  }
0x58: {  	s0 =	rddreg [dreg:$0x0];
	s2 =	stileid.u32  }
0x59: {  	s1 =	rddreg [dreg:$0x1];
	p0 =	sne.s32 s2, $0x0  }
0x5a: {  	s3 =	rddreg [dreg:$0x2];
	[bflag:$0x3] =	sbarrier.arrive $0xFFFF;
	s2 =	simm.s32 @!p0 $0x1C03  }
0x5b: {  	[timem:s3], [sflag:s2] =	dma.local @!p0 [hbm:s0], s1  }
0x5c: {  	s0 =	simm.s32 @!p0 $0x3  }
0x5d: {  	_ =	swait.ge @!p0 [sflag:s0], s1  }
0x5e: {  	s1 =	ssub.s32 @!p0 $0x0, s1;
	[sflag:s0] =	ssyncset.done @!p0 $0x0  }
0x5f: {  	[sflag:s0] =	ssyncadd.s32 @!p0 s1  }
0x60: {  	[bflag:$0x3] =	sbarrier.arrive $0xFFFF  }
0x61: {  	_ =	shalt  }

</sc_bundles>
